<compile_context>
chip_gen: v7x
topology: tpu7x:2x2x1
jax: 0.10.2.dev20260603
libtpu: 0.0.44.dev20260713+nightly
codegen_flags: <defaults>
</compile_context>

<pallas_src>
import functools

import jax
import jax.numpy as jnp
from jax import lax
from jax.experimental import pallas as pl
from jax.experimental.pallas import tpu as pltpu
from jax.experimental.pallas import tpu_sc as plsc

N = 10000
E = 320000
DIM = 128
H = 16
F = 8

NC = 2
NS = 16
CHUNK = 40
PER_SUB = E // (NC * NS)
NCHUNK = PER_SUB // CHUNK
NPAIR = NCHUNK // 2 - 1
ZROWS = 40

_HIGH = lax.Precision.HIGHEST


def _dot(a, b):
    return lax.dot_general(a, b, (((1,), (0,)), ((), ())), precision=_HIGH,
                           preferred_element_type=jnp.float32)



def _tc_pre(x, gat_Wp, att_src_b, att_dst_b, S):
    BN = 1000

    def body(x_ref, w_ref, as_ref, ad_ref, s_ref, tg_ref, ts_ref, adst_ref):
        xb = x_ref[...]
        h_t = _dot(xb, w_ref[...])
        tg_ref[:, :DIM] = h_t
        tg_ref[:, DIM:] = _dot(h_t * as_ref[...], s_ref[...])
        adst_ref[...] = _dot(h_t * ad_ref[...], s_ref[...])
        ts_ref[:, :DIM] = xb
        ts_ref[:, DIM:] = jnp.ones((BN, H), jnp.float32)

    return pl.pallas_call(
        body,
        grid=(N // BN,),
        in_specs=[
            pl.BlockSpec((BN, DIM), lambda i: (i, 0)),
            pl.BlockSpec((DIM, DIM), lambda i: (0, 0)),
            pl.BlockSpec((1, DIM), lambda i: (0, 0)),
            pl.BlockSpec((1, DIM), lambda i: (0, 0)),
            pl.BlockSpec((DIM, H), lambda i: (0, 0)),
        ],
        out_specs=[
            pl.BlockSpec((BN, AW), lambda i: (i, 0)),
            pl.BlockSpec((BN, AW), lambda i: (i, 0)),
            pl.BlockSpec((BN, H), lambda i: (i, 0)),
        ],
        out_shape=[
            jax.ShapeDtypeStruct((N, AW), jnp.float32),
            jax.ShapeDtypeStruct((N, AW), jnp.float32),
            jax.ShapeDtypeStruct((N, H), jnp.float32),
        ],
    )(x, gat_Wp, att_src_b, att_dst_b, S)



AW = DIM + H


def _sc_gat(tG, a_dst, src3, dst3):
    mesh = plsc.VectorSubcoreMesh(core_axis_name="c", subcore_axis_name="s")

    @functools.partial(
        pl.kernel,
        mesh=mesh,
        out_type=jax.ShapeDtypeStruct((NC * N, AW), jnp.float32),
        compiler_params=pltpu.CompilerParams(use_tc_tiling_on_sc=False),
        scratch_types=[
            pltpu.VMEM((ZROWS, AW), jnp.float32),
            pltpu.VMEM((CHUNK, AW), jnp.float32),
            pltpu.VMEM((CHUNK, AW), jnp.float32),
            pltpu.VMEM((CHUNK, H), jnp.float32),
            pltpu.VMEM((CHUNK, H), jnp.float32),
            pltpu.VMEM((NCHUNK, CHUNK), jnp.int32),
            pltpu.VMEM((NCHUNK, CHUNK), jnp.int32),
            pltpu.VMEM_SHARED((N, AW), jnp.float32),
            pltpu.SemaphoreType.DMA,
            pltpu.SemaphoreType.DMA,
            pltpu.SemaphoreType.DMA,
            pltpu.SemaphoreType.DMA,
        ],
    )
    def k(tg_hbm, ad_hbm, si_hbm, di_hbm, out_hbm,
          zw, cbuf0, cbuf1, dbuf0, dbuf1,
          sidx, didx, acc, gsem0, gsem1, ssem0, ssem1):
        cid = lax.axis_index("c")
        sid = lax.axis_index("s")
        wid = cid * NS + sid

        @pl.loop(0, ZROWS)
        def _(r):
            @pl.loop(0, AW, step=16)
            def _(cc):
                zw[pl.ds(r, 1), pl.ds(cc, 16)] = jnp.zeros((1, 16), jnp.float32)

        pltpu.sync_copy(si_hbm.at[wid], sidx)
        pltpu.sync_copy(di_hbm.at[wid], didx)

        @pl.loop(sid * ZROWS, N, step=NS * ZROWS)
        def _(row):
            pltpu.sync_copy(zw, acc.at[pl.ds(row, ZROWS)])

        plsc.subcore_barrier()

        def wait_fused(sem):
            pltpu.make_async_copy(tg_hbm.at[pl.ds(0, CHUNK)], cbuf0, sem).wait()

        def wait_narrow(sem):
            pltpu.make_async_copy(ad_hbm.at[pl.ds(0, CHUNK)], dbuf0, sem).wait()

        def load(j, cb, db, sem):
            pltpu.async_copy(tg_hbm.at[sidx.at[j]], cb, sem)
            pltpu.async_copy(ad_hbm.at[didx.at[j]], db, sem)

        def wait_load(sem):
            wait_fused(sem)
            wait_narrow(sem)

        def compute(cb, db):
            @plsc.parallel_loop(0, CHUNK, unroll=2)
            def _(i):
                t = cb[pl.ds(i, 1), pl.ds(DIM, H)] + db[pl.ds(i, 1), :]
                ex = jnp.exp(jnp.maximum(t, t * 0.2))
                cb[pl.ds(i, 1), pl.ds(DIM, H)] = ex
                for f in range(F):
                    sl = (pl.ds(i, 1), pl.ds(16 * f, 16))
                    cb[sl] = cb[sl] * ex

        def scatter(j, cb, sem):
            pltpu.async_copy(cb, acc.at[didx.at[j]], sem, add=True)

        load(0, cbuf0, dbuf0, gsem0)

        @pl.loop(0, NPAIR)
        def _(kk):
            j = 2 * kk
            wait_load(gsem0)

            @pl.when(kk > 0)
            def _():
                wait_fused(ssem1)

            load(j + 1, cbuf1, dbuf1, gsem1)
            compute(cbuf0, dbuf0)
            scatter(j, cbuf0, ssem0)

            wait_load(gsem1)
            wait_fused(ssem0)
            load(j + 2, cbuf0, dbuf0, gsem0)
            compute(cbuf1, dbuf1)
            scatter(j + 1, cbuf1, ssem1)

        wait_load(gsem0)
        wait_fused(ssem1)
        load(NCHUNK - 1, cbuf1, dbuf1, gsem1)
        compute(cbuf0, dbuf0)
        scatter(NCHUNK - 2, cbuf0, ssem0)
        wait_load(gsem1)
        wait_fused(ssem0)
        compute(cbuf1, dbuf1)
        scatter(NCHUNK - 1, cbuf1, ssem1)
        wait_fused(ssem1)

        plsc.subcore_barrier()

        @pl.loop(sid * ZROWS, N, step=NS * ZROWS)
        def _(row):
            pltpu.sync_copy(acc.at[pl.ds(row, ZROWS)],
                            out_hbm.at[pl.ds(cid * N + row, ZROWS)])

    return k(tG, a_dst, src3, dst3)


def _sc_sage(tS, src3, dst3):
    mesh = plsc.VectorSubcoreMesh(core_axis_name="c", subcore_axis_name="s")

    @functools.partial(
        pl.kernel,
        mesh=mesh,
        out_type=jax.ShapeDtypeStruct((NC * N, AW), jnp.float32),
        compiler_params=pltpu.CompilerParams(use_tc_tiling_on_sc=False),
        scratch_types=[
            pltpu.VMEM((ZROWS, AW), jnp.float32),
            pltpu.VMEM((CHUNK, AW), jnp.float32),
            pltpu.VMEM((CHUNK, AW), jnp.float32),
            pltpu.VMEM((NCHUNK, CHUNK), jnp.int32),
            pltpu.VMEM((NCHUNK, CHUNK), jnp.int32),
            pltpu.VMEM_SHARED((N, AW), jnp.float32),
            pltpu.SemaphoreType.DMA,
            pltpu.SemaphoreType.DMA,
            pltpu.SemaphoreType.DMA,
            pltpu.SemaphoreType.DMA,
        ],
    )
    def k(ts_hbm, si_hbm, di_hbm, out_hbm,
          zw, cbuf0, cbuf1, sidx, didx, acc, gsem0, gsem1, ssem0, ssem1):
        cid = lax.axis_index("c")
        sid = lax.axis_index("s")
        wid = cid * NS + sid

        @pl.loop(0, ZROWS)
        def _(r):
            @pl.loop(0, AW, step=16)
            def _(cc):
                zw[pl.ds(r, 1), pl.ds(cc, 16)] = jnp.zeros((1, 16), jnp.float32)

        pltpu.sync_copy(si_hbm.at[wid], sidx)
        pltpu.sync_copy(di_hbm.at[wid], didx)

        @pl.loop(sid * ZROWS, N, step=NS * ZROWS)
        def _(row):
            pltpu.sync_copy(zw, acc.at[pl.ds(row, ZROWS)])

        plsc.subcore_barrier()

        def wait_fused(sem):
            pltpu.make_async_copy(ts_hbm.at[pl.ds(0, CHUNK)], cbuf0, sem).wait()

        pltpu.async_copy(ts_hbm.at[sidx.at[0]], cbuf0, gsem0)

        @pl.loop(0, NPAIR)
        def _(kk):
            j = 2 * kk
            wait_fused(gsem0)

            @pl.when(kk > 0)
            def _():
                wait_fused(ssem1)

            pltpu.async_copy(ts_hbm.at[sidx.at[j + 1]], cbuf1, gsem1)
            pltpu.async_copy(cbuf0, acc.at[didx.at[j]], ssem0, add=True)

            wait_fused(gsem1)
            wait_fused(ssem0)
            pltpu.async_copy(ts_hbm.at[sidx.at[j + 2]], cbuf0, gsem0)
            pltpu.async_copy(cbuf1, acc.at[didx.at[j + 1]], ssem1, add=True)

        wait_fused(gsem0)
        wait_fused(ssem1)
        pltpu.async_copy(ts_hbm.at[sidx.at[NCHUNK - 1]], cbuf1, gsem1)
        pltpu.async_copy(cbuf0, acc.at[didx.at[NCHUNK - 2]], ssem0, add=True)
        wait_fused(gsem1)
        wait_fused(ssem0)
        pltpu.async_copy(cbuf1, acc.at[didx.at[NCHUNK - 1]], ssem1, add=True)
        wait_fused(ssem1)

        plsc.subcore_barrier()

        @pl.loop(sid * ZROWS, N, step=NS * ZROWS)
        def _(row):
            pltpu.sync_copy(acc.at[pl.ds(row, ZROWS)],
                            out_hbm.at[pl.ds(cid * N + row, ZROWS)])

    return k(tS, src3, dst3)



def _tc_post(gf, sf, tG, a_dst, x, R,
             gat_bias_t, sage_Wl, sage_Wr, sage_bias, PWg, PWs, proj_b,
             ln_g, ln_b):
    BN = 1000
    NB = N // BN

    def body(g0_ref, g1_ref, s0_ref, s1_ref, tg_ref, ad_ref, x_ref,
             r_ref, gb_ref, wl_ref, wr_ref, sb_ref, pwg_ref, pws_ref, pb_ref,
             lg_ref, lb_ref, o_ref):
        t = tg_ref[:, DIM:] + ad_ref[...]
        ex_self = jnp.exp(jnp.maximum(t, t * 0.2))
        numer_tot = (g0_ref[:, :DIM] + g1_ref[:, :DIM]
                     + tg_ref[:, :DIM] * _dot(ex_self, r_ref[...]))
        den_tot = _dot(g0_ref[:, DIM:] + g1_ref[:, DIM:] + ex_self, r_ref[...])
        gat_t = numer_tot / den_tot + gb_ref[...]
        cntb = _dot(s0_ref[:, DIM:] + s1_ref[:, DIM:], r_ref[...])
        mean = (s0_ref[:, :DIM] + s1_ref[:, :DIM]) / jnp.maximum(cntb, 1.0)
        sage_out = _dot(mean, wl_ref[...]) + _dot(x_ref[...], wr_ref[...]) + sb_ref[...]
        y = _dot(gat_t, pwg_ref[...]) + _dot(sage_out, pws_ref[...]) + pb_ref[...] + x_ref[...]
        mu = jnp.mean(y, axis=1, keepdims=True)
        d = y - mu
        var = jnp.mean(d * d, axis=1, keepdims=True)
        o_ref[...] = d * jax.lax.rsqrt(var + 1e-5) * lg_ref[...] + lb_ref[...]

    row_spec = lambda w: pl.BlockSpec((BN, w), lambda i: (i, 0))
    off_spec = lambda w: pl.BlockSpec((BN, w), lambda i: (i + NB, 0))
    full_spec = lambda a, b: pl.BlockSpec((a, b), lambda i: (0, 0))

    return pl.pallas_call(
        body,
        grid=(NB,),
        in_specs=[
            row_spec(AW), off_spec(AW), row_spec(AW), off_spec(AW),
            row_spec(AW), row_spec(H), row_spec(DIM),
            full_spec(H, DIM),
            full_spec(1, DIM), full_spec(DIM, DIM), full_spec(DIM, DIM),
            full_spec(1, DIM), full_spec(DIM, DIM), full_spec(DIM, DIM),
            full_spec(1, DIM), full_spec(1, DIM), full_spec(1, DIM),
        ],
        out_specs=pl.BlockSpec((BN, DIM), lambda i: (i, 0)),
        out_shape=jax.ShapeDtypeStruct((N, DIM), jnp.float32),
    )(gf, gf, sf, sf, tG, a_dst, x, R,
      gat_bias_t, sage_Wl, sage_Wr, sage_bias, PWg, PWs, proj_b, ln_g, ln_b)



@jax.jit
def kernel(x, edge_index, gat_W, att_src, att_dst, gat_bias,
           sage_Wl, sage_Wr, sage_bias, proj_W, proj_b, ln_g, ln_b):
    idx_p = jnp.array([(p % H) * F + p // H for p in range(DIM)], jnp.int32)
    gat_Wp = gat_W[:, idx_p]
    att_src_b = att_src.T.reshape(1, DIM)
    att_dst_b = att_dst.T.reshape(1, DIM)
    S = jnp.tile(jnp.eye(H, dtype=jnp.float32), (F, 1))
    R = S.T
    gat_bias_t = gat_bias[idx_p].reshape(1, DIM)
    PWg = proj_W[:DIM][idx_p]
    PWs = proj_W[DIM:]

    tG, tS, a_dst = _tc_pre(x, gat_Wp, att_src_b, att_dst_b, S)

    src3 = edge_index[0].reshape(NC * NS, NCHUNK, CHUNK)
    dst3 = edge_index[1].reshape(NC * NS, NCHUNK, CHUNK)
    gf = _sc_gat(tG, a_dst, src3, dst3)
    sf = _sc_sage(tS, src3, dst3)

    return _tc_post(gf, sf, tG, a_dst, x, R,
                    gat_bias_t, sage_Wl, sage_Wr, sage_bias.reshape(1, DIM),
                    PWg, PWs, proj_b.reshape(1, DIM), ln_g.reshape(1, DIM),
                    ln_b.reshape(1, DIM))

# --- scband reference (transcript-rebuilt; emitter-appended) ---
"""Pipeline reference for scband-graph-layer-36232344109604 (READ-ONLY COPY).

The authoritative reference and input builder live on the scoring server;
editing this copy changes nothing except your own understanding.
"""

import jax, jax.numpy as jnp
import numpy as np

N = 10000
E = 320000
DIM = 128
H = 16
F = DIM // H


def setup_inputs(seed: int = 0) -> dict:
    key = jax.random.key(seed)
    ks = jax.random.split(key, 16)
    inp = {}
    inp["x"] = jax.random.normal(ks[0], (N, DIM), dtype=jnp.float32)
    inp["edge_index"] = jax.random.randint(ks[1], (2, E), 0, N, dtype=jnp.int32)
    # GATConv params: lin weight [DIM, H*F], att_src/att_dst [H, F], bias [DIM]
    inp["gat_W"] = jax.random.normal(ks[2], (DIM, H * F), dtype=jnp.float32) * 0.05
    inp["att_src"] = jax.random.normal(ks[3], (H, F), dtype=jnp.float32) * 0.05
    inp["att_dst"] = jax.random.normal(ks[4], (H, F), dtype=jnp.float32) * 0.05
    inp["gat_bias"] = jnp.zeros((DIM,), dtype=jnp.float32)
    # SAGEConv params: lin_l (neighbor aggr) and lin_r (root)
    inp["sage_Wl"] = jax.random.normal(ks[5], (DIM, DIM), dtype=jnp.float32) * 0.05
    inp["sage_Wr"] = jax.random.normal(ks[6], (DIM, DIM), dtype=jnp.float32) * 0.05
    inp["sage_bias"] = jnp.zeros((DIM,), dtype=jnp.float32)
    # proj: Linear(2*DIM -> DIM)
    inp["proj_W"] = jax.random.normal(ks[7], (2 * DIM, DIM), dtype=jnp.float32) * 0.05
    inp["proj_b"] = jnp.zeros((DIM,), dtype=jnp.float32)
    # LayerNorm
    inp["ln_g"] = jnp.ones((DIM,), dtype=jnp.float32)
    inp["ln_b"] = jnp.zeros((DIM,), dtype=jnp.float32)
    return inp


def reference(x, edge_index, gat_W, att_src, att_dst, gat_bias, sage_Wl, sage_Wr, sage_bias, proj_W, proj_b, ln_g, ln_b):
    n = x.shape[0]
    # ---- GATConv (PyG defaults: add_self_loops=True, concat=True, leaky_relu 0.2) ----
    loop = jnp.arange(n, dtype=edge_index.dtype)
    src = jnp.concatenate([edge_index[0], loop])
    dst = jnp.concatenate([edge_index[1], loop])
    h = (x @ gat_W).reshape(n, H, F)
    a_src = (h * att_src[None, :, :]).sum(-1)  # [N, H]
    a_dst = (h * att_dst[None, :, :]).sum(-1)  # [N, H]
    e = jax.nn.leaky_relu(a_src[src] + a_dst[dst], 0.2)  # [E', H]
    m = jax.ops.segment_max(e, dst, num_segments=n)
    m = jnp.where(jnp.isfinite(m), m, 0.0)
    ex = jnp.exp(e - m[dst])
    denom = jax.ops.segment_sum(ex, dst, num_segments=n)
    alpha = ex / (denom[dst] + 1e-16)  # softmax over incoming edges per dst
    msg = alpha[:, :, None] * h[src]
    gat_out = jax.ops.segment_sum(msg, dst, num_segments=n).reshape(n, H * F) + gat_bias
    # ---- SAGEConv (mean aggregation, root weight, no self loops) ----
    s = edge_index[0]
    d = edge_index[1]
    agg = jax.ops.segment_sum(x[s], d, num_segments=n)
    cnt = jax.ops.segment_sum(jnp.ones((s.shape[0],), x.dtype), d, num_segments=n)
    mean = agg / jnp.maximum(cnt, 1.0)[:, None]
    sage_out = mean @ sage_Wl + x @ sage_Wr + sage_bias
    # ---- combine ----
    concat = jnp.concatenate([gat_out, sage_out], axis=-1)
    out = concat @ proj_W + proj_b
    # dropout p=0.0 (eval) -> identity
    y = out + x
    mu = y.mean(-1, keepdims=True)
    var = y.var(-1, keepdims=True)
    return (y - mu) / jnp.sqrt(var + 1e-5) * ln_g + ln_b

if __name__ == "__main__":
    import jax
    _d = setup_inputs()
    print(jax.jit(kernel)(*tuple(_d.values())))

</pallas_src>

<mosaic_0001>
#map = affine_map<(d0, d1) -> (0, 0)>
#map1 = affine_map<(d0, d1) -> (0, 0, 0)>
module attributes {stable_mosaic.version = 14 : i64} {
  func.func @k(%arg0: i32, %arg1: i32, %arg2: memref<10000x144xf32, #tpu.memory_space<hbm>>, %arg3: memref<32x250x40xi32, #tpu.memory_space<hbm>>, %arg4: memref<32x250x40xi32, #tpu.memory_space<hbm>>, %arg5: memref<20000x144xf32, #tpu.memory_space<hbm>>, %arg6: memref<40x144xf32, #tpu.memory_space<vmem>>, %arg7: memref<40x144xf32, #tpu.memory_space<vmem>>, %arg8: memref<40x144xf32, #tpu.memory_space<vmem>>, %arg9: memref<250x40xi32, #tpu.memory_space<vmem>>, %arg10: memref<250x40xi32, #tpu.memory_space<vmem>>, %arg11: memref<10000x144xf32, #tpu.memory_space<vmem_shared>>, %arg12: memref<!tpu.dma_semaphore, #tpu.memory_space<semaphore_mem>>, %arg13: memref<!tpu.dma_semaphore, #tpu.memory_space<semaphore_mem>>, %arg14: memref<!tpu.dma_semaphore, #tpu.memory_space<semaphore_mem>>, %arg15: memref<!tpu.dma_semaphore, #tpu.memory_space<semaphore_mem>>) attributes {dimension_semantics = [#tpu.dimension_semantics<core_parallel>, #tpu.dimension_semantics<subcore_parallel>], iteration_bounds = array<i64: 2, 16>, scalar_prefetch = 0 : i64, scratch_operands = 10 : i64, tpu.core_type = #tpu.core_type<sc_vector_subcore>, window_params = [{transform_indices = #map}, {transform_indices = #map1}, {transform_indices = #map1}, {transform_indices = #map}]} {
    %mul3A = arith.constant 16 : i32
    %mul3A_0 = arith.muli %arg0, %mul3A : i32
    %add3A = arith.addi %mul3A_0, %arg1 : i32
    %scan3A = arith.constant 0 : i32
    %scan3A_1 = arith.constant 40 : i32
    %scan3A_2 = arith.addi %scan3A, %scan3A_1 : i32
    %scan3A_3 = arith.constant 1 : i32
    scf.for %scan3A_104 = %scan3A to %scan3A_2 step %scan3A_3  : i32 {
      %mul3A_105 = arith.constant 1 : i32
      %mul3A_106 = arith.muli %scan3A_104, %mul3A_105 : i32
      %add3A_107 = arith.constant 0 : i32
      %add3A_108 = arith.addi %add3A_107, %mul3A_106 : i32
      %scan3A_109 = arith.constant 0 : i32
      %scan3A_110 = arith.constant 9 : i32
      %scan3A_111 = arith.addi %scan3A_109, %scan3A_110 : i32
      %scan3A_112 = arith.constant 1 : i32
      scf.for %scan3A_114 = %scan3A_109 to %scan3A_111 step %scan3A_112  : i32 {
        %mul3A_115 = arith.constant 16 : i32
        %mul3A_116 = arith.muli %scan3A_114, %mul3A_115 : i32
        %add3A_117 = arith.constant 0 : i32
        %add3A_118 = arith.addi %add3A_117, %mul3A_116 : i32
        %broadcast_in_dim3A = arith.constant 0.000000e+00 : f32
        %broadcast_in_dim3A_119 = vector.broadcast %broadcast_in_dim3A : f32 to vector<1x16xf32>
        %swap3A = arith.index_cast %add3A_108 : i32 to index
        %swap3A_120 = arith.index_cast %add3A_118 : i32 to index
        %swap3A_121 = tpu.vector_load %arg6[%swap3A, %swap3A_120] {strides = array<i32>} : memref<40x144xf32, #tpu.memory_space<vmem>>, vector<1x16xf32>,
        %swap3A_122 = vector.shape_cast %swap3A_121 : vector<1x16xf32> to vector<1x16xf32>
        %swap3A_123 = vector.shape_cast %broadcast_in_dim3A_119 : vector<1x16xf32> to vector<1x16xf32>
        tpu.vector_store %arg6[%swap3A, %swap3A_120], %swap3A_123 {strides = array<i32>} : memref<40x144xf32, #tpu.memory_space<vmem>>, vector<1x16xf32>,
      }
      %scan3A_113 = arith.constant 9 : i32
    }
    %scan3A_4 = arith.constant 40 : i32
    "tpu.region"() ({
      %run_scoped3A = tpu.sem_alloc : memref<!tpu.dma_semaphore, #tpu.memory_space<semaphore_mem>>
      %dma_start3A_104 = arith.constant 0 : i32
      %dma_start3A_105 = arith.constant 0 : i32
      %dma_start3A_106 = tpu.memref_slice %arg3[%add3A, %dma_start3A_104, %dma_start3A_105] : memref<32x250x40xi32, #tpu.memory_space<hbm>> -> memref<1x250x40xi32, #tpu.memory_space<hbm>>
      %dma_start3A_107 = tpu.memref_squeeze %dma_start3A_106 : memref<1x250x40xi32, #tpu.memory_space<hbm>> -> memref<250x40xi32, #tpu.memory_space<hbm>>
      %dma_start3A_108 = arith.constant 0 : i32
      %dma_start3A_109 = arith.constant 0 : i32
      %dma_start3A_110 = tpu.memref_slice %arg3[%add3A, %dma_start3A_108, %dma_start3A_109] : memref<32x250x40xi32, #tpu.memory_space<hbm>> -> memref<1x250x40xi32, #tpu.memory_space<hbm>>
      %dma_start3A_111 = tpu.memref_squeeze %dma_start3A_110 : memref<1x250x40xi32, #tpu.memory_space<hbm>> -> memref<250x40xi32, #tpu.memory_space<hbm>>
      tpu.enqueue_dma source(%dma_start3A_111 : memref<250x40xi32, #tpu.memory_space<hbm>>) target(%arg9 : memref<250x40xi32, #tpu.memory_space<vmem>>) target_semaphore(%run_scoped3A : memref<!tpu.dma_semaphore, #tpu.memory_space<semaphore_mem>>)
      %dma_wait3A_112 = arith.constant 0 : i32
      %dma_wait3A_113 = arith.constant 0 : i32
      %dma_wait3A_114 = tpu.memref_slice %arg3[%add3A, %dma_wait3A_112, %dma_wait3A_113] : memref<32x250x40xi32, #tpu.memory_space<hbm>> -> memref<1x250x40xi32, #tpu.memory_space<hbm>>
      %dma_wait3A_115 = tpu.memref_squeeze %dma_wait3A_114 : memref<1x250x40xi32, #tpu.memory_space<hbm>> -> memref<250x40xi32, #tpu.memory_space<hbm>>
      %dma_wait3A_116 = arith.constant 0 : i32
      %dma_wait3A_117 = arith.constant 0 : i32
      %dma_wait3A_118 = tpu.memref_slice %arg3[%add3A, %dma_wait3A_116, %dma_wait3A_117] : memref<32x250x40xi32, #tpu.memory_space<hbm>> -> memref<1x250x40xi32, #tpu.memory_space<hbm>>
      %dma_wait3A_119 = tpu.memref_squeeze %dma_wait3A_118 : memref<1x250x40xi32, #tpu.memory_space<hbm>> -> memref<250x40xi32, #tpu.memory_space<hbm>>
      tpu.wait_dma2 semaphore(%run_scoped3A : memref<!tpu.dma_semaphore, #tpu.memory_space<semaphore_mem>>) src(%dma_wait3A_119 : memref<250x40xi32, #tpu.memory_space<hbm>>) dst(%arg9 : memref<250x40xi32, #tpu.memory_space<vmem>>)
      tpu.yield
    }) : () -> ()
    "tpu.region"() ({
      %run_scoped3A = tpu.sem_alloc : memref<!tpu.dma_semaphore, #tpu.memory_space<semaphore_mem>>
      %dma_start3A_104 = arith.constant 0 : i32
      %dma_start3A_105 = arith.constant 0 : i32
      %dma_start3A_106 = tpu.memref_slice %arg4[%add3A, %dma_start3A_104, %dma_start3A_105] : memref<32x250x40xi32, #tpu.memory_space<hbm>> -> memref<1x250x40xi32, #tpu.memory_space<hbm>>
      %dma_start3A_107 = tpu.memref_squeeze %dma_start3A_106 : memref<1x250x40xi32, #tpu.memory_space<hbm>> -> memref<250x40xi32, #tpu.memory_space<hbm>>
      %dma_start3A_108 = arith.constant 0 : i32
      %dma_start3A_109 = arith.constant 0 : i32
      %dma_start3A_110 = tpu.memref_slice %arg4[%add3A, %dma_start3A_108, %dma_start3A_109] : memref<32x250x40xi32, #tpu.memory_space<hbm>> -> memref<1x250x40xi32, #tpu.memory_space<hbm>>
      %dma_start3A_111 = tpu.memref_squeeze %dma_start3A_110 : memref<1x250x40xi32, #tpu.memory_space<hbm>> -> memref<250x40xi32, #tpu.memory_space<hbm>>
      tpu.enqueue_dma source(%dma_start3A_111 : memref<250x40xi32, #tpu.memory_space<hbm>>) target(%arg10 : memref<250x40xi32, #tpu.memory_space<vmem>>) target_semaphore(%run_scoped3A : memref<!tpu.dma_semaphore, #tpu.memory_space<semaphore_mem>>)
      %dma_wait3A_112 = arith.constant 0 : i32
      %dma_wait3A_113 = arith.constant 0 : i32
      %dma_wait3A_114 = tpu.memref_slice %arg4[%add3A, %dma_wait3A_112, %dma_wait3A_113] : memref<32x250x40xi32, #tpu.memory_space<hbm>> -> memref<1x250x40xi32, #tpu.memory_space<hbm>>
      %dma_wait3A_115 = tpu.memref_squeeze %dma_wait3A_114 : memref<1x250x40xi32, #tpu.memory_space<hbm>> -> memref<250x40xi32, #tpu.memory_space<hbm>>
      %dma_wait3A_116 = arith.constant 0 : i32
      %dma_wait3A_117 = arith.constant 0 : i32
      %dma_wait3A_118 = tpu.memref_slice %arg4[%add3A, %dma_wait3A_116, %dma_wait3A_117] : memref<32x250x40xi32, #tpu.memory_space<hbm>> -> memref<1x250x40xi32, #tpu.memory_space<hbm>>
      %dma_wait3A_119 = tpu.memref_squeeze %dma_wait3A_118 : memref<1x250x40xi32, #tpu.memory_space<hbm>> -> memref<250x40xi32, #tpu.memory_space<hbm>>
      tpu.wait_dma2 semaphore(%run_scoped3A : memref<!tpu.dma_semaphore, #tpu.memory_space<semaphore_mem>>) src(%dma_wait3A_119 : memref<250x40xi32, #tpu.memory_space<hbm>>) dst(%arg10 : memref<250x40xi32, #tpu.memory_space<vmem>>)
      tpu.yield
    }) : () -> ()
    %mul3A_5 = arith.constant 40 : i32
    %mul3A_6 = arith.muli %arg1, %mul3A_5 : i32
    %sub3A = arith.constant 10000 : i32
    %sub3A_7 = arith.subi %sub3A, %mul3A_6 : i32
    %sub3A_8 = arith.constant 640 : i32
    %sub3A_9 = arith.constant 1 : i32
    %sub3A_10 = arith.subi %sub3A_8, %sub3A_9 : i32
    %add3A_11 = arith.addi %sub3A_7, %sub3A_10 : i32
    %div3A = arith.constant 640 : i32
    %div3A_12 = arith.divsi %add3A_11, %div3A : i32
    %while3A = arith.constant 640 : i32
    %while3A_13 = arith.constant 0 : i32
    %while3A_14 = arith.subi %div3A_12, %while3A_13 : i32
    %while3A_15 = arith.addi %while3A_13, %while3A_14 : i32
    %while3A_16 = arith.constant 1 : i32
    %while3A_17 = arith.divsi %while3A_14, %while3A_16 : i32
    %while3A_18 = arith.muli %while3A_17, %while3A_16 : i32
    %while3A_19 = arith.addi %while3A_13, %while3A_18 : i32
    %while3A_20 = arith.constant 1 : i32
    scf.for %while3A_104 = %while3A_13 to %while3A_19 step %while3A_20  : i32 {
      %mul3A_105 = arith.muli %while3A_104, %while3A : i32
      %add3A_106 = arith.addi %mul3A_6, %mul3A_105 : i32
      "tpu.region"() ({
        %run_scoped3A = tpu.sem_alloc : memref<!tpu.dma_semaphore, #tpu.memory_space<semaphore_mem>>
        %dma_start3A_107 = arith.constant 0 : i32
        %dma_start3A_108 = tpu.memref_slice %arg11[%add3A_106, %dma_start3A_107] : memref<10000x144xf32, #tpu.memory_space<vmem_shared>> -> memref<40x144xf32, #tpu.memory_space<vmem_shared>>
        %dma_start3A_109 = arith.constant 0 : i32
        %dma_start3A_110 = tpu.memref_slice %arg11[%add3A_106, %dma_start3A_109] : memref<10000x144xf32, #tpu.memory_space<vmem_shared>> -> memref<40x144xf32, #tpu.memory_space<vmem_shared>>
        tpu.enqueue_dma source(%arg6 : memref<40x144xf32, #tpu.memory_space<vmem>>) target(%dma_start3A_110 : memref<40x144xf32, #tpu.memory_space<vmem_shared>>) target_semaphore(%run_scoped3A : memref<!tpu.dma_semaphore, #tpu.memory_space<semaphore_mem>>)
        %dma_wait3A_111 = arith.constant 0 : i32
        %dma_wait3A_112 = tpu.memref_slice %arg11[%add3A_106, %dma_wait3A_111] : memref<10000x144xf32, #tpu.memory_space<vmem_shared>> -> memref<40x144xf32, #tpu.memory_space<vmem_shared>>
        %dma_wait3A_113 = arith.constant 0 : i32
        %dma_wait3A_114 = tpu.memref_slice %arg11[%add3A_106, %dma_wait3A_113] : memref<10000x144xf32, #tpu.memory_space<vmem_shared>> -> memref<40x144xf32, #tpu.memory_space<vmem_shared>>
        tpu.wait_dma2 semaphore(%run_scoped3A : memref<!tpu.dma_semaphore, #tpu.memory_space<semaphore_mem>>) src(%arg6 : memref<40x144xf32, #tpu.memory_space<vmem>>) dst(%dma_wait3A_114 : memref<40x144xf32, #tpu.memory_space<vmem_shared>>)
        tpu.yield
      }) : () -> ()
    }
    %while3A_21 = arith.constant 1 : i32
    scf.for %while3A_104 = %while3A_19 to %while3A_15 step %while3A_21  : i32 {
      %mul3A_105 = arith.muli %while3A_104, %while3A : i32
      %add3A_106 = arith.addi %mul3A_6, %mul3A_105 : i32
      "tpu.region"() ({
        %run_scoped3A = tpu.sem_alloc : memref<!tpu.dma_semaphore, #tpu.memory_space<semaphore_mem>>
        %dma_start3A_107 = arith.constant 0 : i32
        %dma_start3A_108 = tpu.memref_slice %arg11[%add3A_106, %dma_start3A_107] : memref<10000x144xf32, #tpu.memory_space<vmem_shared>> -> memref<40x144xf32, #tpu.memory_space<vmem_shared>>
        %dma_start3A_109 = arith.constant 0 : i32
        %dma_start3A_110 = tpu.memref_slice %arg11[%add3A_106, %dma_start3A_109] : memref<10000x144xf32, #tpu.memory_space<vmem_shared>> -> memref<40x144xf32, #tpu.memory_space<vmem_shared>>
        tpu.enqueue_dma source(%arg6 : memref<40x144xf32, #tpu.memory_space<vmem>>) target(%dma_start3A_110 : memref<40x144xf32, #tpu.memory_space<vmem_shared>>) target_semaphore(%run_scoped3A : memref<!tpu.dma_semaphore, #tpu.memory_space<semaphore_mem>>)
        %dma_wait3A_111 = arith.constant 0 : i32
        %dma_wait3A_112 = tpu.memref_slice %arg11[%add3A_106, %dma_wait3A_111] : memref<10000x144xf32, #tpu.memory_space<vmem_shared>> -> memref<40x144xf32, #tpu.memory_space<vmem_shared>>
        %dma_wait3A_113 = arith.constant 0 : i32
        %dma_wait3A_114 = tpu.memref_slice %arg11[%add3A_106, %dma_wait3A_113] : memref<10000x144xf32, #tpu.memory_space<vmem_shared>> -> memref<40x144xf32, #tpu.memory_space<vmem_shared>>
        tpu.wait_dma2 semaphore(%run_scoped3A : memref<!tpu.dma_semaphore, #tpu.memory_space<semaphore_mem>>) src(%arg6 : memref<40x144xf32, #tpu.memory_space<vmem>>) dst(%dma_wait3A_114 : memref<40x144xf32, #tpu.memory_space<vmem_shared>>)
        tpu.yield
      }) : () -> ()
    }
    %barrier3A = arith.constant 0 : index
    tpu.barrier barrier_id(%barrier3A)
    %dma_start3A = arith.constant 0 : i32
    %dma_start3A_22 = arith.constant 0 : i32
    %dma_start3A_23 = tpu.memref_slice %arg9[%dma_start3A, %dma_start3A_22] : memref<250x40xi32, #tpu.memory_space<vmem>> -> memref<1x40xi32, #tpu.memory_space<vmem>>
    %dma_start3A_24 = tpu.memref_squeeze %dma_start3A_23 : memref<1x40xi32, #tpu.memory_space<vmem>> -> memref<40xi32, #tpu.memory_space<vmem>>
    %dma_start3A_25 = arith.constant 0 : i32
    %dma_start3A_26 = arith.constant 0 : i32
    %dma_start3A_27 = tpu.memref_slice %arg2[%dma_start3A_25, %dma_start3A_26] : memref<10000x144xf32, #tpu.memory_space<hbm>> -> memref<10000x144xf32, #tpu.memory_space<hbm>>
    tpu.enqueue_indirect_dma source(%dma_start3A_27 : memref<10000x144xf32, #tpu.memory_space<hbm>>) target(%arg7 : memref<40x144xf32, #tpu.memory_space<vmem>>) offsets(%dma_start3A_24 : memref<40xi32, #tpu.memory_space<vmem>>) semaphore(%arg12 : memref<!tpu.dma_semaphore, #tpu.memory_space<semaphore_mem>>)
    %scan3A_28 = arith.constant 0 : i32
    %scan3A_29 = arith.constant 124 : i32
    %scan3A_30 = arith.addi %scan3A_28, %scan3A_29 : i32
    %scan3A_31 = arith.constant 1 : i32
    scf.for %scan3A_104 = %scan3A_28 to %scan3A_30 step %scan3A_31  : i32 {
      %mul3A_105 = arith.constant 1 : i32
      %mul3A_106 = arith.muli %scan3A_104, %mul3A_105 : i32
      %add3A_107 = arith.constant 0 : i32
      %add3A_108 = arith.addi %add3A_107, %mul3A_106 : i32
      %mul3A_109 = arith.constant 2 : i32
      %mul3A_110 = arith.muli %mul3A_109, %add3A_108 : i32
      %dma_wait3A_111 = arith.constant 0 : i32
      %dma_wait3A_112 = arith.constant 0 : i32
      %dma_wait3A_113 = tpu.memref_slice %arg2[%dma_wait3A_111, %dma_wait3A_112] : memref<10000x144xf32, #tpu.memory_space<hbm>> -> memref<40x144xf32, #tpu.memory_space<hbm>>
      %dma_wait3A_114 = arith.constant 0 : i32
      %dma_wait3A_115 = arith.constant 0 : i32
      %dma_wait3A_116 = tpu.memref_slice %arg2[%dma_wait3A_114, %dma_wait3A_115] : memref<10000x144xf32, #tpu.memory_space<hbm>> -> memref<40x144xf32, #tpu.memory_space<hbm>>
      tpu.wait_dma2 semaphore(%arg12 : memref<!tpu.dma_semaphore, #tpu.memory_space<semaphore_mem>>) src(%dma_wait3A_116 : memref<40x144xf32, #tpu.memory_space<hbm>>) dst(%arg7 : memref<40x144xf32, #tpu.memory_space<vmem>>)
      %gt3A = arith.constant 0 : i32
      %gt3A_117 = arith.cmpi sgt, %add3A_108, %gt3A : i32
      %convert_element_type3A = arith.extui %gt3A_117 : i1 to i32
      %cond3A = arith.constant 0 : i32
      %cond3A_118 = arith.cmpi ne, %convert_element_type3A, %cond3A : i32
      scf.if %cond3A_118 {
        %dma_wait3A_161 = arith.constant 0 : i32
        %dma_wait3A_162 = arith.constant 0 : i32
        %dma_wait3A_163 = tpu.memref_slice %arg2[%dma_wait3A_161, %dma_wait3A_162] : memref<10000x144xf32, #tpu.memory_space<hbm>> -> memref<40x144xf32, #tpu.memory_space<hbm>>
        %dma_wait3A_164 = arith.constant 0 : i32
        %dma_wait3A_165 = arith.constant 0 : i32
        %dma_wait3A_166 = tpu.memref_slice %arg2[%dma_wait3A_164, %dma_wait3A_165] : memref<10000x144xf32, #tpu.memory_space<hbm>> -> memref<40x144xf32, #tpu.memory_space<hbm>>
        tpu.wait_dma2 semaphore(%arg15 : memref<!tpu.dma_semaphore, #tpu.memory_space<semaphore_mem>>) src(%dma_wait3A_166 : memref<40x144xf32, #tpu.memory_space<hbm>>) dst(%arg7 : memref<40x144xf32, #tpu.memory_space<vmem>>)
      } else {
      }
      %add3A_119 = arith.constant 1 : i32
      %add3A_120 = arith.addi %mul3A_110, %add3A_119 : i32
      %dma_start3A_121 = arith.constant 0 : i32
      %dma_start3A_122 = tpu.memref_slice %arg9[%add3A_120, %dma_start3A_121] : memref<250x40xi32, #tpu.memory_space<vmem>> -> memref<1x40xi32, #tpu.memory_space<vmem>>
      %dma_start3A_123 = tpu.memref_squeeze %dma_start3A_122 : memref<1x40xi32, #tpu.memory_space<vmem>> -> memref<40xi32, #tpu.memory_space<vmem>>
      %dma_start3A_124 = arith.constant 0 : i32
      %dma_start3A_125 = arith.constant 0 : i32
      %dma_start3A_126 = tpu.memref_slice %arg2[%dma_start3A_124, %dma_start3A_125] : memref<10000x144xf32, #tpu.memory_space<hbm>> -> memref<10000x144xf32, #tpu.memory_space<hbm>>
      tpu.enqueue_indirect_dma source(%dma_start3A_126 : memref<10000x144xf32, #tpu.memory_space<hbm>>) target(%arg8 : memref<40x144xf32, #tpu.memory_space<vmem>>) offsets(%dma_start3A_123 : memref<40xi32, #tpu.memory_space<vmem>>) semaphore(%arg13 : memref<!tpu.dma_semaphore, #tpu.memory_space<semaphore_mem>>)
      %dma_start3A_127 = arith.constant 0 : i32
      %dma_start3A_128 = tpu.memref_slice %arg10[%mul3A_110, %dma_start3A_127] : memref<250x40xi32, #tpu.memory_space<vmem>> -> memref<1x40xi32, #tpu.memory_space<vmem>>
      %dma_start3A_129 = tpu.memref_squeeze %dma_start3A_128 : memref<1x40xi32, #tpu.memory_space<vmem>> -> memref<40xi32, #tpu.memory_space<vmem>>
      %dma_start3A_130 = arith.constant 0 : i32
      %dma_start3A_131 = arith.constant 0 : i32
      %dma_start3A_132 = tpu.memref_slice %arg11[%dma_start3A_130, %dma_start3A_131] : memref<10000x144xf32, #tpu.memory_space<vmem_shared>> -> memref<10000x144xf32, #tpu.memory_space<vmem_shared>>
      tpu.enqueue_indirect_dma source(%arg7 : memref<40x144xf32, #tpu.memory_space<vmem>>) target(%dma_start3A_132 : memref<10000x144xf32, #tpu.memory_space<vmem_shared>>) offsets(%dma_start3A_129 : memref<40xi32, #tpu.memory_space<vmem>>) semaphore(%arg14 : memref<!tpu.dma_semaphore, #tpu.memory_space<semaphore_mem>>) {add = true}
      %dma_wait3A_133 = arith.constant 0 : i32
      %dma_wait3A_134 = arith.constant 0 : i32
      %dma_wait3A_135 = tpu.memref_slice %arg2[%dma_wait3A_133, %dma_wait3A_134] : memref<10000x144xf32, #tpu.memory_space<hbm>> -> memref<40x144xf32, #tpu.memory_space<hbm>>
      %dma_wait3A_136 = arith.constant 0 : i32
      %dma_wait3A_137 = arith.constant 0 : i32
      %dma_wait3A_138 = tpu.memref_slice %arg2[%dma_wait3A_136, %dma_wait3A_137] : memref<10000x144xf32, #tpu.memory_space<hbm>> -> memref<40x144xf32, #tpu.memory_space<hbm>>
      tpu.wait_dma2 semaphore(%arg13 : memref<!tpu.dma_semaphore, #tpu.memory_space<semaphore_mem>>) src(%dma_wait3A_138 : memref<40x144xf32, #tpu.memory_space<hbm>>) dst(%arg7 : memref<40x144xf32, #tpu.memory_space<vmem>>)
      %dma_wait3A_139 = arith.constant 0 : i32
      %dma_wait3A_140 = arith.constant 0 : i32
      %dma_wait3A_141 = tpu.memref_slice %arg2[%dma_wait3A_139, %dma_wait3A_140] : memref<10000x144xf32, #tpu.memory_space<hbm>> -> memref<40x144xf32, #tpu.memory_space<hbm>>
      %dma_wait3A_142 = arith.constant 0 : i32
      %dma_wait3A_143 = arith.constant 0 : i32
      %dma_wait3A_144 = tpu.memref_slice %arg2[%dma_wait3A_142, %dma_wait3A_143] : memref<10000x144xf32, #tpu.memory_space<hbm>> -> memref<40x144xf32, #tpu.memory_space<hbm>>
      tpu.wait_dma2 semaphore(%arg14 : memref<!tpu.dma_semaphore, #tpu.memory_space<semaphore_mem>>) src(%dma_wait3A_144 : memref<40x144xf32, #tpu.memory_space<hbm>>) dst(%arg7 : memref<40x144xf32, #tpu.memory_space<vmem>>)
      %add3A_145 = arith.constant 2 : i32
      %add3A_146 = arith.addi %mul3A_110, %add3A_145 : i32
      %dma_start3A_147 = arith.constant 0 : i32
      %dma_start3A_148 = tpu.memref_slice %arg9[%add3A_146, %dma_start3A_147] : memref<250x40xi32, #tpu.memory_space<vmem>> -> memref<1x40xi32, #tpu.memory_space<vmem>>
      %dma_start3A_149 = tpu.memref_squeeze %dma_start3A_148 : memref<1x40xi32, #tpu.memory_space<vmem>> -> memref<40xi32, #tpu.memory_space<vmem>>
      %dma_start3A_150 = arith.constant 0 : i32
      %dma_start3A_151 = arith.constant 0 : i32
      %dma_start3A_152 = tpu.memref_slice %arg2[%dma_start3A_150, %dma_start3A_151] : memref<10000x144xf32, #tpu.memory_space<hbm>> -> memref<10000x144xf32, #tpu.memory_space<hbm>>
      tpu.enqueue_indirect_dma source(%dma_start3A_152 : memref<10000x144xf32, #tpu.memory_space<hbm>>) target(%arg7 : memref<40x144xf32, #tpu.memory_space<vmem>>) offsets(%dma_start3A_149 : memref<40xi32, #tpu.memory_space<vmem>>) semaphore(%arg12 : memref<!tpu.dma_semaphore, #tpu.memory_space<semaphore_mem>>)
      %add3A_153 = arith.constant 1 : i32
      %add3A_154 = arith.addi %mul3A_110, %add3A_153 : i32
      %dma_start3A_155 = arith.constant 0 : i32
      %dma_start3A_156 = tpu.memref_slice %arg10[%add3A_154, %dma_start3A_155] : memref<250x40xi32, #tpu.memory_space<vmem>> -> memref<1x40xi32, #tpu.memory_space<vmem>>
      %dma_start3A_157 = tpu.memref_squeeze %dma_start3A_156 : memref<1x40xi32, #tpu.memory_space<vmem>> -> memref<40xi32, #tpu.memory_space<vmem>>
      %dma_start3A_158 = arith.constant 0 : i32
      %dma_start3A_159 = arith.constant 0 : i32
      %dma_start3A_160 = tpu.memref_slice %arg11[%dma_start3A_158, %dma_start3A_159] : memref<10000x144xf32, #tpu.memory_space<vmem_shared>> -> memref<10000x144xf32, #tpu.memory_space<vmem_shared>>
      tpu.enqueue_indirect_dma source(%arg8 : memref<40x144xf32, #tpu.memory_space<vmem>>) target(%dma_start3A_160 : memref<10000x144xf32, #tpu.memory_space<vmem_shared>>) offsets(%dma_start3A_157 : memref<40xi32, #tpu.memory_space<vmem>>) semaphore(%arg15 : memref<!tpu.dma_semaphore, #tpu.memory_space<semaphore_mem>>) {add = true}
    }
    %scan3A_32 = arith.constant 124 : i32
    %dma_wait3A = arith.constant 0 : i32
    %dma_wait3A_33 = arith.constant 0 : i32
    %dma_wait3A_34 = tpu.memref_slice %arg2[%dma_wait3A, %dma_wait3A_33] : memref<10000x144xf32, #tpu.memory_space<hbm>> -> memref<40x144xf32, #tpu.memory_space<hbm>>
    %dma_wait3A_35 = arith.constant 0 : i32
    %dma_wait3A_36 = arith.constant 0 : i32
    %dma_wait3A_37 = tpu.memref_slice %arg2[%dma_wait3A_35, %dma_wait3A_36] : memref<10000x144xf32, #tpu.memory_space<hbm>> -> memref<40x144xf32, #tpu.memory_space<hbm>>
    tpu.wait_dma2 semaphore(%arg12 : memref<!tpu.dma_semaphore, #tpu.memory_space<semaphore_mem>>) src(%dma_wait3A_37 : memref<40x144xf32, #tpu.memory_space<hbm>>) dst(%arg7 : memref<40x144xf32, #tpu.memory_space<vmem>>)
    %dma_wait3A_38 = arith.constant 0 : i32
    %dma_wait3A_39 = arith.constant 0 : i32
    %dma_wait3A_40 = tpu.memref_slice %arg2[%dma_wait3A_38, %dma_wait3A_39] : memref<10000x144xf32, #tpu.memory_space<hbm>> -> memref<40x144xf32, #tpu.memory_space<hbm>>
    %dma_wait3A_41 = arith.constant 0 : i32
    %dma_wait3A_42 = arith.constant 0 : i32
    %dma_wait3A_43 = tpu.memref_slice %arg2[%dma_wait3A_41, %dma_wait3A_42] : memref<10000x144xf32, #tpu.memory_space<hbm>> -> memref<40x144xf32, #tpu.memory_space<hbm>>
    tpu.wait_dma2 semaphore(%arg15 : memref<!tpu.dma_semaphore, #tpu.memory_space<semaphore_mem>>) src(%dma_wait3A_43 : memref<40x144xf32, #tpu.memory_space<hbm>>) dst(%arg7 : memref<40x144xf32, #tpu.memory_space<vmem>>)
    %dma_start3A_44 = arith.constant 249 : i32
    %dma_start3A_45 = arith.constant 0 : i32
    %dma_start3A_46 = tpu.memref_slice %arg9[%dma_start3A_44, %dma_start3A_45] : memref<250x40xi32, #tpu.memory_space<vmem>> -> memref<1x40xi32, #tpu.memory_space<vmem>>
    %dma_start3A_47 = tpu.memref_squeeze %dma_start3A_46 : memref<1x40xi32, #tpu.memory_space<vmem>> -> memref<40xi32, #tpu.memory_space<vmem>>
    %dma_start3A_48 = arith.constant 0 : i32
    %dma_start3A_49 = arith.constant 0 : i32
    %dma_start3A_50 = tpu.memref_slice %arg2[%dma_start3A_48, %dma_start3A_49] : memref<10000x144xf32, #tpu.memory_space<hbm>> -> memref<10000x144xf32, #tpu.memory_space<hbm>>
    tpu.enqueue_indirect_dma source(%dma_start3A_50 : memref<10000x144xf32, #tpu.memory_space<hbm>>) target(%arg8 : memref<40x144xf32, #tpu.memory_space<vmem>>) offsets(%dma_start3A_47 : memref<40xi32, #tpu.memory_space<vmem>>) semaphore(%arg13 : memref<!tpu.dma_semaphore, #tpu.memory_space<semaphore_mem>>)
    %dma_start3A_51 = arith.constant 248 : i32
    %dma_start3A_52 = arith.constant 0 : i32
    %dma_start3A_53 = tpu.memref_slice %arg10[%dma_start3A_51, %dma_start3A_52] : memref<250x40xi32, #tpu.memory_space<vmem>> -> memref<1x40xi32, #tpu.memory_space<vmem>>
    %dma_start3A_54 = tpu.memref_squeeze %dma_start3A_53 : memref<1x40xi32, #tpu.memory_space<vmem>> -> memref<40xi32, #tpu.memory_space<vmem>>
    %dma_start3A_55 = arith.constant 0 : i32
    %dma_start3A_56 = arith.constant 0 : i32
    %dma_start3A_57 = tpu.memref_slice %arg11[%dma_start3A_55, %dma_start3A_56] : memref<10000x144xf32, #tpu.memory_space<vmem_shared>> -> memref<10000x144xf32, #tpu.memory_space<vmem_shared>>
    tpu.enqueue_indirect_dma source(%arg7 : memref<40x144xf32, #tpu.memory_space<vmem>>) target(%dma_start3A_57 : memref<10000x144xf32, #tpu.memory_space<vmem_shared>>) offsets(%dma_start3A_54 : memref<40xi32, #tpu.memory_space<vmem>>) semaphore(%arg14 : memref<!tpu.dma_semaphore, #tpu.memory_space<semaphore_mem>>) {add = true}
    %dma_wait3A_58 = arith.constant 0 : i32
    %dma_wait3A_59 = arith.constant 0 : i32
    %dma_wait3A_60 = tpu.memref_slice %arg2[%dma_wait3A_58, %dma_wait3A_59] : memref<10000x144xf32, #tpu.memory_space<hbm>> -> memref<40x144xf32, #tpu.memory_space<hbm>>
    %dma_wait3A_61 = arith.constant 0 : i32
    %dma_wait3A_62 = arith.constant 0 : i32
    %dma_wait3A_63 = tpu.memref_slice %arg2[%dma_wait3A_61, %dma_wait3A_62] : memref<10000x144xf32, #tpu.memory_space<hbm>> -> memref<40x144xf32, #tpu.memory_space<hbm>>
    tpu.wait_dma2 semaphore(%arg13 : memref<!tpu.dma_semaphore, #tpu.memory_space<semaphore_mem>>) src(%dma_wait3A_63 : memref<40x144xf32, #tpu.memory_space<hbm>>) dst(%arg7 : memref<40x144xf32, #tpu.memory_space<vmem>>)
    %dma_wait3A_64 = arith.constant 0 : i32
    %dma_wait3A_65 = arith.constant 0 : i32
    %dma_wait3A_66 = tpu.memref_slice %arg2[%dma_wait3A_64, %dma_wait3A_65] : memref<10000x144xf32, #tpu.memory_space<hbm>> -> memref<40x144xf32, #tpu.memory_space<hbm>>
    %dma_wait3A_67 = arith.constant 0 : i32
    %dma_wait3A_68 = arith.constant 0 : i32
    %dma_wait3A_69 = tpu.memref_slice %arg2[%dma_wait3A_67, %dma_wait3A_68] : memref<10000x144xf32, #tpu.memory_space<hbm>> -> memref<40x144xf32, #tpu.memory_space<hbm>>
    tpu.wait_dma2 semaphore(%arg14 : memref<!tpu.dma_semaphore, #tpu.memory_space<semaphore_mem>>) src(%dma_wait3A_69 : memref<40x144xf32, #tpu.memory_space<hbm>>) dst(%arg7 : memref<40x144xf32, #tpu.memory_space<vmem>>)
    %dma_start3A_70 = arith.constant 249 : i32
    %dma_start3A_71 = arith.constant 0 : i32
    %dma_start3A_72 = tpu.memref_slice %arg10[%dma_start3A_70, %dma_start3A_71] : memref<250x40xi32, #tpu.memory_space<vmem>> -> memref<1x40xi32, #tpu.memory_space<vmem>>
    %dma_start3A_73 = tpu.memref_squeeze %dma_start3A_72 : memref<1x40xi32, #tpu.memory_space<vmem>> -> memref<40xi32, #tpu.memory_space<vmem>>
    %dma_start3A_74 = arith.constant 0 : i32
    %dma_start3A_75 = arith.constant 0 : i32
    %dma_start3A_76 = tpu.memref_slice %arg11[%dma_start3A_74, %dma_start3A_75] : memref<10000x144xf32, #tpu.memory_space<vmem_shared>> -> memref<10000x144xf32, #tpu.memory_space<vmem_shared>>
    tpu.enqueue_indirect_dma source(%arg8 : memref<40x144xf32, #tpu.memory_space<vmem>>) target(%dma_start3A_76 : memref<10000x144xf32, #tpu.memory_space<vmem_shared>>) offsets(%dma_start3A_73 : memref<40xi32, #tpu.memory_space<vmem>>) semaphore(%arg15 : memref<!tpu.dma_semaphore, #tpu.memory_space<semaphore_mem>>) {add = true}
    %dma_wait3A_77 = arith.constant 0 : i32
    %dma_wait3A_78 = arith.constant 0 : i32
    %dma_wait3A_79 = tpu.memref_slice %arg2[%dma_wait3A_77, %dma_wait3A_78] : memref<10000x144xf32, #tpu.memory_space<hbm>> -> memref<40x144xf32, #tpu.memory_space<hbm>>
    %dma_wait3A_80 = arith.constant 0 : i32
    %dma_wait3A_81 = arith.constant 0 : i32
    %dma_wait3A_82 = tpu.memref_slice %arg2[%dma_wait3A_80, %dma_wait3A_81] : memref<10000x144xf32, #tpu.memory_space<hbm>> -> memref<40x144xf32, #tpu.memory_space<hbm>>
    tpu.wait_dma2 semaphore(%arg15 : memref<!tpu.dma_semaphore, #tpu.memory_space<semaphore_mem>>) src(%dma_wait3A_82 : memref<40x144xf32, #tpu.memory_space<hbm>>) dst(%arg7 : memref<40x144xf32, #tpu.memory_space<vmem>>)
    %barrier3A_83 = arith.constant 0 : index
    tpu.barrier barrier_id(%barrier3A_83)
    %mul3A_84 = arith.constant 40 : i32
    %mul3A_85 = arith.muli %arg1, %mul3A_84 : i32
    %sub3A_86 = arith.constant 10000 : i32
    %sub3A_87 = arith.subi %sub3A_86, %mul3A_85 : i32
    %sub3A_88 = arith.constant 640 : i32
    %sub3A_89 = arith.constant 1 : i32
    %sub3A_90 = arith.subi %sub3A_88, %sub3A_89 : i32
    %add3A_91 = arith.addi %sub3A_87, %sub3A_90 : i32
    %div3A_92 = arith.constant 640 : i32
    %div3A_93 = arith.divsi %add3A_91, %div3A_92 : i32
    %while3A_94 = arith.constant 640 : i32
    %while3A_95 = arith.constant 0 : i32
    %while3A_96 = arith.subi %div3A_93, %while3A_95 : i32
    %while3A_97 = arith.addi %while3A_95, %while3A_96 : i32
    %while3A_98 = arith.constant 1 : i32
    %while3A_99 = arith.divsi %while3A_96, %while3A_98 : i32
    %while3A_100 = arith.muli %while3A_99, %while3A_98 : i32
    %while3A_101 = arith.addi %while3A_95, %while3A_100 : i32
    %while3A_102 = arith.constant 1 : i32
    scf.for %while3A_104 = %while3A_95 to %while3A_101 step %while3A_102  : i32 {
      %mul3A_105 = arith.muli %while3A_104, %while3A_94 : i32
      %add3A_106 = arith.addi %mul3A_85, %mul3A_105 : i32
      %mul3A_107 = arith.constant 10000 : i32
      %mul3A_108 = arith.muli %arg0, %mul3A_107 : i32
      %add3A_109 = arith.addi %mul3A_108, %add3A_106 : i32
      "tpu.region"() ({
        %run_scoped3A = tpu.sem_alloc : memref<!tpu.dma_semaphore, #tpu.memory_space<semaphore_mem>>
        %dma_start3A_110 = arith.constant 0 : i32
        %dma_start3A_111 = tpu.memref_slice %arg5[%add3A_109, %dma_start3A_110] : memref<20000x144xf32, #tpu.memory_space<hbm>> -> memref<40x144xf32, #tpu.memory_space<hbm>>
        %dma_start3A_112 = arith.constant 0 : i32
        %dma_start3A_113 = tpu.memref_slice %arg11[%add3A_106, %dma_start3A_112] : memref<10000x144xf32, #tpu.memory_space<vmem_shared>> -> memref<40x144xf32, #tpu.memory_space<vmem_shared>>
        tpu.enqueue_dma source(%dma_start3A_113 : memref<40x144xf32, #tpu.memory_space<vmem_shared>>) target(%dma_start3A_111 : memref<40x144xf32, #tpu.memory_space<hbm>>) target_semaphore(%run_scoped3A : memref<!tpu.dma_semaphore, #tpu.memory_space<semaphore_mem>>)
        %dma_wait3A_114 = arith.constant 0 : i32
        %dma_wait3A_115 = tpu.memref_slice %arg5[%add3A_109, %dma_wait3A_114] : memref<20000x144xf32, #tpu.memory_space<hbm>> -> memref<40x144xf32, #tpu.memory_space<hbm>>
        %dma_wait3A_116 = arith.constant 0 : i32
        %dma_wait3A_117 = tpu.memref_slice %arg11[%add3A_106, %dma_wait3A_116] : memref<10000x144xf32, #tpu.memory_space<vmem_shared>> -> memref<40x144xf32, #tpu.memory_space<vmem_shared>>
        tpu.wait_dma2 semaphore(%run_scoped3A : memref<!tpu.dma_semaphore, #tpu.memory_space<semaphore_mem>>) src(%dma_wait3A_117 : memref<40x144xf32, #tpu.memory_space<vmem_shared>>) dst(%dma_wait3A_115 : memref<40x144xf32, #tpu.memory_space<hbm>>)
        tpu.yield
      }) : () -> ()
    }
    %while3A_103 = arith.constant 1 : i32
    scf.for %while3A_104 = %while3A_101 to %while3A_97 step %while3A_103  : i32 {
      %mul3A_105 = arith.muli %while3A_104, %while3A_94 : i32
      %add3A_106 = arith.addi %mul3A_85, %mul3A_105 : i32
      %mul3A_107 = arith.constant 10000 : i32
      %mul3A_108 = arith.muli %arg0, %mul3A_107 : i32
      %add3A_109 = arith.addi %mul3A_108, %add3A_106 : i32
      "tpu.region"() ({
        %run_scoped3A = tpu.sem_alloc : memref<!tpu.dma_semaphore, #tpu.memory_space<semaphore_mem>>
        %dma_start3A_110 = arith.constant 0 : i32
        %dma_start3A_111 = tpu.memref_slice %arg5[%add3A_109, %dma_start3A_110] : memref<20000x144xf32, #tpu.memory_space<hbm>> -> memref<40x144xf32, #tpu.memory_space<hbm>>
        %dma_start3A_112 = arith.constant 0 : i32
        %dma_start3A_113 = tpu.memref_slice %arg11[%add3A_106, %dma_start3A_112] : memref<10000x144xf32, #tpu.memory_space<vmem_shared>> -> memref<40x144xf32, #tpu.memory_space<vmem_shared>>
        tpu.enqueue_dma source(%dma_start3A_113 : memref<40x144xf32, #tpu.memory_space<vmem_shared>>) target(%dma_start3A_111 : memref<40x144xf32, #tpu.memory_space<hbm>>) target_semaphore(%run_scoped3A : memref<!tpu.dma_semaphore, #tpu.memory_space<semaphore_mem>>)
        %dma_wait3A_114 = arith.constant 0 : i32
        %dma_wait3A_115 = tpu.memref_slice %arg5[%add3A_109, %dma_wait3A_114] : memref<20000x144xf32, #tpu.memory_space<hbm>> -> memref<40x144xf32, #tpu.memory_space<hbm>>
        %dma_wait3A_116 = arith.constant 0 : i32
        %dma_wait3A_117 = tpu.memref_slice %arg11[%add3A_106, %dma_wait3A_116] : memref<10000x144xf32, #tpu.memory_space<vmem_shared>> -> memref<40x144xf32, #tpu.memory_space<vmem_shared>>
        tpu.wait_dma2 semaphore(%run_scoped3A : memref<!tpu.dma_semaphore, #tpu.memory_space<semaphore_mem>>) src(%dma_wait3A_117 : memref<40x144xf32, #tpu.memory_space<vmem_shared>>) dst(%dma_wait3A_115 : memref<40x144xf32, #tpu.memory_space<hbm>>)
        tpu.yield
      }) : () -> ()
    }
    return
  }
}

#map = affine_map<(d0, d1) -> (0, 0)>
#map1 = affine_map<(d0, d1) -> (0, 0, 0)>
module attributes {stable_mosaic.version = 14 : i64} {
  func.func @k(%arg0: i32, %arg1: i32, %arg2: memref<10000x144xf32, #tpu.memory_space<hbm>>, %arg3: memref<10000x16xf32, #tpu.memory_space<hbm>>, %arg4: memref<32x250x40xi32, #tpu.memory_space<hbm>>, %arg5: memref<32x250x40xi32, #tpu.memory_space<hbm>>, %arg6: memref<20000x144xf32, #tpu.memory_space<hbm>>, %arg7: memref<40x144xf32, #tpu.memory_space<vmem>>, %arg8: memref<40x144xf32, #tpu.memory_space<vmem>>, %arg9: memref<40x144xf32, #tpu.memory_space<vmem>>, %arg10: memref<40x16xf32, #tpu.memory_space<vmem>>, %arg11: memref<40x16xf32, #tpu.memory_space<vmem>>, %arg12: memref<250x40xi32, #tpu.memory_space<vmem>>, %arg13: memref<250x40xi32, #tpu.memory_space<vmem>>, %arg14: memref<10000x144xf32, #tpu.memory_space<vmem_shared>>, %arg15: memref<!tpu.dma_semaphore, #tpu.memory_space<semaphore_mem>>, %arg16: memref<!tpu.dma_semaphore, #tpu.memory_space<semaphore_mem>>, %arg17: memref<!tpu.dma_semaphore, #tpu.memory_space<semaphore_mem>>, %arg18: memref<!tpu.dma_semaphore, #tpu.memory_space<semaphore_mem>>) attributes {dimension_semantics = [#tpu.dimension_semantics<core_parallel>, #tpu.dimension_semantics<subcore_parallel>], iteration_bounds = array<i64: 2, 16>, scalar_prefetch = 0 : i64, scratch_operands = 12 : i64, tpu.core_type = #tpu.core_type<sc_vector_subcore>, window_params = [{transform_indices = #map}, {transform_indices = #map}, {transform_indices = #map1}, {transform_indices = #map1}, {transform_indices = #map}]} {
    %mul3A = arith.constant 16 : i32
    %mul3A_0 = arith.muli %arg0, %mul3A : i32
    %add3A = arith.addi %mul3A_0, %arg1 : i32
    %scan3A = arith.constant 0 : i32
    %scan3A_1 = arith.constant 40 : i32
    %scan3A_2 = arith.addi %scan3A, %scan3A_1 : i32
    %scan3A_3 = arith.constant 1 : i32
    scf.for %scan3A_135 = %scan3A to %scan3A_2 step %scan3A_3  : i32 {
      %mul3A_136 = arith.constant 1 : i32
      %mul3A_137 = arith.muli %scan3A_135, %mul3A_136 : i32
      %add3A_138 = arith.constant 0 : i32
      %add3A_139 = arith.addi %add3A_138, %mul3A_137 : i32
      %scan3A_140 = arith.constant 0 : i32
      %scan3A_141 = arith.constant 9 : i32
      %scan3A_142 = arith.addi %scan3A_140, %scan3A_141 : i32
      %scan3A_143 = arith.constant 1 : i32
      scf.for %scan3A_145 = %scan3A_140 to %scan3A_142 step %scan3A_143  : i32 {
        %mul3A_146 = arith.constant 16 : i32
        %mul3A_147 = arith.muli %scan3A_145, %mul3A_146 : i32
        %add3A_148 = arith.constant 0 : i32
        %add3A_149 = arith.addi %add3A_148, %mul3A_147 : i32
        %broadcast_in_dim3A = arith.constant 0.000000e+00 : f32
        %broadcast_in_dim3A_150 = vector.broadcast %broadcast_in_dim3A : f32 to vector<1x16xf32>
        %swap3A = arith.index_cast %add3A_139 : i32 to index
        %swap3A_151 = arith.index_cast %add3A_149 : i32 to index
        %swap3A_152 = tpu.vector_load %arg7[%swap3A, %swap3A_151] {strides = array<i32>} : memref<40x144xf32, #tpu.memory_space<vmem>>, vector<1x16xf32>,
        %swap3A_153 = vector.shape_cast %swap3A_152 : vector<1x16xf32> to vector<1x16xf32>
        %swap3A_154 = vector.shape_cast %broadcast_in_dim3A_150 : vector<1x16xf32> to vector<1x16xf32>
        tpu.vector_store %arg7[%swap3A, %swap3A_151], %swap3A_154 {strides = array<i32>} : memref<40x144xf32, #tpu.memory_space<vmem>>, vector<1x16xf32>,
      }
      %scan3A_144 = arith.constant 9 : i32
    }
    %scan3A_4 = arith.constant 40 : i32
    "tpu.region"() ({
      %run_scoped3A = tpu.sem_alloc : memref<!tpu.dma_semaphore, #tpu.memory_space<semaphore_mem>>
      %dma_start3A_135 = arith.constant 0 : i32
      %dma_start3A_136 = arith.constant 0 : i32
      %dma_start3A_137 = tpu.memref_slice %arg4[%add3A, %dma_start3A_135, %dma_start3A_136] : memref<32x250x40xi32, #tpu.memory_space<hbm>> -> memref<1x250x40xi32, #tpu.memory_space<hbm>>
      %dma_start3A_138 = tpu.memref_squeeze %dma_start3A_137 : memref<1x250x40xi32, #tpu.memory_space<hbm>> -> memref<250x40xi32, #tpu.memory_space<hbm>>
      %dma_start3A_139 = arith.constant 0 : i32
      %dma_start3A_140 = arith.constant 0 : i32
      %dma_start3A_141 = tpu.memref_slice %arg4[%add3A, %dma_start3A_139, %dma_start3A_140] : memref<32x250x40xi32, #tpu.memory_space<hbm>> -> memref<1x250x40xi32, #tpu.memory_space<hbm>>
      %dma_start3A_142 = tpu.memref_squeeze %dma_start3A_141 : memref<1x250x40xi32, #tpu.memory_space<hbm>> -> memref<250x40xi32, #tpu.memory_space<hbm>>
      tpu.enqueue_dma source(%dma_start3A_142 : memref<250x40xi32, #tpu.memory_space<hbm>>) target(%arg12 : memref<250x40xi32, #tpu.memory_space<vmem>>) target_semaphore(%run_scoped3A : memref<!tpu.dma_semaphore, #tpu.memory_space<semaphore_mem>>)
      %dma_wait3A_143 = arith.constant 0 : i32
      %dma_wait3A_144 = arith.constant 0 : i32
      %dma_wait3A_145 = tpu.memref_slice %arg4[%add3A, %dma_wait3A_143, %dma_wait3A_144] : memref<32x250x40xi32, #tpu.memory_space<hbm>> -> memref<1x250x40xi32, #tpu.memory_space<hbm>>
      %dma_wait3A_146 = tpu.memref_squeeze %dma_wait3A_145 : memref<1x250x40xi32, #tpu.memory_space<hbm>> -> memref<250x40xi32, #tpu.memory_space<hbm>>
      %dma_wait3A_147 = arith.constant 0 : i32
      %dma_wait3A_148 = arith.constant 0 : i32
      %dma_wait3A_149 = tpu.memref_slice %arg4[%add3A, %dma_wait3A_147, %dma_wait3A_148] : memref<32x250x40xi32, #tpu.memory_space<hbm>> -> memref<1x250x40xi32, #tpu.memory_space<hbm>>
      %dma_wait3A_150 = tpu.memref_squeeze %dma_wait3A_149 : memref<1x250x40xi32, #tpu.memory_space<hbm>> -> memref<250x40xi32, #tpu.memory_space<hbm>>
      tpu.wait_dma2 semaphore(%run_scoped3A : memref<!tpu.dma_semaphore, #tpu.memory_space<semaphore_mem>>) src(%dma_wait3A_150 : memref<250x40xi32, #tpu.memory_space<hbm>>) dst(%arg12 : memref<250x40xi32, #tpu.memory_space<vmem>>)
      tpu.yield
    }) : () -> ()
    "tpu.region"() ({
      %run_scoped3A = tpu.sem_alloc : memref<!tpu.dma_semaphore, #tpu.memory_space<semaphore_mem>>
      %dma_start3A_135 = arith.constant 0 : i32
      %dma_start3A_136 = arith.constant 0 : i32
      %dma_start3A_137 = tpu.memref_slice %arg5[%add3A, %dma_start3A_135, %dma_start3A_136] : memref<32x250x40xi32, #tpu.memory_space<hbm>> -> memref<1x250x40xi32, #tpu.memory_space<hbm>>
      %dma_start3A_138 = tpu.memref_squeeze %dma_start3A_137 : memref<1x250x40xi32, #tpu.memory_space<hbm>> -> memref<250x40xi32, #tpu.memory_space<hbm>>
      %dma_start3A_139 = arith.constant 0 : i32
      %dma_start3A_140 = arith.constant 0 : i32
      %dma_start3A_141 = tpu.memref_slice %arg5[%add3A, %dma_start3A_139, %dma_start3A_140] : memref<32x250x40xi32, #tpu.memory_space<hbm>> -> memref<1x250x40xi32, #tpu.memory_space<hbm>>
      %dma_start3A_142 = tpu.memref_squeeze %dma_start3A_141 : memref<1x250x40xi32, #tpu.memory_space<hbm>> -> memref<250x40xi32, #tpu.memory_space<hbm>>
      tpu.enqueue_dma source(%dma_start3A_142 : memref<250x40xi32, #tpu.memory_space<hbm>>) target(%arg13 : memref<250x40xi32, #tpu.memory_space<vmem>>) target_semaphore(%run_scoped3A : memref<!tpu.dma_semaphore, #tpu.memory_space<semaphore_mem>>)
      %dma_wait3A_143 = arith.constant 0 : i32
      %dma_wait3A_144 = arith.constant 0 : i32
      %dma_wait3A_145 = tpu.memref_slice %arg5[%add3A, %dma_wait3A_143, %dma_wait3A_144] : memref<32x250x40xi32, #tpu.memory_space<hbm>> -> memref<1x250x40xi32, #tpu.memory_space<hbm>>
      %dma_wait3A_146 = tpu.memref_squeeze %dma_wait3A_145 : memref<1x250x40xi32, #tpu.memory_space<hbm>> -> memref<250x40xi32, #tpu.memory_space<hbm>>
      %dma_wait3A_147 = arith.constant 0 : i32
      %dma_wait3A_148 = arith.constant 0 : i32
      %dma_wait3A_149 = tpu.memref_slice %arg5[%add3A, %dma_wait3A_147, %dma_wait3A_148] : memref<32x250x40xi32, #tpu.memory_space<hbm>> -> memref<1x250x40xi32, #tpu.memory_space<hbm>>
      %dma_wait3A_150 = tpu.memref_squeeze %dma_wait3A_149 : memref<1x250x40xi32, #tpu.memory_space<hbm>> -> memref<250x40xi32, #tpu.memory_space<hbm>>
      tpu.wait_dma2 semaphore(%run_scoped3A : memref<!tpu.dma_semaphore, #tpu.memory_space<semaphore_mem>>) src(%dma_wait3A_150 : memref<250x40xi32, #tpu.memory_space<hbm>>) dst(%arg13 : memref<250x40xi32, #tpu.memory_space<vmem>>)
      tpu.yield
    }) : () -> ()
    %mul3A_5 = arith.constant 40 : i32
    %mul3A_6 = arith.muli %arg1, %mul3A_5 : i32
    %sub3A = arith.constant 10000 : i32
    %sub3A_7 = arith.subi %sub3A, %mul3A_6 : i32
    %sub3A_8 = arith.constant 640 : i32
    %sub3A_9 = arith.constant 1 : i32
    %sub3A_10 = arith.subi %sub3A_8, %sub3A_9 : i32
    %add3A_11 = arith.addi %sub3A_7, %sub3A_10 : i32
    %div3A = arith.constant 640 : i32
    %div3A_12 = arith.divsi %add3A_11, %div3A : i32
    %while3A = arith.constant 640 : i32
    %while3A_13 = arith.constant 0 : i32
    %while3A_14 = arith.subi %div3A_12, %while3A_13 : i32
    %while3A_15 = arith.addi %while3A_13, %while3A_14 : i32
    %while3A_16 = arith.constant 1 : i32
    %while3A_17 = arith.divsi %while3A_14, %while3A_16 : i32
    %while3A_18 = arith.muli %while3A_17, %while3A_16 : i32
    %while3A_19 = arith.addi %while3A_13, %while3A_18 : i32
    %while3A_20 = arith.constant 1 : i32
    scf.for %while3A_135 = %while3A_13 to %while3A_19 step %while3A_20  : i32 {
      %mul3A_136 = arith.muli %while3A_135, %while3A : i32
      %add3A_137 = arith.addi %mul3A_6, %mul3A_136 : i32
      "tpu.region"() ({
        %run_scoped3A = tpu.sem_alloc : memref<!tpu.dma_semaphore, #tpu.memory_space<semaphore_mem>>
        %dma_start3A_138 = arith.constant 0 : i32
        %dma_start3A_139 = tpu.memref_slice %arg14[%add3A_137, %dma_start3A_138] : memref<10000x144xf32, #tpu.memory_space<vmem_shared>> -> memref<40x144xf32, #tpu.memory_space<vmem_shared>>
        %dma_start3A_140 = arith.constant 0 : i32
        %dma_start3A_141 = tpu.memref_slice %arg14[%add3A_137, %dma_start3A_140] : memref<10000x144xf32, #tpu.memory_space<vmem_shared>> -> memref<40x144xf32, #tpu.memory_space<vmem_shared>>
        tpu.enqueue_dma source(%arg7 : memref<40x144xf32, #tpu.memory_space<vmem>>) target(%dma_start3A_141 : memref<40x144xf32, #tpu.memory_space<vmem_shared>>) target_semaphore(%run_scoped3A : memref<!tpu.dma_semaphore, #tpu.memory_space<semaphore_mem>>)
        %dma_wait3A_142 = arith.constant 0 : i32
        %dma_wait3A_143 = tpu.memref_slice %arg14[%add3A_137, %dma_wait3A_142] : memref<10000x144xf32, #tpu.memory_space<vmem_shared>> -> memref<40x144xf32, #tpu.memory_space<vmem_shared>>
        %dma_wait3A_144 = arith.constant 0 : i32
        %dma_wait3A_145 = tpu.memref_slice %arg14[%add3A_137, %dma_wait3A_144] : memref<10000x144xf32, #tpu.memory_space<vmem_shared>> -> memref<40x144xf32, #tpu.memory_space<vmem_shared>>
        tpu.wait_dma2 semaphore(%run_scoped3A : memref<!tpu.dma_semaphore, #tpu.memory_space<semaphore_mem>>) src(%arg7 : memref<40x144xf32, #tpu.memory_space<vmem>>) dst(%dma_wait3A_145 : memref<40x144xf32, #tpu.memory_space<vmem_shared>>)
        tpu.yield
      }) : () -> ()
    }
    %while3A_21 = arith.constant 1 : i32
    scf.for %while3A_135 = %while3A_19 to %while3A_15 step %while3A_21  : i32 {
      %mul3A_136 = arith.muli %while3A_135, %while3A : i32
      %add3A_137 = arith.addi %mul3A_6, %mul3A_136 : i32
      "tpu.region"() ({
        %run_scoped3A = tpu.sem_alloc : memref<!tpu.dma_semaphore, #tpu.memory_space<semaphore_mem>>
        %dma_start3A_138 = arith.constant 0 : i32
        %dma_start3A_139 = tpu.memref_slice %arg14[%add3A_137, %dma_start3A_138] : memref<10000x144xf32, #tpu.memory_space<vmem_shared>> -> memref<40x144xf32, #tpu.memory_space<vmem_shared>>
        %dma_start3A_140 = arith.constant 0 : i32
        %dma_start3A_141 = tpu.memref_slice %arg14[%add3A_137, %dma_start3A_140] : memref<10000x144xf32, #tpu.memory_space<vmem_shared>> -> memref<40x144xf32, #tpu.memory_space<vmem_shared>>
        tpu.enqueue_dma source(%arg7 : memref<40x144xf32, #tpu.memory_space<vmem>>) target(%dma_start3A_141 : memref<40x144xf32, #tpu.memory_space<vmem_shared>>) target_semaphore(%run_scoped3A : memref<!tpu.dma_semaphore, #tpu.memory_space<semaphore_mem>>)
        %dma_wait3A_142 = arith.constant 0 : i32
        %dma_wait3A_143 = tpu.memref_slice %arg14[%add3A_137, %dma_wait3A_142] : memref<10000x144xf32, #tpu.memory_space<vmem_shared>> -> memref<40x144xf32, #tpu.memory_space<vmem_shared>>
        %dma_wait3A_144 = arith.constant 0 : i32
        %dma_wait3A_145 = tpu.memref_slice %arg14[%add3A_137, %dma_wait3A_144] : memref<10000x144xf32, #tpu.memory_space<vmem_shared>> -> memref<40x144xf32, #tpu.memory_space<vmem_shared>>
        tpu.wait_dma2 semaphore(%run_scoped3A : memref<!tpu.dma_semaphore, #tpu.memory_space<semaphore_mem>>) src(%arg7 : memref<40x144xf32, #tpu.memory_space<vmem>>) dst(%dma_wait3A_145 : memref<40x144xf32, #tpu.memory_space<vmem_shared>>)
        tpu.yield
      }) : () -> ()
    }
    %barrier3A = arith.constant 0 : index
    tpu.barrier barrier_id(%barrier3A)
    %dma_start3A = arith.constant 0 : i32
    %dma_start3A_22 = arith.constant 0 : i32
    %dma_start3A_23 = tpu.memref_slice %arg12[%dma_start3A, %dma_start3A_22] : memref<250x40xi32, #tpu.memory_space<vmem>> -> memref<1x40xi32, #tpu.memory_space<vmem>>
    %dma_start3A_24 = tpu.memref_squeeze %dma_start3A_23 : memref<1x40xi32, #tpu.memory_space<vmem>> -> memref<40xi32, #tpu.memory_space<vmem>>
    %dma_start3A_25 = arith.constant 0 : i32
    %dma_start3A_26 = arith.constant 0 : i32
    %dma_start3A_27 = tpu.memref_slice %arg2[%dma_start3A_25, %dma_start3A_26] : memref<10000x144xf32, #tpu.memory_space<hbm>> -> memref<10000x144xf32, #tpu.memory_space<hbm>>
    tpu.enqueue_indirect_dma source(%dma_start3A_27 : memref<10000x144xf32, #tpu.memory_space<hbm>>) target(%arg8 : memref<40x144xf32, #tpu.memory_space<vmem>>) offsets(%dma_start3A_24 : memref<40xi32, #tpu.memory_space<vmem>>) semaphore(%arg15 : memref<!tpu.dma_semaphore, #tpu.memory_space<semaphore_mem>>)
    %dma_start3A_28 = arith.constant 0 : i32
    %dma_start3A_29 = arith.constant 0 : i32
    %dma_start3A_30 = tpu.memref_slice %arg13[%dma_start3A_28, %dma_start3A_29] : memref<250x40xi32, #tpu.memory_space<vmem>> -> memref<1x40xi32, #tpu.memory_space<vmem>>
    %dma_start3A_31 = tpu.memref_squeeze %dma_start3A_30 : memref<1x40xi32, #tpu.memory_space<vmem>> -> memref<40xi32, #tpu.memory_space<vmem>>
    %dma_start3A_32 = arith.constant 0 : i32
    %dma_start3A_33 = arith.constant 0 : i32
    %dma_start3A_34 = tpu.memref_slice %arg3[%dma_start3A_32, %dma_start3A_33] : memref<10000x16xf32, #tpu.memory_space<hbm>> -> memref<10000x16xf32, #tpu.memory_space<hbm>>
    tpu.enqueue_indirect_dma source(%dma_start3A_34 : memref<10000x16xf32, #tpu.memory_space<hbm>>) target(%arg10 : memref<40x16xf32, #tpu.memory_space<vmem>>) offsets(%dma_start3A_31 : memref<40xi32, #tpu.memory_space<vmem>>) semaphore(%arg15 : memref<!tpu.dma_semaphore, #tpu.memory_space<semaphore_mem>>)
    %scan3A_35 = arith.constant 0 : i32
    %scan3A_36 = arith.constant 124 : i32
    %scan3A_37 = arith.addi %scan3A_35, %scan3A_36 : i32
    %scan3A_38 = arith.constant 1 : i32
    scf.for %scan3A_135 = %scan3A_35 to %scan3A_37 step %scan3A_38  : i32 {
      %mul3A_136 = arith.constant 1 : i32
      %mul3A_137 = arith.muli %scan3A_135, %mul3A_136 : i32
      %add3A_138 = arith.constant 0 : i32
      %add3A_139 = arith.addi %add3A_138, %mul3A_137 : i32
      %mul3A_140 = arith.constant 2 : i32
      %mul3A_141 = arith.muli %mul3A_140, %add3A_139 : i32
      %dma_wait3A_142 = arith.constant 0 : i32
      %dma_wait3A_143 = arith.constant 0 : i32
      %dma_wait3A_144 = tpu.memref_slice %arg2[%dma_wait3A_142, %dma_wait3A_143] : memref<10000x144xf32, #tpu.memory_space<hbm>> -> memref<40x144xf32, #tpu.memory_space<hbm>>
      %dma_wait3A_145 = arith.constant 0 : i32
      %dma_wait3A_146 = arith.constant 0 : i32
      %dma_wait3A_147 = tpu.memref_slice %arg2[%dma_wait3A_145, %dma_wait3A_146] : memref<10000x144xf32, #tpu.memory_space<hbm>> -> memref<40x144xf32, #tpu.memory_space<hbm>>
      tpu.wait_dma2 semaphore(%arg15 : memref<!tpu.dma_semaphore, #tpu.memory_space<semaphore_mem>>) src(%dma_wait3A_147 : memref<40x144xf32, #tpu.memory_space<hbm>>) dst(%arg8 : memref<40x144xf32, #tpu.memory_space<vmem>>)
      %dma_wait3A_148 = arith.constant 0 : i32
      %dma_wait3A_149 = arith.constant 0 : i32
      %dma_wait3A_150 = tpu.memref_slice %arg3[%dma_wait3A_148, %dma_wait3A_149] : memref<10000x16xf32, #tpu.memory_space<hbm>> -> memref<40x16xf32, #tpu.memory_space<hbm>>
      %dma_wait3A_151 = arith.constant 0 : i32
      %dma_wait3A_152 = arith.constant 0 : i32
      %dma_wait3A_153 = tpu.memref_slice %arg3[%dma_wait3A_151, %dma_wait3A_152] : memref<10000x16xf32, #tpu.memory_space<hbm>> -> memref<40x16xf32, #tpu.memory_space<hbm>>
      tpu.wait_dma2 semaphore(%arg15 : memref<!tpu.dma_semaphore, #tpu.memory_space<semaphore_mem>>) src(%dma_wait3A_153 : memref<40x16xf32, #tpu.memory_space<hbm>>) dst(%arg10 : memref<40x16xf32, #tpu.memory_space<vmem>>)
      %gt3A = arith.constant 0 : i32
      %gt3A_154 = arith.cmpi sgt, %add3A_139, %gt3A : i32
      %convert_element_type3A = arith.extui %gt3A_154 : i1 to i32
      %cond3A = arith.constant 0 : i32
      %cond3A_155 = arith.cmpi ne, %convert_element_type3A, %cond3A : i32
      scf.if %cond3A_155 {
        %dma_wait3A_222 = arith.constant 0 : i32
        %dma_wait3A_223 = arith.constant 0 : i32
        %dma_wait3A_224 = tpu.memref_slice %arg2[%dma_wait3A_222, %dma_wait3A_223] : memref<10000x144xf32, #tpu.memory_space<hbm>> -> memref<40x144xf32, #tpu.memory_space<hbm>>
        %dma_wait3A_225 = arith.constant 0 : i32
        %dma_wait3A_226 = arith.constant 0 : i32
        %dma_wait3A_227 = tpu.memref_slice %arg2[%dma_wait3A_225, %dma_wait3A_226] : memref<10000x144xf32, #tpu.memory_space<hbm>> -> memref<40x144xf32, #tpu.memory_space<hbm>>
        tpu.wait_dma2 semaphore(%arg18 : memref<!tpu.dma_semaphore, #tpu.memory_space<semaphore_mem>>) src(%dma_wait3A_227 : memref<40x144xf32, #tpu.memory_space<hbm>>) dst(%arg8 : memref<40x144xf32, #tpu.memory_space<vmem>>)
      } else {
      }
      %add3A_156 = arith.constant 1 : i32
      %add3A_157 = arith.addi %mul3A_141, %add3A_156 : i32
      %dma_start3A_158 = arith.constant 0 : i32
      %dma_start3A_159 = tpu.memref_slice %arg12[%add3A_157, %dma_start3A_158] : memref<250x40xi32, #tpu.memory_space<vmem>> -> memref<1x40xi32, #tpu.memory_space<vmem>>
      %dma_start3A_160 = tpu.memref_squeeze %dma_start3A_159 : memref<1x40xi32, #tpu.memory_space<vmem>> -> memref<40xi32, #tpu.memory_space<vmem>>
      %dma_start3A_161 = arith.constant 0 : i32
      %dma_start3A_162 = arith.constant 0 : i32
      %dma_start3A_163 = tpu.memref_slice %arg2[%dma_start3A_161, %dma_start3A_162] : memref<10000x144xf32, #tpu.memory_space<hbm>> -> memref<10000x144xf32, #tpu.memory_space<hbm>>
      tpu.enqueue_indirect_dma source(%dma_start3A_163 : memref<10000x144xf32, #tpu.memory_space<hbm>>) target(%arg9 : memref<40x144xf32, #tpu.memory_space<vmem>>) offsets(%dma_start3A_160 : memref<40xi32, #tpu.memory_space<vmem>>) semaphore(%arg16 : memref<!tpu.dma_semaphore, #tpu.memory_space<semaphore_mem>>)
      %dma_start3A_164 = arith.constant 0 : i32
      %dma_start3A_165 = tpu.memref_slice %arg13[%add3A_157, %dma_start3A_164] : memref<250x40xi32, #tpu.memory_space<vmem>> -> memref<1x40xi32, #tpu.memory_space<vmem>>
      %dma_start3A_166 = tpu.memref_squeeze %dma_start3A_165 : memref<1x40xi32, #tpu.memory_space<vmem>> -> memref<40xi32, #tpu.memory_space<vmem>>
      %dma_start3A_167 = arith.constant 0 : i32
      %dma_start3A_168 = arith.constant 0 : i32
      %dma_start3A_169 = tpu.memref_slice %arg3[%dma_start3A_167, %dma_start3A_168] : memref<10000x16xf32, #tpu.memory_space<hbm>> -> memref<10000x16xf32, #tpu.memory_space<hbm>>
      tpu.enqueue_indirect_dma source(%dma_start3A_169 : memref<10000x16xf32, #tpu.memory_space<hbm>>) target(%arg11 : memref<40x16xf32, #tpu.memory_space<vmem>>) offsets(%dma_start3A_166 : memref<40xi32, #tpu.memory_space<vmem>>) semaphore(%arg16 : memref<!tpu.dma_semaphore, #tpu.memory_space<semaphore_mem>>)
      %parallel_loop3A_170 = arith.constant 0 : i32
      %parallel_loop3A_171 = arith.constant 40 : i32
      %parallel_loop3A_172 = arith.constant 1 : i32
      scf.for %parallel_loop3A_222 = %parallel_loop3A_170 to %parallel_loop3A_171 step %parallel_loop3A_172  : i32 {
        %parallel_loop3A_223 = arith.index_cast %parallel_loop3A_222 : i32 to index
        %parallel_loop3A_224 = arith.constant 128 : index
        %parallel_loop3A_225 = tpu.vector_load %arg8[%parallel_loop3A_223, %parallel_loop3A_224] {strides = array<i32>} : memref<40x144xf32, #tpu.memory_space<vmem>>, vector<1x16xf32>,
        %parallel_loop3A_226 = vector.shape_cast %parallel_loop3A_225 : vector<1x16xf32> to vector<1x16xf32>
        %parallel_loop3A_227 = arith.index_cast %parallel_loop3A_222 : i32 to index
        %parallel_loop3A_228 = arith.constant 0 : index
        %parallel_loop3A_229 = tpu.vector_load %arg10[%parallel_loop3A_227, %parallel_loop3A_228] {strides = array<i32>} : memref<40x16xf32, #tpu.memory_space<vmem>>, vector<1x16xf32>,
        %parallel_loop3A_230 = vector.shape_cast %parallel_loop3A_229 : vector<1x16xf32> to vector<1x16xf32>
        %parallel_loop3A_231 = arith.addf %parallel_loop3A_226, %parallel_loop3A_230 : vector<1x16xf32>
        %parallel_loop3A_232 = arith.constant 2.000000e-01 : f32
        %parallel_loop3A_233 = vector.broadcast %parallel_loop3A_232 : f32 to vector<1x16xf32>
        %parallel_loop3A_234 = arith.mulf %parallel_loop3A_231, %parallel_loop3A_233 : vector<1x16xf32>
        %parallel_loop3A_235 = arith.maximumf %parallel_loop3A_231, %parallel_loop3A_234 : vector<1x16xf32>
        %parallel_loop3A_236 = math.exp %parallel_loop3A_235 : vector<1x16xf32>
        %parallel_loop3A_237 = arith.index_cast %parallel_loop3A_222 : i32 to index
        %parallel_loop3A_238 = arith.constant 128 : index
        %parallel_loop3A_239 = tpu.vector_load %arg8[%parallel_loop3A_237, %parallel_loop3A_238] {strides = array<i32>} : memref<40x144xf32, #tpu.memory_space<vmem>>, vector<1x16xf32>,
        %parallel_loop3A_240 = vector.shape_cast %parallel_loop3A_239 : vector<1x16xf32> to vector<1x16xf32>
        %parallel_loop3A_241 = vector.shape_cast %parallel_loop3A_236 : vector<1x16xf32> to vector<1x16xf32>
        tpu.vector_store %arg8[%parallel_loop3A_237, %parallel_loop3A_238], %parallel_loop3A_241 {strides = array<i32>} : memref<40x144xf32, #tpu.memory_space<vmem>>, vector<1x16xf32>,
        %parallel_loop3A_242 = arith.index_cast %parallel_loop3A_222 : i32 to index
        %parallel_loop3A_243 = arith.constant 0 : index
        %parallel_loop3A_244 = tpu.vector_load %arg8[%parallel_loop3A_242, %parallel_loop3A_243] {strides = array<i32>} : memref<40x144xf32, #tpu.memory_space<vmem>>, vector<1x16xf32>,
        %parallel_loop3A_245 = vector.shape_cast %parallel_loop3A_244 : vector<1x16xf32> to vector<1x16xf32>
        %parallel_loop3A_246 = arith.mulf %parallel_loop3A_245, %parallel_loop3A_236 : vector<1x16xf32>
        %parallel_loop3A_247 = arith.index_cast %parallel_loop3A_222 : i32 to index
        %parallel_loop3A_248 = arith.constant 0 : index
        %parallel_loop3A_249 = tpu.vector_load %arg8[%parallel_loop3A_247, %parallel_loop3A_248] {strides = array<i32>} : memref<40x144xf32, #tpu.memory_space<vmem>>, vector<1x16xf32>,
        %parallel_loop3A_250 = vector.shape_cast %parallel_loop3A_249 : vector<1x16xf32> to vector<1x16xf32>
        %parallel_loop3A_251 = vector.shape_cast %parallel_loop3A_246 : vector<1x16xf32> to vector<1x16xf32>
        tpu.vector_store %arg8[%parallel_loop3A_247, %parallel_loop3A_248], %parallel_loop3A_251 {strides = array<i32>} : memref<40x144xf32, #tpu.memory_space<vmem>>, vector<1x16xf32>,
        %parallel_loop3A_252 = arith.index_cast %parallel_loop3A_222 : i32 to index
        %parallel_loop3A_253 = arith.constant 16 : index
        %parallel_loop3A_254 = tpu.vector_load %arg8[%parallel_loop3A_252, %parallel_loop3A_253] {strides = array<i32>} : memref<40x144xf32, #tpu.memory_space<vmem>>, vector<1x16xf32>,
        %parallel_loop3A_255 = vector.shape_cast %parallel_loop3A_254 : vector<1x16xf32> to vector<1x16xf32>
        %parallel_loop3A_256 = arith.mulf %parallel_loop3A_255, %parallel_loop3A_236 : vector<1x16xf32>
        %parallel_loop3A_257 = arith.index_cast %parallel_loop3A_222 : i32 to index
        %parallel_loop3A_258 = arith.constant 16 : index
        %parallel_loop3A_259 = tpu.vector_load %arg8[%parallel_loop3A_257, %parallel_loop3A_258] {strides = array<i32>} : memref<40x144xf32, #tpu.memory_space<vmem>>, vector<1x16xf32>,
        %parallel_loop3A_260 = vector.shape_cast %parallel_loop3A_259 : vector<1x16xf32> to vector<1x16xf32>
        %parallel_loop3A_261 = vector.shape_cast %parallel_loop3A_256 : vector<1x16xf32> to vector<1x16xf32>
        tpu.vector_store %arg8[%parallel_loop3A_257, %parallel_loop3A_258], %parallel_loop3A_261 {strides = array<i32>} : memref<40x144xf32, #tpu.memory_space<vmem>>, vector<1x16xf32>,
        %parallel_loop3A_262 = arith.index_cast %parallel_loop3A_222 : i32 to index
        %parallel_loop3A_263 = arith.constant 32 : index
        %parallel_loop3A_264 = tpu.vector_load %arg8[%parallel_loop3A_262, %parallel_loop3A_263] {strides = array<i32>} : memref<40x144xf32, #tpu.memory_space<vmem>>, vector<1x16xf32>,
        %parallel_loop3A_265 = vector.shape_cast %parallel_loop3A_264 : vector<1x16xf32> to vector<1x16xf32>
        %parallel_loop3A_266 = arith.mulf %parallel_loop3A_265, %parallel_loop3A_236 : vector<1x16xf32>
        %parallel_loop3A_267 = arith.index_cast %parallel_loop3A_222 : i32 to index
        %parallel_loop3A_268 = arith.constant 32 : index
        %parallel_loop3A_269 = tpu.vector_load %arg8[%parallel_loop3A_267, %parallel_loop3A_268] {strides = array<i32>} : memref<40x144xf32, #tpu.memory_space<vmem>>, vector<1x16xf32>,
        %parallel_loop3A_270 = vector.shape_cast %parallel_loop3A_269 : vector<1x16xf32> to vector<1x16xf32>
        %parallel_loop3A_271 = vector.shape_cast %parallel_loop3A_266 : vector<1x16xf32> to vector<1x16xf32>
        tpu.vector_store %arg8[%parallel_loop3A_267, %parallel_loop3A_268], %parallel_loop3A_271 {strides = array<i32>} : memref<40x144xf32, #tpu.memory_space<vmem>>, vector<1x16xf32>,
        %parallel_loop3A_272 = arith.index_cast %parallel_loop3A_222 : i32 to index
        %parallel_loop3A_273 = arith.constant 48 : index
        %parallel_loop3A_274 = tpu.vector_load %arg8[%parallel_loop3A_272, %parallel_loop3A_273] {strides = array<i32>} : memref<40x144xf32, #tpu.memory_space<vmem>>, vector<1x16xf32>,
        %parallel_loop3A_275 = vector.shape_cast %parallel_loop3A_274 : vector<1x16xf32> to vector<1x16xf32>
        %parallel_loop3A_276 = arith.mulf %parallel_loop3A_275, %parallel_loop3A_236 : vector<1x16xf32>
        %parallel_loop3A_277 = arith.index_cast %parallel_loop3A_222 : i32 to index
        %parallel_loop3A_278 = arith.constant 48 : index
        %parallel_loop3A_279 = tpu.vector_load %arg8[%parallel_loop3A_277, %parallel_loop3A_278] {strides = array<i32>} : memref<40x144xf32, #tpu.memory_space<vmem>>, vector<1x16xf32>,
        %parallel_loop3A_280 = vector.shape_cast %parallel_loop3A_279 : vector<1x16xf32> to vector<1x16xf32>
        %parallel_loop3A_281 = vector.shape_cast %parallel_loop3A_276 : vector<1x16xf32> to vector<1x16xf32>
        tpu.vector_store %arg8[%parallel_loop3A_277, %parallel_loop3A_278], %parallel_loop3A_281 {strides = array<i32>} : memref<40x144xf32, #tpu.memory_space<vmem>>, vector<1x16xf32>,
        %parallel_loop3A_282 = arith.index_cast %parallel_loop3A_222 : i32 to index
        %parallel_loop3A_283 = arith.constant 64 : index
        %parallel_loop3A_284 = tpu.vector_load %arg8[%parallel_loop3A_282, %parallel_loop3A_283] {strides = array<i32>} : memref<40x144xf32, #tpu.memory_space<vmem>>, vector<1x16xf32>,
        %parallel_loop3A_285 = vector.shape_cast %parallel_loop3A_284 : vector<1x16xf32> to vector<1x16xf32>
        %parallel_loop3A_286 = arith.mulf %parallel_loop3A_285, %parallel_loop3A_236 : vector<1x16xf32>
        %parallel_loop3A_287 = arith.index_cast %parallel_loop3A_222 : i32 to index
        %parallel_loop3A_288 = arith.constant 64 : index
        %parallel_loop3A_289 = tpu.vector_load %arg8[%parallel_loop3A_287, %parallel_loop3A_288] {strides = array<i32>} : memref<40x144xf32, #tpu.memory_space<vmem>>, vector<1x16xf32>,
        %parallel_loop3A_290 = vector.shape_cast %parallel_loop3A_289 : vector<1x16xf32> to vector<1x16xf32>
        %parallel_loop3A_291 = vector.shape_cast %parallel_loop3A_286 : vector<1x16xf32> to vector<1x16xf32>
        tpu.vector_store %arg8[%parallel_loop3A_287, %parallel_loop3A_288], %parallel_loop3A_291 {strides = array<i32>} : memref<40x144xf32, #tpu.memory_space<vmem>>, vector<1x16xf32>,
        %parallel_loop3A_292 = arith.index_cast %parallel_loop3A_222 : i32 to index
        %parallel_loop3A_293 = arith.constant 80 : index
        %parallel_loop3A_294 = tpu.vector_load %arg8[%parallel_loop3A_292, %parallel_loop3A_293] {strides = array<i32>} : memref<40x144xf32, #tpu.memory_space<vmem>>, vector<1x16xf32>,
        %parallel_loop3A_295 = vector.shape_cast %parallel_loop3A_294 : vector<1x16xf32> to vector<1x16xf32>
        %parallel_loop3A_296 = arith.mulf %parallel_loop3A_295, %parallel_loop3A_236 : vector<1x16xf32>
        %parallel_loop3A_297 = arith.index_cast %parallel_loop3A_222 : i32 to index
        %parallel_loop3A_298 = arith.constant 80 : index
        %parallel_loop3A_299 = tpu.vector_load %arg8[%parallel_loop3A_297, %parallel_loop3A_298] {strides = array<i32>} : memref<40x144xf32, #tpu.memory_space<vmem>>, vector<1x16xf32>,
        %parallel_loop3A_300 = vector.shape_cast %parallel_loop3A_299 : vector<1x16xf32> to vector<1x16xf32>
        %parallel_loop3A_301 = vector.shape_cast %parallel_loop3A_296 : vector<1x16xf32> to vector<1x16xf32>
        tpu.vector_store %arg8[%parallel_loop3A_297, %parallel_loop3A_298], %parallel_loop3A_301 {strides = array<i32>} : memref<40x144xf32, #tpu.memory_space<vmem>>, vector<1x16xf32>,
        %parallel_loop3A_302 = arith.index_cast %parallel_loop3A_222 : i32 to index
        %parallel_loop3A_303 = arith.constant 96 : index
        %parallel_loop3A_304 = tpu.vector_load %arg8[%parallel_loop3A_302, %parallel_loop3A_303] {strides = array<i32>} : memref<40x144xf32, #tpu.memory_space<vmem>>, vector<1x16xf32>,
        %parallel_loop3A_305 = vector.shape_cast %parallel_loop3A_304 : vector<1x16xf32> to vector<1x16xf32>
        %parallel_loop3A_306 = arith.mulf %parallel_loop3A_305, %parallel_loop3A_236 : vector<1x16xf32>
        %parallel_loop3A_307 = arith.index_cast %parallel_loop3A_222 : i32 to index
        %parallel_loop3A_308 = arith.constant 96 : index
        %parallel_loop3A_309 = tpu.vector_load %arg8[%parallel_loop3A_307, %parallel_loop3A_308] {strides = array<i32>} : memref<40x144xf32, #tpu.memory_space<vmem>>, vector<1x16xf32>,
        %parallel_loop3A_310 = vector.shape_cast %parallel_loop3A_309 : vector<1x16xf32> to vector<1x16xf32>
        %parallel_loop3A_311 = vector.shape_cast %parallel_loop3A_306 : vector<1x16xf32> to vector<1x16xf32>
        tpu.vector_store %arg8[%parallel_loop3A_307, %parallel_loop3A_308], %parallel_loop3A_311 {strides = array<i32>} : memref<40x144xf32, #tpu.memory_space<vmem>>, vector<1x16xf32>,
        %parallel_loop3A_312 = arith.index_cast %parallel_loop3A_222 : i32 to index
        %parallel_loop3A_313 = arith.constant 112 : index
        %parallel_loop3A_314 = tpu.vector_load %arg8[%parallel_loop3A_312, %parallel_loop3A_313] {strides = array<i32>} : memref<40x144xf32, #tpu.memory_space<vmem>>, vector<1x16xf32>,
        %parallel_loop3A_315 = vector.shape_cast %parallel_loop3A_314 : vector<1x16xf32> to vector<1x16xf32>
        %parallel_loop3A_316 = arith.mulf %parallel_loop3A_315, %parallel_loop3A_236 : vector<1x16xf32>
        %parallel_loop3A_317 = arith.index_cast %parallel_loop3A_222 : i32 to index
        %parallel_loop3A_318 = arith.constant 112 : index
        %parallel_loop3A_319 = tpu.vector_load %arg8[%parallel_loop3A_317, %parallel_loop3A_318] {strides = array<i32>} : memref<40x144xf32, #tpu.memory_space<vmem>>, vector<1x16xf32>,
        %parallel_loop3A_320 = vector.shape_cast %parallel_loop3A_319 : vector<1x16xf32> to vector<1x16xf32>
        %parallel_loop3A_321 = vector.shape_cast %parallel_loop3A_316 : vector<1x16xf32> to vector<1x16xf32>
        tpu.vector_store %arg8[%parallel_loop3A_317, %parallel_loop3A_318], %parallel_loop3A_321 {strides = array<i32>} : memref<40x144xf32, #tpu.memory_space<vmem>>, vector<1x16xf32>,
      } {sc.loop_unroll_factor = 2 : i64, sc.parallel_access}
      %dma_start3A_173 = arith.constant 0 : i32
      %dma_start3A_174 = tpu.memref_slice %arg13[%mul3A_141, %dma_start3A_173] : memref<250x40xi32, #tpu.memory_space<vmem>> -> memref<1x40xi32, #tpu.memory_space<vmem>>
      %dma_start3A_175 = tpu.memref_squeeze %dma_start3A_174 : memref<1x40xi32, #tpu.memory_space<vmem>> -> memref<40xi32, #tpu.memory_space<vmem>>
      %dma_start3A_176 = arith.constant 0 : i32
      %dma_start3A_177 = arith.constant 0 : i32
      %dma_start3A_178 = tpu.memref_slice %arg14[%dma_start3A_176, %dma_start3A_177] : memref<10000x144xf32, #tpu.memory_space<vmem_shared>> -> memref<10000x144xf32, #tpu.memory_space<vmem_shared>>
      tpu.enqueue_indirect_dma source(%arg8 : memref<40x144xf32, #tpu.memory_space<vmem>>) target(%dma_start3A_178 : memref<10000x144xf32, #tpu.memory_space<vmem_shared>>) offsets(%dma_start3A_175 : memref<40xi32, #tpu.memory_space<vmem>>) semaphore(%arg17 : memref<!tpu.dma_semaphore, #tpu.memory_space<semaphore_mem>>) {add = true}
      %dma_wait3A_179 = arith.constant 0 : i32
      %dma_wait3A_180 = arith.constant 0 : i32
      %dma_wait3A_181 = tpu.memref_slice %arg2[%dma_wait3A_179, %dma_wait3A_180] : memref<10000x144xf32, #tpu.memory_space<hbm>> -> memref<40x144xf32, #tpu.memory_space<hbm>>
      %dma_wait3A_182 = arith.constant 0 : i32
      %dma_wait3A_183 = arith.constant 0 : i32
      %dma_wait3A_184 = tpu.memref_slice %arg2[%dma_wait3A_182, %dma_wait3A_183] : memref<10000x144xf32, #tpu.memory_space<hbm>> -> memref<40x144xf32, #tpu.memory_space<hbm>>
      tpu.wait_dma2 semaphore(%arg16 : memref<!tpu.dma_semaphore, #tpu.memory_space<semaphore_mem>>) src(%dma_wait3A_184 : memref<40x144xf32, #tpu.memory_space<hbm>>) dst(%arg8 : memref<40x144xf32, #tpu.memory_space<vmem>>)
      %dma_wait3A_185 = arith.constant 0 : i32
      %dma_wait3A_186 = arith.constant 0 : i32
      %dma_wait3A_187 = tpu.memref_slice %arg3[%dma_wait3A_185, %dma_wait3A_186] : memref<10000x16xf32, #tpu.memory_space<hbm>> -> memref<40x16xf32, #tpu.memory_space<hbm>>
      %dma_wait3A_188 = arith.constant 0 : i32
      %dma_wait3A_189 = arith.constant 0 : i32
      %dma_wait3A_190 = tpu.memref_slice %arg3[%dma_wait3A_188, %dma_wait3A_189] : memref<10000x16xf32, #tpu.memory_space<hbm>> -> memref<40x16xf32, #tpu.memory_space<hbm>>
      tpu.wait_dma2 semaphore(%arg16 : memref<!tpu.dma_semaphore, #tpu.memory_space<semaphore_mem>>) src(%dma_wait3A_190 : memref<40x16xf32, #tpu.memory_space<hbm>>) dst(%arg10 : memref<40x16xf32, #tpu.memory_space<vmem>>)
      %dma_wait3A_191 = arith.constant 0 : i32
      %dma_wait3A_192 = arith.constant 0 : i32
      %dma_wait3A_193 = tpu.memref_slice %arg2[%dma_wait3A_191, %dma_wait3A_192] : memref<10000x144xf32, #tpu.memory_space<hbm>> -> memref<40x144xf32, #tpu.memory_space<hbm>>
      %dma_wait3A_194 = arith.constant 0 : i32
      %dma_wait3A_195 = arith.constant 0 : i32
      %dma_wait3A_196 = tpu.memref_slice %arg2[%dma_wait3A_194, %dma_wait3A_195] : memref<10000x144xf32, #tpu.memory_space<hbm>> -> memref<40x144xf32, #tpu.memory_space<hbm>>
      tpu.wait_dma2 semaphore(%arg17 : memref<!tpu.dma_semaphore, #tpu.memory_space<semaphore_mem>>) src(%dma_wait3A_196 : memref<40x144xf32, #tpu.memory_space<hbm>>) dst(%arg8 : memref<40x144xf32, #tpu.memory_space<vmem>>)
      %add3A_197 = arith.constant 2 : i32
      %add3A_198 = arith.addi %mul3A_141, %add3A_197 : i32
      %dma_start3A_199 = arith.constant 0 : i32
      %dma_start3A_200 = tpu.memref_slice %arg12[%add3A_198, %dma_start3A_199] : memref<250x40xi32, #tpu.memory_space<vmem>> -> memref<1x40xi32, #tpu.memory_space<vmem>>
      %dma_start3A_201 = tpu.memref_squeeze %dma_start3A_200 : memref<1x40xi32, #tpu.memory_space<vmem>> -> memref<40xi32, #tpu.memory_space<vmem>>
      %dma_start3A_202 = arith.constant 0 : i32
      %dma_start3A_203 = arith.constant 0 : i32
      %dma_start3A_204 = tpu.memref_slice %arg2[%dma_start3A_202, %dma_start3A_203] : memref<10000x144xf32, #tpu.memory_space<hbm>> -> memref<10000x144xf32, #tpu.memory_space<hbm>>
      tpu.enqueue_indirect_dma source(%dma_start3A_204 : memref<10000x144xf32, #tpu.memory_space<hbm>>) target(%arg8 : memref<40x144xf32, #tpu.memory_space<vmem>>) offsets(%dma_start3A_201 : memref<40xi32, #tpu.memory_space<vmem>>) semaphore(%arg15 : memref<!tpu.dma_semaphore, #tpu.memory_space<semaphore_mem>>)
      %dma_start3A_205 = arith.constant 0 : i32
      %dma_start3A_206 = tpu.memref_slice %arg13[%add3A_198, %dma_start3A_205] : memref<250x40xi32, #tpu.memory_space<vmem>> -> memref<1x40xi32, #tpu.memory_space<vmem>>
      %dma_start3A_207 = tpu.memref_squeeze %dma_start3A_206 : memref<1x40xi32, #tpu.memory_space<vmem>> -> memref<40xi32, #tpu.memory_space<vmem>>
      %dma_start3A_208 = arith.constant 0 : i32
      %dma_start3A_209 = arith.constant 0 : i32
      %dma_start3A_210 = tpu.memref_slice %arg3[%dma_start3A_208, %dma_start3A_209] : memref<10000x16xf32, #tpu.memory_space<hbm>> -> memref<10000x16xf32, #tpu.memory_space<hbm>>
      tpu.enqueue_indirect_dma source(%dma_start3A_210 : memref<10000x16xf32, #tpu.memory_space<hbm>>) target(%arg10 : memref<40x16xf32, #tpu.memory_space<vmem>>) offsets(%dma_start3A_207 : memref<40xi32, #tpu.memory_space<vmem>>) semaphore(%arg15 : memref<!tpu.dma_semaphore, #tpu.memory_space<semaphore_mem>>)
      %parallel_loop3A_211 = arith.constant 0 : i32
      %parallel_loop3A_212 = arith.constant 40 : i32
      %parallel_loop3A_213 = arith.constant 1 : i32
      scf.for %parallel_loop3A_222 = %parallel_loop3A_211 to %parallel_loop3A_212 step %parallel_loop3A_213  : i32 {
        %parallel_loop3A_223 = arith.index_cast %parallel_loop3A_222 : i32 to index
        %parallel_loop3A_224 = arith.constant 128 : index
        %parallel_loop3A_225 = tpu.vector_load %arg9[%parallel_loop3A_223, %parallel_loop3A_224] {strides = array<i32>} : memref<40x144xf32, #tpu.memory_space<vmem>>, vector<1x16xf32>,
        %parallel_loop3A_226 = vector.shape_cast %parallel_loop3A_225 : vector<1x16xf32> to vector<1x16xf32>
        %parallel_loop3A_227 = arith.index_cast %parallel_loop3A_222 : i32 to index
        %parallel_loop3A_228 = arith.constant 0 : index
        %parallel_loop3A_229 = tpu.vector_load %arg11[%parallel_loop3A_227, %parallel_loop3A_228] {strides = array<i32>} : memref<40x16xf32, #tpu.memory_space<vmem>>, vector<1x16xf32>,
        %parallel_loop3A_230 = vector.shape_cast %parallel_loop3A_229 : vector<1x16xf32> to vector<1x16xf32>
        %parallel_loop3A_231 = arith.addf %parallel_loop3A_226, %parallel_loop3A_230 : vector<1x16xf32>
        %parallel_loop3A_232 = arith.constant 2.000000e-01 : f32
        %parallel_loop3A_233 = vector.broadcast %parallel_loop3A_232 : f32 to vector<1x16xf32>
        %parallel_loop3A_234 = arith.mulf %parallel_loop3A_231, %parallel_loop3A_233 : vector<1x16xf32>
        %parallel_loop3A_235 = arith.maximumf %parallel_loop3A_231, %parallel_loop3A_234 : vector<1x16xf32>
        %parallel_loop3A_236 = math.exp %parallel_loop3A_235 : vector<1x16xf32>
        %parallel_loop3A_237 = arith.index_cast %parallel_loop3A_222 : i32 to index
        %parallel_loop3A_238 = arith.constant 128 : index
        %parallel_loop3A_239 = tpu.vector_load %arg9[%parallel_loop3A_237, %parallel_loop3A_238] {strides = array<i32>} : memref<40x144xf32, #tpu.memory_space<vmem>>, vector<1x16xf32>,
        %parallel_loop3A_240 = vector.shape_cast %parallel_loop3A_239 : vector<1x16xf32> to vector<1x16xf32>
        %parallel_loop3A_241 = vector.shape_cast %parallel_loop3A_236 : vector<1x16xf32> to vector<1x16xf32>
        tpu.vector_store %arg9[%parallel_loop3A_237, %parallel_loop3A_238], %parallel_loop3A_241 {strides = array<i32>} : memref<40x144xf32, #tpu.memory_space<vmem>>, vector<1x16xf32>,
        %parallel_loop3A_242 = arith.index_cast %parallel_loop3A_222 : i32 to index
        %parallel_loop3A_243 = arith.constant 0 : index
        %parallel_loop3A_244 = tpu.vector_load %arg9[%parallel_loop3A_242, %parallel_loop3A_243] {strides = array<i32>} : memref<40x144xf32, #tpu.memory_space<vmem>>, vector<1x16xf32>,
        %parallel_loop3A_245 = vector.shape_cast %parallel_loop3A_244 : vector<1x16xf32> to vector<1x16xf32>
        %parallel_loop3A_246 = arith.mulf %parallel_loop3A_245, %parallel_loop3A_236 : vector<1x16xf32>
        %parallel_loop3A_247 = arith.index_cast %parallel_loop3A_222 : i32 to index
        %parallel_loop3A_248 = arith.constant 0 : index
        %parallel_loop3A_249 = tpu.vector_load %arg9[%parallel_loop3A_247, %parallel_loop3A_248] {strides = array<i32>} : memref<40x144xf32, #tpu.memory_space<vmem>>, vector<1x16xf32>,
        %parallel_loop3A_250 = vector.shape_cast %parallel_loop3A_249 : vector<1x16xf32> to vector<1x16xf32>
        %parallel_loop3A_251 = vector.shape_cast %parallel_loop3A_246 : vector<1x16xf32> to vector<1x16xf32>
        tpu.vector_store %arg9[%parallel_loop3A_247, %parallel_loop3A_248], %parallel_loop3A_251 {strides = array<i32>} : memref<40x144xf32, #tpu.memory_space<vmem>>, vector<1x16xf32>,
        %parallel_loop3A_252 = arith.index_cast %parallel_loop3A_222 : i32 to index
        %parallel_loop3A_253 = arith.constant 16 : index
        %parallel_loop3A_254 = tpu.vector_load %arg9[%parallel_loop3A_252, %parallel_loop3A_253] {strides = array<i32>} : memref<40x144xf32, #tpu.memory_space<vmem>>, vector<1x16xf32>,
        %parallel_loop3A_255 = vector.shape_cast %parallel_loop3A_254 : vector<1x16xf32> to vector<1x16xf32>
        %parallel_loop3A_256 = arith.mulf %parallel_loop3A_255, %parallel_loop3A_236 : vector<1x16xf32>
        %parallel_loop3A_257 = arith.index_cast %parallel_loop3A_222 : i32 to index
        %parallel_loop3A_258 = arith.constant 16 : index
        %parallel_loop3A_259 = tpu.vector_load %arg9[%parallel_loop3A_257, %parallel_loop3A_258] {strides = array<i32>} : memref<40x144xf32, #tpu.memory_space<vmem>>, vector<1x16xf32>,
        %parallel_loop3A_260 = vector.shape_cast %parallel_loop3A_259 : vector<1x16xf32> to vector<1x16xf32>
        %parallel_loop3A_261 = vector.shape_cast %parallel_loop3A_256 : vector<1x16xf32> to vector<1x16xf32>
        tpu.vector_store %arg9[%parallel_loop3A_257, %parallel_loop3A_258], %parallel_loop3A_261 {strides = array<i32>} : memref<40x144xf32, #tpu.memory_space<vmem>>, vector<1x16xf32>,
        %parallel_loop3A_262 = arith.index_cast %parallel_loop3A_222 : i32 to index
        %parallel_loop3A_263 = arith.constant 32 : index
        %parallel_loop3A_264 = tpu.vector_load %arg9[%parallel_loop3A_262, %parallel_loop3A_263] {strides = array<i32>} : memref<40x144xf32, #tpu.memory_space<vmem>>, vector<1x16xf32>,
        %parallel_loop3A_265 = vector.shape_cast %parallel_loop3A_264 : vector<1x16xf32> to vector<1x16xf32>
        %parallel_loop3A_266 = arith.mulf %parallel_loop3A_265, %parallel_loop3A_236 : vector<1x16xf32>
        %parallel_loop3A_267 = arith.index_cast %parallel_loop3A_222 : i32 to index
        %parallel_loop3A_268 = arith.constant 32 : index
        %parallel_loop3A_269 = tpu.vector_load %arg9[%parallel_loop3A_267, %parallel_loop3A_268] {strides = array<i32>} : memref<40x144xf32, #tpu.memory_space<vmem>>, vector<1x16xf32>,
        %parallel_loop3A_270 = vector.shape_cast %parallel_loop3A_269 : vector<1x16xf32> to vector<1x16xf32>
        %parallel_loop3A_271 = vector.shape_cast %parallel_loop3A_266 : vector<1x16xf32> to vector<1x16xf32>
        tpu.vector_store %arg9[%parallel_loop3A_267, %parallel_loop3A_268], %parallel_loop3A_271 {strides = array<i32>} : memref<40x144xf32, #tpu.memory_space<vmem>>, vector<1x16xf32>,
        %parallel_loop3A_272 = arith.index_cast %parallel_loop3A_222 : i32 to index
        %parallel_loop3A_273 = arith.constant 48 : index
        %parallel_loop3A_274 = tpu.vector_load %arg9[%parallel_loop3A_272, %parallel_loop3A_273] {strides = array<i32>} : memref<40x144xf32, #tpu.memory_space<vmem>>, vector<1x16xf32>,
        %parallel_loop3A_275 = vector.shape_cast %parallel_loop3A_274 : vector<1x16xf32> to vector<1x16xf32>
        %parallel_loop3A_276 = arith.mulf %parallel_loop3A_275, %parallel_loop3A_236 : vector<1x16xf32>
        %parallel_loop3A_277 = arith.index_cast %parallel_loop3A_222 : i32 to index
        %parallel_loop3A_278 = arith.constant 48 : index
        %parallel_loop3A_279 = tpu.vector_load %arg9[%parallel_loop3A_277, %parallel_loop3A_278] {strides = array<i32>} : memref<40x144xf32, #tpu.memory_space<vmem>>, vector<1x16xf32>,
        %parallel_loop3A_280 = vector.shape_cast %parallel_loop3A_279 : vector<1x16xf32> to vector<1x16xf32>
        %parallel_loop3A_281 = vector.shape_cast %parallel_loop3A_276 : vector<1x16xf32> to vector<1x16xf32>
        tpu.vector_store %arg9[%parallel_loop3A_277, %parallel_loop3A_278], %parallel_loop3A_281 {strides = array<i32>} : memref<40x144xf32, #tpu.memory_space<vmem>>, vector<1x16xf32>,
        %parallel_loop3A_282 = arith.index_cast %parallel_loop3A_222 : i32 to index
        %parallel_loop3A_283 = arith.constant 64 : index
        %parallel_loop3A_284 = tpu.vector_load %arg9[%parallel_loop3A_282, %parallel_loop3A_283] {strides = array<i32>} : memref<40x144xf32, #tpu.memory_space<vmem>>, vector<1x16xf32>,
        %parallel_loop3A_285 = vector.shape_cast %parallel_loop3A_284 : vector<1x16xf32> to vector<1x16xf32>
        %parallel_loop3A_286 = arith.mulf %parallel_loop3A_285, %parallel_loop3A_236 : vector<1x16xf32>
        %parallel_loop3A_287 = arith.index_cast %parallel_loop3A_222 : i32 to index
        %parallel_loop3A_288 = arith.constant 64 : index
        %parallel_loop3A_289 = tpu.vector_load %arg9[%parallel_loop3A_287, %parallel_loop3A_288] {strides = array<i32>} : memref<40x144xf32, #tpu.memory_space<vmem>>, vector<1x16xf32>,
        %parallel_loop3A_290 = vector.shape_cast %parallel_loop3A_289 : vector<1x16xf32> to vector<1x16xf32>
        %parallel_loop3A_291 = vector.shape_cast %parallel_loop3A_286 : vector<1x16xf32> to vector<1x16xf32>
        tpu.vector_store %arg9[%parallel_loop3A_287, %parallel_loop3A_288], %parallel_loop3A_291 {strides = array<i32>} : memref<40x144xf32, #tpu.memory_space<vmem>>, vector<1x16xf32>,
        %parallel_loop3A_292 = arith.index_cast %parallel_loop3A_222 : i32 to index
        %parallel_loop3A_293 = arith.constant 80 : index
        %parallel_loop3A_294 = tpu.vector_load %arg9[%parallel_loop3A_292, %parallel_loop3A_293] {strides = array<i32>} : memref<40x144xf32, #tpu.memory_space<vmem>>, vector<1x16xf32>,
        %parallel_loop3A_295 = vector.shape_cast %parallel_loop3A_294 : vector<1x16xf32> to vector<1x16xf32>
        %parallel_loop3A_296 = arith.mulf %parallel_loop3A_295, %parallel_loop3A_236 : vector<1x16xf32>
        %parallel_loop3A_297 = arith.index_cast %parallel_loop3A_222 : i32 to index
        %parallel_loop3A_298 = arith.constant 80 : index
        %parallel_loop3A_299 = tpu.vector_load %arg9[%parallel_loop3A_297, %parallel_loop3A_298] {strides = array<i32>} : memref<40x144xf32, #tpu.memory_space<vmem>>, vector<1x16xf32>,
        %parallel_loop3A_300 = vector.shape_cast %parallel_loop3A_299 : vector<1x16xf32> to vector<1x16xf32>
        %parallel_loop3A_301 = vector.shape_cast %parallel_loop3A_296 : vector<1x16xf32> to vector<1x16xf32>
        tpu.vector_store %arg9[%parallel_loop3A_297, %parallel_loop3A_298], %parallel_loop3A_301 {strides = array<i32>} : memref<40x144xf32, #tpu.memory_space<vmem>>, vector<1x16xf32>,
        %parallel_loop3A_302 = arith.index_cast %parallel_loop3A_222 : i32 to index
        %parallel_loop3A_303 = arith.constant 96 : index
        %parallel_loop3A_304 = tpu.vector_load %arg9[%parallel_loop3A_302, %parallel_loop3A_303] {strides = array<i32>} : memref<40x144xf32, #tpu.memory_space<vmem>>, vector<1x16xf32>,
        %parallel_loop3A_305 = vector.shape_cast %parallel_loop3A_304 : vector<1x16xf32> to vector<1x16xf32>
        %parallel_loop3A_306 = arith.mulf %parallel_loop3A_305, %parallel_loop3A_236 : vector<1x16xf32>
        %parallel_loop3A_307 = arith.index_cast %parallel_loop3A_222 : i32 to index
        %parallel_loop3A_308 = arith.constant 96 : index
        %parallel_loop3A_309 = tpu.vector_load %arg9[%parallel_loop3A_307, %parallel_loop3A_308] {strides = array<i32>} : memref<40x144xf32, #tpu.memory_space<vmem>>, vector<1x16xf32>,
        %parallel_loop3A_310 = vector.shape_cast %parallel_loop3A_309 : vector<1x16xf32> to vector<1x16xf32>
        %parallel_loop3A_311 = vector.shape_cast %parallel_loop3A_306 : vector<1x16xf32> to vector<1x16xf32>
        tpu.vector_store %arg9[%parallel_loop3A_307, %parallel_loop3A_308], %parallel_loop3A_311 {strides = array<i32>} : memref<40x144xf32, #tpu.memory_space<vmem>>, vector<1x16xf32>,
        %parallel_loop3A_312 = arith.index_cast %parallel_loop3A_222 : i32 to index
        %parallel_loop3A_313 = arith.constant 112 : index
        %parallel_loop3A_314 = tpu.vector_load %arg9[%parallel_loop3A_312, %parallel_loop3A_313] {strides = array<i32>} : memref<40x144xf32, #tpu.memory_space<vmem>>, vector<1x16xf32>,
        %parallel_loop3A_315 = vector.shape_cast %parallel_loop3A_314 : vector<1x16xf32> to vector<1x16xf32>
        %parallel_loop3A_316 = arith.mulf %parallel_loop3A_315, %parallel_loop3A_236 : vector<1x16xf32>
        %parallel_loop3A_317 = arith.index_cast %parallel_loop3A_222 : i32 to index
        %parallel_loop3A_318 = arith.constant 112 : index
        %parallel_loop3A_319 = tpu.vector_load %arg9[%parallel_loop3A_317, %parallel_loop3A_318] {strides = array<i32>} : memref<40x144xf32, #tpu.memory_space<vmem>>, vector<1x16xf32>,
        %parallel_loop3A_320 = vector.shape_cast %parallel_loop3A_319 : vector<1x16xf32> to vector<1x16xf32>
        %parallel_loop3A_321 = vector.shape_cast %parallel_loop3A_316 : vector<1x16xf32> to vector<1x16xf32>
        tpu.vector_store %arg9[%parallel_loop3A_317, %parallel_loop3A_318], %parallel_loop3A_321 {strides = array<i32>} : memref<40x144xf32, #tpu.memory_space<vmem>>, vector<1x16xf32>,
      } {sc.loop_unroll_factor = 2 : i64, sc.parallel_access}
      %add3A_214 = arith.constant 1 : i32
      %add3A_215 = arith.addi %mul3A_141, %add3A_214 : i32
      %dma_start3A_216 = arith.constant 0 : i32
      %dma_start3A_217 = tpu.memref_slice %arg13[%add3A_215, %dma_start3A_216] : memref<250x40xi32, #tpu.memory_space<vmem>> -> memref<1x40xi32, #tpu.memory_space<vmem>>
      %dma_start3A_218 = tpu.memref_squeeze %dma_start3A_217 : memref<1x40xi32, #tpu.memory_space<vmem>> -> memref<40xi32, #tpu.memory_space<vmem>>
      %dma_start3A_219 = arith.constant 0 : i32
      %dma_start3A_220 = arith.constant 0 : i32
      %dma_start3A_221 = tpu.memref_slice %arg14[%dma_start3A_219, %dma_start3A_220] : memref<10000x144xf32, #tpu.memory_space<vmem_shared>> -> memref<10000x144xf32, #tpu.memory_space<vmem_shared>>
      tpu.enqueue_indirect_dma source(%arg9 : memref<40x144xf32, #tpu.memory_space<vmem>>) target(%dma_start3A_221 : memref<10000x144xf32, #tpu.memory_space<vmem_shared>>) offsets(%dma_start3A_218 : memref<40xi32, #tpu.memory_space<vmem>>) semaphore(%arg18 : memref<!tpu.dma_semaphore, #tpu.memory_space<semaphore_mem>>) {add = true}
    }
    %scan3A_39 = arith.constant 124 : i32
    %dma_wait3A = arith.constant 0 : i32
    %dma_wait3A_40 = arith.constant 0 : i32
    %dma_wait3A_41 = tpu.memref_slice %arg2[%dma_wait3A, %dma_wait3A_40] : memref<10000x144xf32, #tpu.memory_space<hbm>> -> memref<40x144xf32, #tpu.memory_space<hbm>>
    %dma_wait3A_42 = arith.constant 0 : i32
    %dma_wait3A_43 = arith.constant 0 : i32
    %dma_wait3A_44 = tpu.memref_slice %arg2[%dma_wait3A_42, %dma_wait3A_43] : memref<10000x144xf32, #tpu.memory_space<hbm>> -> memref<40x144xf32, #tpu.memory_space<hbm>>
    tpu.wait_dma2 semaphore(%arg15 : memref<!tpu.dma_semaphore, #tpu.memory_space<semaphore_mem>>) src(%dma_wait3A_44 : memref<40x144xf32, #tpu.memory_space<hbm>>) dst(%arg8 : memref<40x144xf32, #tpu.memory_space<vmem>>)
    %dma_wait3A_45 = arith.constant 0 : i32
    %dma_wait3A_46 = arith.constant 0 : i32
    %dma_wait3A_47 = tpu.memref_slice %arg3[%dma_wait3A_45, %dma_wait3A_46] : memref<10000x16xf32, #tpu.memory_space<hbm>> -> memref<40x16xf32, #tpu.memory_space<hbm>>
    %dma_wait3A_48 = arith.constant 0 : i32
    %dma_wait3A_49 = arith.constant 0 : i32
    %dma_wait3A_50 = tpu.memref_slice %arg3[%dma_wait3A_48, %dma_wait3A_49] : memref<10000x16xf32, #tpu.memory_space<hbm>> -> memref<40x16xf32, #tpu.memory_space<hbm>>
    tpu.wait_dma2 semaphore(%arg15 : memref<!tpu.dma_semaphore, #tpu.memory_space<semaphore_mem>>) src(%dma_wait3A_50 : memref<40x16xf32, #tpu.memory_space<hbm>>) dst(%arg10 : memref<40x16xf32, #tpu.memory_space<vmem>>)
    %dma_wait3A_51 = arith.constant 0 : i32
    %dma_wait3A_52 = arith.constant 0 : i32
    %dma_wait3A_53 = tpu.memref_slice %arg2[%dma_wait3A_51, %dma_wait3A_52] : memref<10000x144xf32, #tpu.memory_space<hbm>> -> memref<40x144xf32, #tpu.memory_space<hbm>>
    %dma_wait3A_54 = arith.constant 0 : i32
    %dma_wait3A_55 = arith.constant 0 : i32
    %dma_wait3A_56 = tpu.memref_slice %arg2[%dma_wait3A_54, %dma_wait3A_55] : memref<10000x144xf32, #tpu.memory_space<hbm>> -> memref<40x144xf32, #tpu.memory_space<hbm>>
    tpu.wait_dma2 semaphore(%arg18 : memref<!tpu.dma_semaphore, #tpu.memory_space<semaphore_mem>>) src(%dma_wait3A_56 : memref<40x144xf32, #tpu.memory_space<hbm>>) dst(%arg8 : memref<40x144xf32, #tpu.memory_space<vmem>>)
    %dma_start3A_57 = arith.constant 249 : i32
    %dma_start3A_58 = arith.constant 0 : i32
    %dma_start3A_59 = tpu.memref_slice %arg12[%dma_start3A_57, %dma_start3A_58] : memref<250x40xi32, #tpu.memory_space<vmem>> -> memref<1x40xi32, #tpu.memory_space<vmem>>
    %dma_start3A_60 = tpu.memref_squeeze %dma_start3A_59 : memref<1x40xi32, #tpu.memory_space<vmem>> -> memref<40xi32, #tpu.memory_space<vmem>>
    %dma_start3A_61 = arith.constant 0 : i32
    %dma_start3A_62 = arith.constant 0 : i32
    %dma_start3A_63 = tpu.memref_slice %arg2[%dma_start3A_61, %dma_start3A_62] : memref<10000x144xf32, #tpu.memory_space<hbm>> -> memref<10000x144xf32, #tpu.memory_space<hbm>>
    tpu.enqueue_indirect_dma source(%dma_start3A_63 : memref<10000x144xf32, #tpu.memory_space<hbm>>) target(%arg9 : memref<40x144xf32, #tpu.memory_space<vmem>>) offsets(%dma_start3A_60 : memref<40xi32, #tpu.memory_space<vmem>>) semaphore(%arg16 : memref<!tpu.dma_semaphore, #tpu.memory_space<semaphore_mem>>)
    %dma_start3A_64 = arith.constant 249 : i32
    %dma_start3A_65 = arith.constant 0 : i32
    %dma_start3A_66 = tpu.memref_slice %arg13[%dma_start3A_64, %dma_start3A_65] : memref<250x40xi32, #tpu.memory_space<vmem>> -> memref<1x40xi32, #tpu.memory_space<vmem>>
    %dma_start3A_67 = tpu.memref_squeeze %dma_start3A_66 : memref<1x40xi32, #tpu.memory_space<vmem>> -> memref<40xi32, #tpu.memory_space<vmem>>
    %dma_start3A_68 = arith.constant 0 : i32
    %dma_start3A_69 = arith.constant 0 : i32
    %dma_start3A_70 = tpu.memref_slice %arg3[%dma_start3A_68, %dma_start3A_69] : memref<10000x16xf32, #tpu.memory_space<hbm>> -> memref<10000x16xf32, #tpu.memory_space<hbm>>
    tpu.enqueue_indirect_dma source(%dma_start3A_70 : memref<10000x16xf32, #tpu.memory_space<hbm>>) target(%arg11 : memref<40x16xf32, #tpu.memory_space<vmem>>) offsets(%dma_start3A_67 : memref<40xi32, #tpu.memory_space<vmem>>) semaphore(%arg16 : memref<!tpu.dma_semaphore, #tpu.memory_space<semaphore_mem>>)
    %parallel_loop3A = arith.constant 0 : i32
    %parallel_loop3A_71 = arith.constant 40 : i32
    %parallel_loop3A_72 = arith.constant 1 : i32
    scf.for %parallel_loop3A_135 = %parallel_loop3A to %parallel_loop3A_71 step %parallel_loop3A_72  : i32 {
      %parallel_loop3A_136 = arith.index_cast %parallel_loop3A_135 : i32 to index
      %parallel_loop3A_137 = arith.constant 128 : index
      %parallel_loop3A_138 = tpu.vector_load %arg8[%parallel_loop3A_136, %parallel_loop3A_137] {strides = array<i32>} : memref<40x144xf32, #tpu.memory_space<vmem>>, vector<1x16xf32>,
      %parallel_loop3A_139 = vector.shape_cast %parallel_loop3A_138 : vector<1x16xf32> to vector<1x16xf32>
      %parallel_loop3A_140 = arith.index_cast %parallel_loop3A_135 : i32 to index
      %parallel_loop3A_141 = arith.constant 0 : index
      %parallel_loop3A_142 = tpu.vector_load %arg10[%parallel_loop3A_140, %parallel_loop3A_141] {strides = array<i32>} : memref<40x16xf32, #tpu.memory_space<vmem>>, vector<1x16xf32>,
      %parallel_loop3A_143 = vector.shape_cast %parallel_loop3A_142 : vector<1x16xf32> to vector<1x16xf32>
      %parallel_loop3A_144 = arith.addf %parallel_loop3A_139, %parallel_loop3A_143 : vector<1x16xf32>
      %parallel_loop3A_145 = arith.constant 2.000000e-01 : f32
      %parallel_loop3A_146 = vector.broadcast %parallel_loop3A_145 : f32 to vector<1x16xf32>
      %parallel_loop3A_147 = arith.mulf %parallel_loop3A_144, %parallel_loop3A_146 : vector<1x16xf32>
      %parallel_loop3A_148 = arith.maximumf %parallel_loop3A_144, %parallel_loop3A_147 : vector<1x16xf32>
      %parallel_loop3A_149 = math.exp %parallel_loop3A_148 : vector<1x16xf32>
      %parallel_loop3A_150 = arith.index_cast %parallel_loop3A_135 : i32 to index
      %parallel_loop3A_151 = arith.constant 128 : index
      %parallel_loop3A_152 = tpu.vector_load %arg8[%parallel_loop3A_150, %parallel_loop3A_151] {strides = array<i32>} : memref<40x144xf32, #tpu.memory_space<vmem>>, vector<1x16xf32>,
      %parallel_loop3A_153 = vector.shape_cast %parallel_loop3A_152 : vector<1x16xf32> to vector<1x16xf32>
      %parallel_loop3A_154 = vector.shape_cast %parallel_loop3A_149 : vector<1x16xf32> to vector<1x16xf32>
      tpu.vector_store %arg8[%parallel_loop3A_150, %parallel_loop3A_151], %parallel_loop3A_154 {strides = array<i32>} : memref<40x144xf32, #tpu.memory_space<vmem>>, vector<1x16xf32>,
      %parallel_loop3A_155 = arith.index_cast %parallel_loop3A_135 : i32 to index
      %parallel_loop3A_156 = arith.constant 0 : index
      %parallel_loop3A_157 = tpu.vector_load %arg8[%parallel_loop3A_155, %parallel_loop3A_156] {strides = array<i32>} : memref<40x144xf32, #tpu.memory_space<vmem>>, vector<1x16xf32>,
      %parallel_loop3A_158 = vector.shape_cast %parallel_loop3A_157 : vector<1x16xf32> to vector<1x16xf32>
      %parallel_loop3A_159 = arith.mulf %parallel_loop3A_158, %parallel_loop3A_149 : vector<1x16xf32>
      %parallel_loop3A_160 = arith.index_cast %parallel_loop3A_135 : i32 to index
      %parallel_loop3A_161 = arith.constant 0 : index
      %parallel_loop3A_162 = tpu.vector_load %arg8[%parallel_loop3A_160, %parallel_loop3A_161] {strides = array<i32>} : memref<40x144xf32, #tpu.memory_space<vmem>>, vector<1x16xf32>,
      %parallel_loop3A_163 = vector.shape_cast %parallel_loop3A_162 : vector<1x16xf32> to vector<1x16xf32>
      %parallel_loop3A_164 = vector.shape_cast %parallel_loop3A_159 : vector<1x16xf32> to vector<1x16xf32>
      tpu.vector_store %arg8[%parallel_loop3A_160, %parallel_loop3A_161], %parallel_loop3A_164 {strides = array<i32>} : memref<40x144xf32, #tpu.memory_space<vmem>>, vector<1x16xf32>,
      %parallel_loop3A_165 = arith.index_cast %parallel_loop3A_135 : i32 to index
      %parallel_loop3A_166 = arith.constant 16 : index
      %parallel_loop3A_167 = tpu.vector_load %arg8[%parallel_loop3A_165, %parallel_loop3A_166] {strides = array<i32>} : memref<40x144xf32, #tpu.memory_space<vmem>>, vector<1x16xf32>,
      %parallel_loop3A_168 = vector.shape_cast %parallel_loop3A_167 : vector<1x16xf32> to vector<1x16xf32>
      %parallel_loop3A_169 = arith.mulf %parallel_loop3A_168, %parallel_loop3A_149 : vector<1x16xf32>
      %parallel_loop3A_170 = arith.index_cast %parallel_loop3A_135 : i32 to index
      %parallel_loop3A_171 = arith.constant 16 : index
      %parallel_loop3A_172 = tpu.vector_load %arg8[%parallel_loop3A_170, %parallel_loop3A_171] {strides = array<i32>} : memref<40x144xf32, #tpu.memory_space<vmem>>, vector<1x16xf32>,
      %parallel_loop3A_173 = vector.shape_cast %parallel_loop3A_172 : vector<1x16xf32> to vector<1x16xf32>
      %parallel_loop3A_174 = vector.shape_cast %parallel_loop3A_169 : vector<1x16xf32> to vector<1x16xf32>
      tpu.vector_store %arg8[%parallel_loop3A_170, %parallel_loop3A_171], %parallel_loop3A_174 {strides = array<i32>} : memref<40x144xf32, #tpu.memory_space<vmem>>, vector<1x16xf32>,
      %parallel_loop3A_175 = arith.index_cast %parallel_loop3A_135 : i32 to index
      %parallel_loop3A_176 = arith.constant 32 : index
      %parallel_loop3A_177 = tpu.vector_load %arg8[%parallel_loop3A_175, %parallel_loop3A_176] {strides = array<i32>} : memref<40x144xf32, #tpu.memory_space<vmem>>, vector<1x16xf32>,
      %parallel_loop3A_178 = vector.shape_cast %parallel_loop3A_177 : vector<1x16xf32> to vector<1x16xf32>
      %parallel_loop3A_179 = arith.mulf %parallel_loop3A_178, %parallel_loop3A_149 : vector<1x16xf32>
      %parallel_loop3A_180 = arith.index_cast %parallel_loop3A_135 : i32 to index
      %parallel_loop3A_181 = arith.constant 32 : index
      %parallel_loop3A_182 = tpu.vector_load %arg8[%parallel_loop3A_180, %parallel_loop3A_181] {strides = array<i32>} : memref<40x144xf32, #tpu.memory_space<vmem>>, vector<1x16xf32>,
      %parallel_loop3A_183 = vector.shape_cast %parallel_loop3A_182 : vector<1x16xf32> to vector<1x16xf32>
      %parallel_loop3A_184 = vector.shape_cast %parallel_loop3A_179 : vector<1x16xf32> to vector<1x16xf32>
      tpu.vector_store %arg8[%parallel_loop3A_180, %parallel_loop3A_181], %parallel_loop3A_184 {strides = array<i32>} : memref<40x144xf32, #tpu.memory_space<vmem>>, vector<1x16xf32>,
      %parallel_loop3A_185 = arith.index_cast %parallel_loop3A_135 : i32 to index
      %parallel_loop3A_186 = arith.constant 48 : index
      %parallel_loop3A_187 = tpu.vector_load %arg8[%parallel_loop3A_185, %parallel_loop3A_186] {strides = array<i32>} : memref<40x144xf32, #tpu.memory_space<vmem>>, vector<1x16xf32>,
      %parallel_loop3A_188 = vector.shape_cast %parallel_loop3A_187 : vector<1x16xf32> to vector<1x16xf32>
      %parallel_loop3A_189 = arith.mulf %parallel_loop3A_188, %parallel_loop3A_149 : vector<1x16xf32>
      %parallel_loop3A_190 = arith.index_cast %parallel_loop3A_135 : i32 to index
      %parallel_loop3A_191 = arith.constant 48 : index
      %parallel_loop3A_192 = tpu.vector_load %arg8[%parallel_loop3A_190, %parallel_loop3A_191] {strides = array<i32>} : memref<40x144xf32, #tpu.memory_space<vmem>>, vector<1x16xf32>,
      %parallel_loop3A_193 = vector.shape_cast %parallel_loop3A_192 : vector<1x16xf32> to vector<1x16xf32>
      %parallel_loop3A_194 = vector.shape_cast %parallel_loop3A_189 : vector<1x16xf32> to vector<1x16xf32>
      tpu.vector_store %arg8[%parallel_loop3A_190, %parallel_loop3A_191], %parallel_loop3A_194 {strides = array<i32>} : memref<40x144xf32, #tpu.memory_space<vmem>>, vector<1x16xf32>,
      %parallel_loop3A_195 = arith.index_cast %parallel_loop3A_135 : i32 to index
      %parallel_loop3A_196 = arith.constant 64 : index
      %parallel_loop3A_197 = tpu.vector_load %arg8[%parallel_loop3A_195, %parallel_loop3A_196] {strides = array<i32>} : memref<40x144xf32, #tpu.memory_space<vmem>>, vector<1x16xf32>,
      %parallel_loop3A_198 = vector.shape_cast %parallel_loop3A_197 : vector<1x16xf32> to vector<1x16xf32>
      %parallel_loop3A_199 = arith.mulf %parallel_loop3A_198, %parallel_loop3A_149 : vector<1x16xf32>
      %parallel_loop3A_200 = arith.index_cast %parallel_loop3A_135 : i32 to index
      %parallel_loop3A_201 = arith.constant 64 : index
      %parallel_loop3A_202 = tpu.vector_load %arg8[%parallel_loop3A_200, %parallel_loop3A_201] {strides = array<i32>} : memref<40x144xf32, #tpu.memory_space<vmem>>, vector<1x16xf32>,
      %parallel_loop3A_203 = vector.shape_cast %parallel_loop3A_202 : vector<1x16xf32> to vector<1x16xf32>
      %parallel_loop3A_204 = vector.shape_cast %parallel_loop3A_199 : vector<1x16xf32> to vector<1x16xf32>
      tpu.vector_store %arg8[%parallel_loop3A_200, %parallel_loop3A_201], %parallel_loop3A_204 {strides = array<i32>} : memref<40x144xf32, #tpu.memory_space<vmem>>, vector<1x16xf32>,
      %parallel_loop3A_205 = arith.index_cast %parallel_loop3A_135 : i32 to index
      %parallel_loop3A_206 = arith.constant 80 : index
      %parallel_loop3A_207 = tpu.vector_load %arg8[%parallel_loop3A_205, %parallel_loop3A_206] {strides = array<i32>} : memref<40x144xf32, #tpu.memory_space<vmem>>, vector<1x16xf32>,
      %parallel_loop3A_208 = vector.shape_cast %parallel_loop3A_207 : vector<1x16xf32> to vector<1x16xf32>
      %parallel_loop3A_209 = arith.mulf %parallel_loop3A_208, %parallel_loop3A_149 : vector<1x16xf32>
      %parallel_loop3A_210 = arith.index_cast %parallel_loop3A_135 : i32 to index
      %parallel_loop3A_211 = arith.constant 80 : index
      %parallel_loop3A_212 = tpu.vector_load %arg8[%parallel_loop3A_210, %parallel_loop3A_211] {strides = array<i32>} : memref<40x144xf32, #tpu.memory_space<vmem>>, vector<1x16xf32>,
      %parallel_loop3A_213 = vector.shape_cast %parallel_loop3A_212 : vector<1x16xf32> to vector<1x16xf32>
      %parallel_loop3A_214 = vector.shape_cast %parallel_loop3A_209 : vector<1x16xf32> to vector<1x16xf32>
      tpu.vector_store %arg8[%parallel_loop3A_210, %parallel_loop3A_211], %parallel_loop3A_214 {strides = array<i32>} : memref<40x144xf32, #tpu.memory_space<vmem>>, vector<1x16xf32>,
      %parallel_loop3A_215 = arith.index_cast %parallel_loop3A_135 : i32 to index
      %parallel_loop3A_216 = arith.constant 96 : index
      %parallel_loop3A_217 = tpu.vector_load %arg8[%parallel_loop3A_215, %parallel_loop3A_216] {strides = array<i32>} : memref<40x144xf32, #tpu.memory_space<vmem>>, vector<1x16xf32>,
      %parallel_loop3A_218 = vector.shape_cast %parallel_loop3A_217 : vector<1x16xf32> to vector<1x16xf32>
      %parallel_loop3A_219 = arith.mulf %parallel_loop3A_218, %parallel_loop3A_149 : vector<1x16xf32>
      %parallel_loop3A_220 = arith.index_cast %parallel_loop3A_135 : i32 to index
      %parallel_loop3A_221 = arith.constant 96 : index
      %parallel_loop3A_222 = tpu.vector_load %arg8[%parallel_loop3A_220, %parallel_loop3A_221] {strides = array<i32>} : memref<40x144xf32, #tpu.memory_space<vmem>>, vector<1x16xf32>,
      %parallel_loop3A_223 = vector.shape_cast %parallel_loop3A_222 : vector<1x16xf32> to vector<1x16xf32>
      %parallel_loop3A_224 = vector.shape_cast %parallel_loop3A_219 : vector<1x16xf32> to vector<1x16xf32>
      tpu.vector_store %arg8[%parallel_loop3A_220, %parallel_loop3A_221], %parallel_loop3A_224 {strides = array<i32>} : memref<40x144xf32, #tpu.memory_space<vmem>>, vector<1x16xf32>,
      %parallel_loop3A_225 = arith.index_cast %parallel_loop3A_135 : i32 to index
      %parallel_loop3A_226 = arith.constant 112 : index
      %parallel_loop3A_227 = tpu.vector_load %arg8[%parallel_loop3A_225, %parallel_loop3A_226] {strides = array<i32>} : memref<40x144xf32, #tpu.memory_space<vmem>>, vector<1x16xf32>,
      %parallel_loop3A_228 = vector.shape_cast %parallel_loop3A_227 : vector<1x16xf32> to vector<1x16xf32>
      %parallel_loop3A_229 = arith.mulf %parallel_loop3A_228, %parallel_loop3A_149 : vector<1x16xf32>
      %parallel_loop3A_230 = arith.index_cast %parallel_loop3A_135 : i32 to index
      %parallel_loop3A_231 = arith.constant 112 : index
      %parallel_loop3A_232 = tpu.vector_load %arg8[%parallel_loop3A_230, %parallel_loop3A_231] {strides = array<i32>} : memref<40x144xf32, #tpu.memory_space<vmem>>, vector<1x16xf32>,
      %parallel_loop3A_233 = vector.shape_cast %parallel_loop3A_232 : vector<1x16xf32> to vector<1x16xf32>
      %parallel_loop3A_234 = vector.shape_cast %parallel_loop3A_229 : vector<1x16xf32> to vector<1x16xf32>
      tpu.vector_store %arg8[%parallel_loop3A_230, %parallel_loop3A_231], %parallel_loop3A_234 {strides = array<i32>} : memref<40x144xf32, #tpu.memory_space<vmem>>, vector<1x16xf32>,
    } {sc.loop_unroll_factor = 2 : i64, sc.parallel_access}
    %dma_start3A_73 = arith.constant 248 : i32
    %dma_start3A_74 = arith.constant 0 : i32
    %dma_start3A_75 = tpu.memref_slice %arg13[%dma_start3A_73, %dma_start3A_74] : memref<250x40xi32, #tpu.memory_space<vmem>> -> memref<1x40xi32, #tpu.memory_space<vmem>>
    %dma_start3A_76 = tpu.memref_squeeze %dma_start3A_75 : memref<1x40xi32, #tpu.memory_space<vmem>> -> memref<40xi32, #tpu.memory_space<vmem>>
    %dma_start3A_77 = arith.constant 0 : i32
    %dma_start3A_78 = arith.constant 0 : i32
    %dma_start3A_79 = tpu.memref_slice %arg14[%dma_start3A_77, %dma_start3A_78] : memref<10000x144xf32, #tpu.memory_space<vmem_shared>> -> memref<10000x144xf32, #tpu.memory_space<vmem_shared>>
    tpu.enqueue_indirect_dma source(%arg8 : memref<40x144xf32, #tpu.memory_space<vmem>>) target(%dma_start3A_79 : memref<10000x144xf32, #tpu.memory_space<vmem_shared>>) offsets(%dma_start3A_76 : memref<40xi32, #tpu.memory_space<vmem>>) semaphore(%arg17 : memref<!tpu.dma_semaphore, #tpu.memory_space<semaphore_mem>>) {add = true}
    %dma_wait3A_80 = arith.constant 0 : i32
    %dma_wait3A_81 = arith.constant 0 : i32
    %dma_wait3A_82 = tpu.memref_slice %arg2[%dma_wait3A_80, %dma_wait3A_81] : memref<10000x144xf32, #tpu.memory_space<hbm>> -> memref<40x144xf32, #tpu.memory_space<hbm>>
    %dma_wait3A_83 = arith.constant 0 : i32
    %dma_wait3A_84 = arith.constant 0 : i32
    %dma_wait3A_85 = tpu.memref_slice %arg2[%dma_wait3A_83, %dma_wait3A_84] : memref<10000x144xf32, #tpu.memory_space<hbm>> -> memref<40x144xf32, #tpu.memory_space<hbm>>
    tpu.wait_dma2 semaphore(%arg16 : memref<!tpu.dma_semaphore, #tpu.memory_space<semaphore_mem>>) src(%dma_wait3A_85 : memref<40x144xf32, #tpu.memory_space<hbm>>) dst(%arg8 : memref<40x144xf32, #tpu.memory_space<vmem>>)
    %dma_wait3A_86 = arith.constant 0 : i32
    %dma_wait3A_87 = arith.constant 0 : i32
    %dma_wait3A_88 = tpu.memref_slice %arg3[%dma_wait3A_86, %dma_wait3A_87] : memref<10000x16xf32, #tpu.memory_space<hbm>> -> memref<40x16xf32, #tpu.memory_space<hbm>>
    %dma_wait3A_89 = arith.constant 0 : i32
    %dma_wait3A_90 = arith.constant 0 : i32
    %dma_wait3A_91 = tpu.memref_slice %arg3[%dma_wait3A_89, %dma_wait3A_90] : memref<10000x16xf32, #tpu.memory_space<hbm>> -> memref<40x16xf32, #tpu.memory_space<hbm>>
    tpu.wait_dma2 semaphore(%arg16 : memref<!tpu.dma_semaphore, #tpu.memory_space<semaphore_mem>>) src(%dma_wait3A_91 : memref<40x16xf32, #tpu.memory_space<hbm>>) dst(%arg10 : memref<40x16xf32, #tpu.memory_space<vmem>>)
    %dma_wait3A_92 = arith.constant 0 : i32
    %dma_wait3A_93 = arith.constant 0 : i32
    %dma_wait3A_94 = tpu.memref_slice %arg2[%dma_wait3A_92, %dma_wait3A_93] : memref<10000x144xf32, #tpu.memory_space<hbm>> -> memref<40x144xf32, #tpu.memory_space<hbm>>
    %dma_wait3A_95 = arith.constant 0 : i32
    %dma_wait3A_96 = arith.constant 0 : i32
    %dma_wait3A_97 = tpu.memref_slice %arg2[%dma_wait3A_95, %dma_wait3A_96] : memref<10000x144xf32, #tpu.memory_space<hbm>> -> memref<40x144xf32, #tpu.memory_space<hbm>>
    tpu.wait_dma2 semaphore(%arg17 : memref<!tpu.dma_semaphore, #tpu.memory_space<semaphore_mem>>) src(%dma_wait3A_97 : memref<40x144xf32, #tpu.memory_space<hbm>>) dst(%arg8 : memref<40x144xf32, #tpu.memory_space<vmem>>)
    %parallel_loop3A_98 = arith.constant 0 : i32
    %parallel_loop3A_99 = arith.constant 40 : i32
    %parallel_loop3A_100 = arith.constant 1 : i32
    scf.for %parallel_loop3A_135 = %parallel_loop3A_98 to %parallel_loop3A_99 step %parallel_loop3A_100  : i32 {
      %parallel_loop3A_136 = arith.index_cast %parallel_loop3A_135 : i32 to index
      %parallel_loop3A_137 = arith.constant 128 : index
      %parallel_loop3A_138 = tpu.vector_load %arg9[%parallel_loop3A_136, %parallel_loop3A_137] {strides = array<i32>} : memref<40x144xf32, #tpu.memory_space<vmem>>, vector<1x16xf32>,
      %parallel_loop3A_139 = vector.shape_cast %parallel_loop3A_138 : vector<1x16xf32> to vector<1x16xf32>
      %parallel_loop3A_140 = arith.index_cast %parallel_loop3A_135 : i32 to index
      %parallel_loop3A_141 = arith.constant 0 : index
      %parallel_loop3A_142 = tpu.vector_load %arg11[%parallel_loop3A_140, %parallel_loop3A_141] {strides = array<i32>} : memref<40x16xf32, #tpu.memory_space<vmem>>, vector<1x16xf32>,
      %parallel_loop3A_143 = vector.shape_cast %parallel_loop3A_142 : vector<1x16xf32> to vector<1x16xf32>
      %parallel_loop3A_144 = arith.addf %parallel_loop3A_139, %parallel_loop3A_143 : vector<1x16xf32>
      %parallel_loop3A_145 = arith.constant 2.000000e-01 : f32
      %parallel_loop3A_146 = vector.broadcast %parallel_loop3A_145 : f32 to vector<1x16xf32>
      %parallel_loop3A_147 = arith.mulf %parallel_loop3A_144, %parallel_loop3A_146 : vector<1x16xf32>
      %parallel_loop3A_148 = arith.maximumf %parallel_loop3A_144, %parallel_loop3A_147 : vector<1x16xf32>
      %parallel_loop3A_149 = math.exp %parallel_loop3A_148 : vector<1x16xf32>
      %parallel_loop3A_150 = arith.index_cast %parallel_loop3A_135 : i32 to index
      %parallel_loop3A_151 = arith.constant 128 : index
      %parallel_loop3A_152 = tpu.vector_load %arg9[%parallel_loop3A_150, %parallel_loop3A_151] {strides = array<i32>} : memref<40x144xf32, #tpu.memory_space<vmem>>, vector<1x16xf32>,
      %parallel_loop3A_153 = vector.shape_cast %parallel_loop3A_152 : vector<1x16xf32> to vector<1x16xf32>
      %parallel_loop3A_154 = vector.shape_cast %parallel_loop3A_149 : vector<1x16xf32> to vector<1x16xf32>
      tpu.vector_store %arg9[%parallel_loop3A_150, %parallel_loop3A_151], %parallel_loop3A_154 {strides = array<i32>} : memref<40x144xf32, #tpu.memory_space<vmem>>, vector<1x16xf32>,
      %parallel_loop3A_155 = arith.index_cast %parallel_loop3A_135 : i32 to index
      %parallel_loop3A_156 = arith.constant 0 : index
      %parallel_loop3A_157 = tpu.vector_load %arg9[%parallel_loop3A_155, %parallel_loop3A_156] {strides = array<i32>} : memref<40x144xf32, #tpu.memory_space<vmem>>, vector<1x16xf32>,
      %parallel_loop3A_158 = vector.shape_cast %parallel_loop3A_157 : vector<1x16xf32> to vector<1x16xf32>
      %parallel_loop3A_159 = arith.mulf %parallel_loop3A_158, %parallel_loop3A_149 : vector<1x16xf32>
      %parallel_loop3A_160 = arith.index_cast %parallel_loop3A_135 : i32 to index
      %parallel_loop3A_161 = arith.constant 0 : index
      %parallel_loop3A_162 = tpu.vector_load %arg9[%parallel_loop3A_160, %parallel_loop3A_161] {strides = array<i32>} : memref<40x144xf32, #tpu.memory_space<vmem>>, vector<1x16xf32>,
      %parallel_loop3A_163 = vector.shape_cast %parallel_loop3A_162 : vector<1x16xf32> to vector<1x16xf32>
      %parallel_loop3A_164 = vector.shape_cast %parallel_loop3A_159 : vector<1x16xf32> to vector<1x16xf32>
      tpu.vector_store %arg9[%parallel_loop3A_160, %parallel_loop3A_161], %parallel_loop3A_164 {strides = array<i32>} : memref<40x144xf32, #tpu.memory_space<vmem>>, vector<1x16xf32>,
      %parallel_loop3A_165 = arith.index_cast %parallel_loop3A_135 : i32 to index
      %parallel_loop3A_166 = arith.constant 16 : index
      %parallel_loop3A_167 = tpu.vector_load %arg9[%parallel_loop3A_165, %parallel_loop3A_166] {strides = array<i32>} : memref<40x144xf32, #tpu.memory_space<vmem>>, vector<1x16xf32>,
      %parallel_loop3A_168 = vector.shape_cast %parallel_loop3A_167 : vector<1x16xf32> to vector<1x16xf32>
      %parallel_loop3A_169 = arith.mulf %parallel_loop3A_168, %parallel_loop3A_149 : vector<1x16xf32>
      %parallel_loop3A_170 = arith.index_cast %parallel_loop3A_135 : i32 to index
      %parallel_loop3A_171 = arith.constant 16 : index
      %parallel_loop3A_172 = tpu.vector_load %arg9[%parallel_loop3A_170, %parallel_loop3A_171] {strides = array<i32>} : memref<40x144xf32, #tpu.memory_space<vmem>>, vector<1x16xf32>,
      %parallel_loop3A_173 = vector.shape_cast %parallel_loop3A_172 : vector<1x16xf32> to vector<1x16xf32>
      %parallel_loop3A_174 = vector.shape_cast %parallel_loop3A_169 : vector<1x16xf32> to vector<1x16xf32>
      tpu.vector_store %arg9[%parallel_loop3A_170, %parallel_loop3A_171], %parallel_loop3A_174 {strides = array<i32>} : memref<40x144xf32, #tpu.memory_space<vmem>>, vector<1x16xf32>,
      %parallel_loop3A_175 = arith.index_cast %parallel_loop3A_135 : i32 to index
      %parallel_loop3A_176 = arith.constant 32 : index
      %parallel_loop3A_177 = tpu.vector_load %arg9[%parallel_loop3A_175, %parallel_loop3A_176] {strides = array<i32>} : memref<40x144xf32, #tpu.memory_space<vmem>>, vector<1x16xf32>,
      %parallel_loop3A_178 = vector.shape_cast %parallel_loop3A_177 : vector<1x16xf32> to vector<1x16xf32>
      %parallel_loop3A_179 = arith.mulf %parallel_loop3A_178, %parallel_loop3A_149 : vector<1x16xf32>
      %parallel_loop3A_180 = arith.index_cast %parallel_loop3A_135 : i32 to index
      %parallel_loop3A_181 = arith.constant 32 : index
      %parallel_loop3A_182 = tpu.vector_load %arg9[%parallel_loop3A_180, %parallel_loop3A_181] {strides = array<i32>} : memref<40x144xf32, #tpu.memory_space<vmem>>, vector<1x16xf32>,
      %parallel_loop3A_183 = vector.shape_cast %parallel_loop3A_182 : vector<1x16xf32> to vector<1x16xf32>
      %parallel_loop3A_184 = vector.shape_cast %parallel_loop3A_179 : vector<1x16xf32> to vector<1x16xf32>
      tpu.vector_store %arg9[%parallel_loop3A_180, %parallel_loop3A_181], %parallel_loop3A_184 {strides = array<i32>} : memref<40x144xf32, #tpu.memory_space<vmem>>, vector<1x16xf32>,
      %parallel_loop3A_185 = arith.index_cast %parallel_loop3A_135 : i32 to index
      %parallel_loop3A_186 = arith.constant 48 : index
      %parallel_loop3A_187 = tpu.vector_load %arg9[%parallel_loop3A_185, %parallel_loop3A_186] {strides = array<i32>} : memref<40x144xf32, #tpu.memory_space<vmem>>, vector<1x16xf32>,
      %parallel_loop3A_188 = vector.shape_cast %parallel_loop3A_187 : vector<1x16xf32> to vector<1x16xf32>
      %parallel_loop3A_189 = arith.mulf %parallel_loop3A_188, %parallel_loop3A_149 : vector<1x16xf32>
      %parallel_loop3A_190 = arith.index_cast %parallel_loop3A_135 : i32 to index
      %parallel_loop3A_191 = arith.constant 48 : index
      %parallel_loop3A_192 = tpu.vector_load %arg9[%parallel_loop3A_190, %parallel_loop3A_191] {strides = array<i32>} : memref<40x144xf32, #tpu.memory_space<vmem>>, vector<1x16xf32>,
      %parallel_loop3A_193 = vector.shape_cast %parallel_loop3A_192 : vector<1x16xf32> to vector<1x16xf32>
      %parallel_loop3A_194 = vector.shape_cast %parallel_loop3A_189 : vector<1x16xf32> to vector<1x16xf32>
      tpu.vector_store %arg9[%parallel_loop3A_190, %parallel_loop3A_191], %parallel_loop3A_194 {strides = array<i32>} : memref<40x144xf32, #tpu.memory_space<vmem>>, vector<1x16xf32>,
      %parallel_loop3A_195 = arith.index_cast %parallel_loop3A_135 : i32 to index
      %parallel_loop3A_196 = arith.constant 64 : index
      %parallel_loop3A_197 = tpu.vector_load %arg9[%parallel_loop3A_195, %parallel_loop3A_196] {strides = array<i32>} : memref<40x144xf32, #tpu.memory_space<vmem>>, vector<1x16xf32>,
      %parallel_loop3A_198 = vector.shape_cast %parallel_loop3A_197 : vector<1x16xf32> to vector<1x16xf32>
      %parallel_loop3A_199 = arith.mulf %parallel_loop3A_198, %parallel_loop3A_149 : vector<1x16xf32>
      %parallel_loop3A_200 = arith.index_cast %parallel_loop3A_135 : i32 to index
      %parallel_loop3A_201 = arith.constant 64 : index
      %parallel_loop3A_202 = tpu.vector_load %arg9[%parallel_loop3A_200, %parallel_loop3A_201] {strides = array<i32>} : memref<40x144xf32, #tpu.memory_space<vmem>>, vector<1x16xf32>,
      %parallel_loop3A_203 = vector.shape_cast %parallel_loop3A_202 : vector<1x16xf32> to vector<1x16xf32>
      %parallel_loop3A_204 = vector.shape_cast %parallel_loop3A_199 : vector<1x16xf32> to vector<1x16xf32>
      tpu.vector_store %arg9[%parallel_loop3A_200, %parallel_loop3A_201], %parallel_loop3A_204 {strides = array<i32>} : memref<40x144xf32, #tpu.memory_space<vmem>>, vector<1x16xf32>,
      %parallel_loop3A_205 = arith.index_cast %parallel_loop3A_135 : i32 to index
      %parallel_loop3A_206 = arith.constant 80 : index
      %parallel_loop3A_207 = tpu.vector_load %arg9[%parallel_loop3A_205, %parallel_loop3A_206] {strides = array<i32>} : memref<40x144xf32, #tpu.memory_space<vmem>>, vector<1x16xf32>,
      %parallel_loop3A_208 = vector.shape_cast %parallel_loop3A_207 : vector<1x16xf32> to vector<1x16xf32>
      %parallel_loop3A_209 = arith.mulf %parallel_loop3A_208, %parallel_loop3A_149 : vector<1x16xf32>
      %parallel_loop3A_210 = arith.index_cast %parallel_loop3A_135 : i32 to index
      %parallel_loop3A_211 = arith.constant 80 : index
      %parallel_loop3A_212 = tpu.vector_load %arg9[%parallel_loop3A_210, %parallel_loop3A_211] {strides = array<i32>} : memref<40x144xf32, #tpu.memory_space<vmem>>, vector<1x16xf32>,
      %parallel_loop3A_213 = vector.shape_cast %parallel_loop3A_212 : vector<1x16xf32> to vector<1x16xf32>
      %parallel_loop3A_214 = vector.shape_cast %parallel_loop3A_209 : vector<1x16xf32> to vector<1x16xf32>
      tpu.vector_store %arg9[%parallel_loop3A_210, %parallel_loop3A_211], %parallel_loop3A_214 {strides = array<i32>} : memref<40x144xf32, #tpu.memory_space<vmem>>, vector<1x16xf32>,
      %parallel_loop3A_215 = arith.index_cast %parallel_loop3A_135 : i32 to index
      %parallel_loop3A_216 = arith.constant 96 : index
      %parallel_loop3A_217 = tpu.vector_load %arg9[%parallel_loop3A_215, %parallel_loop3A_216] {strides = array<i32>} : memref<40x144xf32, #tpu.memory_space<vmem>>, vector<1x16xf32>,
      %parallel_loop3A_218 = vector.shape_cast %parallel_loop3A_217 : vector<1x16xf32> to vector<1x16xf32>
      %parallel_loop3A_219 = arith.mulf %parallel_loop3A_218, %parallel_loop3A_149 : vector<1x16xf32>
      %parallel_loop3A_220 = arith.index_cast %parallel_loop3A_135 : i32 to index
      %parallel_loop3A_221 = arith.constant 96 : index
      %parallel_loop3A_222 = tpu.vector_load %arg9[%parallel_loop3A_220, %parallel_loop3A_221] {strides = array<i32>} : memref<40x144xf32, #tpu.memory_space<vmem>>, vector<1x16xf32>,
      %parallel_loop3A_223 = vector.shape_cast %parallel_loop3A_222 : vector<1x16xf32> to vector<1x16xf32>
      %parallel_loop3A_224 = vector.shape_cast %parallel_loop3A_219 : vector<1x16xf32> to vector<1x16xf32>
      tpu.vector_store %arg9[%parallel_loop3A_220, %parallel_loop3A_221], %parallel_loop3A_224 {strides = array<i32>} : memref<40x144xf32, #tpu.memory_space<vmem>>, vector<1x16xf32>,
      %parallel_loop3A_225 = arith.index_cast %parallel_loop3A_135 : i32 to index
      %parallel_loop3A_226 = arith.constant 112 : index
      %parallel_loop3A_227 = tpu.vector_load %arg9[%parallel_loop3A_225, %parallel_loop3A_226] {strides = array<i32>} : memref<40x144xf32, #tpu.memory_space<vmem>>, vector<1x16xf32>,
      %parallel_loop3A_228 = vector.shape_cast %parallel_loop3A_227 : vector<1x16xf32> to vector<1x16xf32>
      %parallel_loop3A_229 = arith.mulf %parallel_loop3A_228, %parallel_loop3A_149 : vector<1x16xf32>
      %parallel_loop3A_230 = arith.index_cast %parallel_loop3A_135 : i32 to index
      %parallel_loop3A_231 = arith.constant 112 : index
      %parallel_loop3A_232 = tpu.vector_load %arg9[%parallel_loop3A_230, %parallel_loop3A_231] {strides = array<i32>} : memref<40x144xf32, #tpu.memory_space<vmem>>, vector<1x16xf32>,
      %parallel_loop3A_233 = vector.shape_cast %parallel_loop3A_232 : vector<1x16xf32> to vector<1x16xf32>
      %parallel_loop3A_234 = vector.shape_cast %parallel_loop3A_229 : vector<1x16xf32> to vector<1x16xf32>
      tpu.vector_store %arg9[%parallel_loop3A_230, %parallel_loop3A_231], %parallel_loop3A_234 {strides = array<i32>} : memref<40x144xf32, #tpu.memory_space<vmem>>, vector<1x16xf32>,
    } {sc.loop_unroll_factor = 2 : i64, sc.parallel_access}
    %dma_start3A_101 = arith.constant 249 : i32
    %dma_start3A_102 = arith.constant 0 : i32
    %dma_start3A_103 = tpu.memref_slice %arg13[%dma_start3A_101, %dma_start3A_102] : memref<250x40xi32, #tpu.memory_space<vmem>> -> memref<1x40xi32, #tpu.memory_space<vmem>>
    %dma_start3A_104 = tpu.memref_squeeze %dma_start3A_103 : memref<1x40xi32, #tpu.memory_space<vmem>> -> memref<40xi32, #tpu.memory_space<vmem>>
    %dma_start3A_105 = arith.constant 0 : i32
    %dma_start3A_106 = arith.constant 0 : i32
    %dma_start3A_107 = tpu.memref_slice %arg14[%dma_start3A_105, %dma_start3A_106] : memref<10000x144xf32, #tpu.memory_space<vmem_shared>> -> memref<10000x144xf32, #tpu.memory_space<vmem_shared>>
    tpu.enqueue_indirect_dma source(%arg9 : memref<40x144xf32, #tpu.memory_space<vmem>>) target(%dma_start3A_107 : memref<10000x144xf32, #tpu.memory_space<vmem_shared>>) offsets(%dma_start3A_104 : memref<40xi32, #tpu.memory_space<vmem>>) semaphore(%arg18 : memref<!tpu.dma_semaphore, #tpu.memory_space<semaphore_mem>>) {add = true}
    %dma_wait3A_108 = arith.constant 0 : i32
    %dma_wait3A_109 = arith.constant 0 : i32
    %dma_wait3A_110 = tpu.memref_slice %arg2[%dma_wait3A_108, %dma_wait3A_109] : memref<10000x144xf32, #tpu.memory_space<hbm>> -> memref<40x144xf32, #tpu.memory_space<hbm>>
    %dma_wait3A_111 = arith.constant 0 : i32
    %dma_wait3A_112 = arith.constant 0 : i32
    %dma_wait3A_113 = tpu.memref_slice %arg2[%dma_wait3A_111, %dma_wait3A_112] : memref<10000x144xf32, #tpu.memory_space<hbm>> -> memref<40x144xf32, #tpu.memory_space<hbm>>
    tpu.wait_dma2 semaphore(%arg18 : memref<!tpu.dma_semaphore, #tpu.memory_space<semaphore_mem>>) src(%dma_wait3A_113 : memref<40x144xf32, #tpu.memory_space<hbm>>) dst(%arg8 : memref<40x144xf32, #tpu.memory_space<vmem>>)
    %barrier3A_114 = arith.constant 0 : index
    tpu.barrier barrier_id(%barrier3A_114)
    %mul3A_115 = arith.constant 40 : i32
    %mul3A_116 = arith.muli %arg1, %mul3A_115 : i32
    %sub3A_117 = arith.constant 10000 : i32
    %sub3A_118 = arith.subi %sub3A_117, %mul3A_116 : i32
    %sub3A_119 = arith.constant 640 : i32
    %sub3A_120 = arith.constant 1 : i32
    %sub3A_121 = arith.subi %sub3A_119, %sub3A_120 : i32
    %add3A_122 = arith.addi %sub3A_118, %sub3A_121 : i32
    %div3A_123 = arith.constant 640 : i32
    %div3A_124 = arith.divsi %add3A_122, %div3A_123 : i32
    %while3A_125 = arith.constant 640 : i32
    %while3A_126 = arith.constant 0 : i32
    %while3A_127 = arith.subi %div3A_124, %while3A_126 : i32
    %while3A_128 = arith.addi %while3A_126, %while3A_127 : i32
    %while3A_129 = arith.constant 1 : i32
    %while3A_130 = arith.divsi %while3A_127, %while3A_129 : i32
    %while3A_131 = arith.muli %while3A_130, %while3A_129 : i32
    %while3A_132 = arith.addi %while3A_126, %while3A_131 : i32
    %while3A_133 = arith.constant 1 : i32
    scf.for %while3A_135 = %while3A_126 to %while3A_132 step %while3A_133  : i32 {
      %mul3A_136 = arith.muli %while3A_135, %while3A_125 : i32
      %add3A_137 = arith.addi %mul3A_116, %mul3A_136 : i32
      %mul3A_138 = arith.constant 10000 : i32
      %mul3A_139 = arith.muli %arg0, %mul3A_138 : i32
      %add3A_140 = arith.addi %mul3A_139, %add3A_137 : i32
      "tpu.region"() ({
        %run_scoped3A = tpu.sem_alloc : memref<!tpu.dma_semaphore, #tpu.memory_space<semaphore_mem>>
        %dma_start3A_141 = arith.constant 0 : i32
        %dma_start3A_142 = tpu.memref_slice %arg6[%add3A_140, %dma_start3A_141] : memref<20000x144xf32, #tpu.memory_space<hbm>> -> memref<40x144xf32, #tpu.memory_space<hbm>>
        %dma_start3A_143 = arith.constant 0 : i32
        %dma_start3A_144 = tpu.memref_slice %arg14[%add3A_137, %dma_start3A_143] : memref<10000x144xf32, #tpu.memory_space<vmem_shared>> -> memref<40x144xf32, #tpu.memory_space<vmem_shared>>
        tpu.enqueue_dma source(%dma_start3A_144 : memref<40x144xf32, #tpu.memory_space<vmem_shared>>) target(%dma_start3A_142 : memref<40x144xf32, #tpu.memory_space<hbm>>) target_semaphore(%run_scoped3A : memref<!tpu.dma_semaphore, #tpu.memory_space<semaphore_mem>>)
        %dma_wait3A_145 = arith.constant 0 : i32
        %dma_wait3A_146 = tpu.memref_slice %arg6[%add3A_140, %dma_wait3A_145] : memref<20000x144xf32, #tpu.memory_space<hbm>> -> memref<40x144xf32, #tpu.memory_space<hbm>>
        %dma_wait3A_147 = arith.constant 0 : i32
        %dma_wait3A_148 = tpu.memref_slice %arg14[%add3A_137, %dma_wait3A_147] : memref<10000x144xf32, #tpu.memory_space<vmem_shared>> -> memref<40x144xf32, #tpu.memory_space<vmem_shared>>
        tpu.wait_dma2 semaphore(%run_scoped3A : memref<!tpu.dma_semaphore, #tpu.memory_space<semaphore_mem>>) src(%dma_wait3A_148 : memref<40x144xf32, #tpu.memory_space<vmem_shared>>) dst(%dma_wait3A_146 : memref<40x144xf32, #tpu.memory_space<hbm>>)
        tpu.yield
      }) : () -> ()
    }
    %while3A_134 = arith.constant 1 : i32
    scf.for %while3A_135 = %while3A_132 to %while3A_128 step %while3A_134  : i32 {
      %mul3A_136 = arith.muli %while3A_135, %while3A_125 : i32
      %add3A_137 = arith.addi %mul3A_116, %mul3A_136 : i32
      %mul3A_138 = arith.constant 10000 : i32
      %mul3A_139 = arith.muli %arg0, %mul3A_138 : i32
      %add3A_140 = arith.addi %mul3A_139, %add3A_137 : i32
      "tpu.region"() ({
        %run_scoped3A = tpu.sem_alloc : memref<!tpu.dma_semaphore, #tpu.memory_space<semaphore_mem>>
        %dma_start3A_141 = arith.constant 0 : i32
        %dma_start3A_142 = tpu.memref_slice %arg6[%add3A_140, %dma_start3A_141] : memref<20000x144xf32, #tpu.memory_space<hbm>> -> memref<40x144xf32, #tpu.memory_space<hbm>>
        %dma_start3A_143 = arith.constant 0 : i32
        %dma_start3A_144 = tpu.memref_slice %arg14[%add3A_137, %dma_start3A_143] : memref<10000x144xf32, #tpu.memory_space<vmem_shared>> -> memref<40x144xf32, #tpu.memory_space<vmem_shared>>
        tpu.enqueue_dma source(%dma_start3A_144 : memref<40x144xf32, #tpu.memory_space<vmem_shared>>) target(%dma_start3A_142 : memref<40x144xf32, #tpu.memory_space<hbm>>) target_semaphore(%run_scoped3A : memref<!tpu.dma_semaphore, #tpu.memory_space<semaphore_mem>>)
        %dma_wait3A_145 = arith.constant 0 : i32
        %dma_wait3A_146 = tpu.memref_slice %arg6[%add3A_140, %dma_wait3A_145] : memref<20000x144xf32, #tpu.memory_space<hbm>> -> memref<40x144xf32, #tpu.memory_space<hbm>>
        %dma_wait3A_147 = arith.constant 0 : i32
        %dma_wait3A_148 = tpu.memref_slice %arg14[%add3A_137, %dma_wait3A_147] : memref<10000x144xf32, #tpu.memory_space<vmem_shared>> -> memref<40x144xf32, #tpu.memory_space<vmem_shared>>
        tpu.wait_dma2 semaphore(%run_scoped3A : memref<!tpu.dma_semaphore, #tpu.memory_space<semaphore_mem>>) src(%dma_wait3A_148 : memref<40x144xf32, #tpu.memory_space<vmem_shared>>) dst(%dma_wait3A_146 : memref<40x144xf32, #tpu.memory_space<hbm>>)
        tpu.yield
      }) : () -> ()
    }
    return
  }
}

module attributes {stable_mosaic.version = 14 : i64} {
  func.func @body(%arg0: i32, %arg1: memref<1000x128xf32, #tpu.memory_space<vmem>>, %arg2: memref<128x128xf32, #tpu.memory_space<vmem>>, %arg3: memref<1x128xf32, #tpu.memory_space<vmem>>, %arg4: memref<1x128xf32, #tpu.memory_space<vmem>>, %arg5: memref<128x16xf32, #tpu.memory_space<vmem>>, %arg6: memref<1000x144xf32, #tpu.memory_space<vmem>>, %arg7: memref<1000x144xf32, #tpu.memory_space<vmem>>, %arg8: memref<1000x16xf32, #tpu.memory_space<vmem>>) attributes {dimension_semantics = [#tpu.dimension_semantics<arbitrary>], iteration_bounds = array<i64: 10>, scalar_prefetch = 0 : i64, scratch_operands = 0 : i64, tpu.core_type = #tpu.core_type<tc>, window_params = [{transform_indices = @transform_0, window_bounds = array<i64: 1000, 128>}, {pipeline_mode = #tpu.pipeline_mode<synchronous>, transform_indices = @transform_1, window_bounds = array<i64: 128, 128>}, {pipeline_mode = #tpu.pipeline_mode<synchronous>, transform_indices = @transform_2, window_bounds = array<i64: 1, 128>}, {pipeline_mode = #tpu.pipeline_mode<synchronous>, transform_indices = @transform_3, window_bounds = array<i64: 1, 128>}, {pipeline_mode = #tpu.pipeline_mode<synchronous>, transform_indices = @transform_4, window_bounds = array<i64: 128, 16>}, {transform_indices = @transform_5, window_bounds = array<i64: 1000, 144>}, {transform_indices = @transform_6, window_bounds = array<i64: 1000, 144>}, {transform_indices = @transform_7, window_bounds = array<i64: 1000, 16>}]} {
    %get3A = arith.constant 0 : index
    %get3A_0 = arith.constant 0 : index
    %get3A_1 = vector.load %arg1[%get3A, %get3A_0] : memref<1000x128xf32, #tpu.memory_space<vmem>>, vector<1000x128xf32>
    %get3A_2 = arith.constant 0 : index
    %get3A_3 = arith.constant 0 : index
    %get3A_4 = vector.load %arg2[%get3A_2, %get3A_3] : memref<128x128xf32, #tpu.memory_space<vmem>>, vector<128x128xf32>
    %dot_general3A = arith.constant dense<0.000000e+00> : vector<1000x128xf32>
    %dot_general3A_5 = tpu.matmul %get3A_1, %get3A_4, %dot_general3A {dimension_numbers = #tpu.dot_dimension_numbers<[1], [0], [0], [1], [0, 0, 1, 1], [], []>, precision = #tpu.contract_precision<fp32>, transpose_lhs_hint = false} : vector<1000x128xf32>, vector<128x128xf32>, vector<1000x128xf32> -> vector<1000x128xf32>
    %swap3A = arith.constant 0 : index
    %swap3A_6 = arith.constant 0 : index
    %swap3A_7 = vector.load %arg6[%swap3A, %swap3A_6] : memref<1000x144xf32, #tpu.memory_space<vmem>>, vector<1000x128xf32>
    tpu.vector_store %arg6[%swap3A, %swap3A_6], %dot_general3A_5 {strides = array<i32>} : memref<1000x144xf32, #tpu.memory_space<vmem>>, vector<1000x128xf32>,
    %get3A_8 = arith.constant 0 : index
    %get3A_9 = arith.constant 0 : index
    %get3A_10 = vector.load %arg3[%get3A_8, %get3A_9] : memref<1x128xf32, #tpu.memory_space<vmem>>, vector<1x128xf32>
    %mul3A = vector.broadcast %get3A_10 : vector<1x128xf32> to vector<1000x128xf32>
    %mul3A_11 = arith.mulf %dot_general3A_5, %mul3A : vector<1000x128xf32>
    %get3A_12 = arith.constant 0 : index
    %get3A_13 = arith.constant 0 : index
    %get3A_14 = vector.load %arg5[%get3A_12, %get3A_13] : memref<128x16xf32, #tpu.memory_space<vmem>>, vector<128x16xf32>
    %dot_general3A_15 = arith.constant dense<0.000000e+00> : vector<1000x16xf32>
    %dot_general3A_16 = tpu.matmul %mul3A_11, %get3A_14, %dot_general3A_15 {dimension_numbers = #tpu.dot_dimension_numbers<[1], [0], [0], [1], [0, 0, 1, 1], [], []>, precision = #tpu.contract_precision<fp32>, transpose_lhs_hint = false} : vector<1000x128xf32>, vector<128x16xf32>, vector<1000x16xf32> -> vector<1000x16xf32>
    %swap3A_17 = arith.constant 0 : index
    %swap3A_18 = arith.constant 128 : index
    %swap3A_19 = vector.load %arg6[%swap3A_17, %swap3A_18] : memref<1000x144xf32, #tpu.memory_space<vmem>>, vector<1000x16xf32>
    tpu.vector_store %arg6[%swap3A_17, %swap3A_18], %dot_general3A_16 {strides = array<i32>} : memref<1000x144xf32, #tpu.memory_space<vmem>>, vector<1000x16xf32>,
    %get3A_20 = arith.constant 0 : index
    %get3A_21 = arith.constant 0 : index
    %get3A_22 = vector.load %arg4[%get3A_20, %get3A_21] : memref<1x128xf32, #tpu.memory_space<vmem>>, vector<1x128xf32>
    %mul3A_23 = vector.broadcast %get3A_22 : vector<1x128xf32> to vector<1000x128xf32>
    %mul3A_24 = arith.mulf %dot_general3A_5, %mul3A_23 : vector<1000x128xf32>
    %get3A_25 = arith.constant 0 : index
    %get3A_26 = arith.constant 0 : index
    %get3A_27 = vector.load %arg5[%get3A_25, %get3A_26] : memref<128x16xf32, #tpu.memory_space<vmem>>, vector<128x16xf32>
    %dot_general3A_28 = arith.constant dense<0.000000e+00> : vector<1000x16xf32>
    %dot_general3A_29 = tpu.matmul %mul3A_24, %get3A_27, %dot_general3A_28 {dimension_numbers = #tpu.dot_dimension_numbers<[1], [0], [0], [1], [0, 0, 1, 1], [], []>, precision = #tpu.contract_precision<fp32>, transpose_lhs_hint = false} : vector<1000x128xf32>, vector<128x16xf32>, vector<1000x16xf32> -> vector<1000x16xf32>
    %swap3A_30 = arith.constant 0 : index
    %swap3A_31 = arith.constant 0 : index
    %swap3A_32 = vector.load %arg8[%swap3A_30, %swap3A_31] : memref<1000x16xf32, #tpu.memory_space<vmem>>, vector<1000x16xf32>
    tpu.vector_store %arg8[%swap3A_30, %swap3A_31], %dot_general3A_29 {strides = array<i32>} : memref<1000x16xf32, #tpu.memory_space<vmem>>, vector<1000x16xf32>,
    %swap3A_33 = arith.constant 0 : index
    %swap3A_34 = arith.constant 0 : index
    %swap3A_35 = vector.load %arg7[%swap3A_33, %swap3A_34] : memref<1000x144xf32, #tpu.memory_space<vmem>>, vector<1000x128xf32>
    tpu.vector_store %arg7[%swap3A_33, %swap3A_34], %get3A_1 {strides = array<i32>} : memref<1000x144xf32, #tpu.memory_space<vmem>>, vector<1000x128xf32>,
    %broadcast_in_dim3A = arith.constant 1.000000e+00 : f32
    %broadcast_in_dim3A_36 = vector.broadcast %broadcast_in_dim3A : f32 to vector<1000x16xf32>
    %swap3A_37 = arith.constant 0 : index
    %swap3A_38 = arith.constant 128 : index
    %swap3A_39 = vector.load %arg7[%swap3A_37, %swap3A_38] : memref<1000x144xf32, #tpu.memory_space<vmem>>, vector<1000x16xf32>
    tpu.vector_store %arg7[%swap3A_37, %swap3A_38], %broadcast_in_dim3A_36 {strides = array<i32>} : memref<1000x144xf32, #tpu.memory_space<vmem>>, vector<1000x16xf32>,
    return
  }
  func.func @transform_0(%arg0: i32) -> (i32, i32) {
    %c0_i32 = arith.constant 0 : i32
    %c0_i32_0 = arith.constant 0 : i32
    return %arg0, %c0_i32 : i32, i32
  }
  func.func @transform_1(%arg0: i32) -> (i32, i32) {
    %c0_i32 = arith.constant 0 : i32
    %c0_i32_0 = arith.constant 0 : i32
    %c0_i32_1 = arith.constant 0 : i32
    return %c0_i32, %c0_i32_0 : i32, i32
  }
  func.func @transform_2(%arg0: i32) -> (i32, i32) {
    %c0_i32 = arith.constant 0 : i32
    %c0_i32_0 = arith.constant 0 : i32
    %c0_i32_1 = arith.constant 0 : i32
    return %c0_i32, %c0_i32_0 : i32, i32
  }
  func.func @transform_3(%arg0: i32) -> (i32, i32) {
    %c0_i32 = arith.constant 0 : i32
    %c0_i32_0 = arith.constant 0 : i32
    %c0_i32_1 = arith.constant 0 : i32
    return %c0_i32, %c0_i32_0 : i32, i32
  }
  func.func @transform_4(%arg0: i32) -> (i32, i32) {
    %c0_i32 = arith.constant 0 : i32
    %c0_i32_0 = arith.constant 0 : i32
    %c0_i32_1 = arith.constant 0 : i32
    return %c0_i32, %c0_i32_0 : i32, i32
  }
  func.func @transform_5(%arg0: i32) -> (i32, i32) {
    %c0_i32 = arith.constant 0 : i32
    %c0_i32_0 = arith.constant 0 : i32
    return %arg0, %c0_i32 : i32, i32
  }
  func.func @transform_6(%arg0: i32) -> (i32, i32) {
    %c0_i32 = arith.constant 0 : i32
    %c0_i32_0 = arith.constant 0 : i32
    return %arg0, %c0_i32 : i32, i32
  }
  func.func @transform_7(%arg0: i32) -> (i32, i32) {
    %c0_i32 = arith.constant 0 : i32
    %c0_i32_0 = arith.constant 0 : i32
    return %arg0, %c0_i32 : i32, i32
  }
}

module attributes {stable_mosaic.version = 14 : i64} {
  func.func @body(%arg0: i32, %arg1: memref<1000x144xf32, #tpu.memory_space<vmem>>, %arg2: memref<1000x144xf32, #tpu.memory_space<vmem>>, %arg3: memref<1000x144xf32, #tpu.memory_space<vmem>>, %arg4: memref<1000x144xf32, #tpu.memory_space<vmem>>, %arg5: memref<1000x144xf32, #tpu.memory_space<vmem>>, %arg6: memref<1000x16xf32, #tpu.memory_space<vmem>>, %arg7: memref<1000x128xf32, #tpu.memory_space<vmem>>, %arg8: memref<16x128xf32, #tpu.memory_space<vmem>>, %arg9: memref<1x128xf32, #tpu.memory_space<vmem>>, %arg10: memref<128x128xf32, #tpu.memory_space<vmem>>, %arg11: memref<128x128xf32, #tpu.memory_space<vmem>>, %arg12: memref<1x128xf32, #tpu.memory_space<vmem>>, %arg13: memref<128x128xf32, #tpu.memory_space<vmem>>, %arg14: memref<128x128xf32, #tpu.memory_space<vmem>>, %arg15: memref<1x128xf32, #tpu.memory_space<vmem>>, %arg16: memref<1x128xf32, #tpu.memory_space<vmem>>, %arg17: memref<1x128xf32, #tpu.memory_space<vmem>>, %arg18: memref<1000x128xf32, #tpu.memory_space<vmem>>) attributes {dimension_semantics = [#tpu.dimension_semantics<arbitrary>], iteration_bounds = array<i64: 10>, scalar_prefetch = 0 : i64, scratch_operands = 0 : i64, tpu.core_type = #tpu.core_type<tc>, window_params = [{transform_indices = @transform_0, window_bounds = array<i64: 1000, 144>}, {transform_indices = @transform_1, window_bounds = array<i64: 1000, 144>}, {transform_indices = @transform_2, window_bounds = array<i64: 1000, 144>}, {transform_indices = @transform_3, window_bounds = array<i64: 1000, 144>}, {transform_indices = @transform_4, window_bounds = array<i64: 1000, 144>}, {transform_indices = @transform_5, window_bounds = array<i64: 1000, 16>}, {transform_indices = @transform_6, window_bounds = array<i64: 1000, 128>}, {pipeline_mode = #tpu.pipeline_mode<synchronous>, transform_indices = @transform_7, window_bounds = array<i64: 16, 128>}, {pipeline_mode = #tpu.pipeline_mode<synchronous>, transform_indices = @transform_8, window_bounds = array<i64: 1, 128>}, {pipeline_mode = #tpu.pipeline_mode<synchronous>, transform_indices = @transform_9, window_bounds = array<i64: 128, 128>}, {pipeline_mode = #tpu.pipeline_mode<synchronous>, transform_indices = @transform_10, window_bounds = array<i64: 128, 128>}, {pipeline_mode = #tpu.pipeline_mode<synchronous>, transform_indices = @transform_11, window_bounds = array<i64: 1, 128>}, {pipeline_mode = #tpu.pipeline_mode<synchronous>, transform_indices = @transform_12, window_bounds = array<i64: 128, 128>}, {pipeline_mode = #tpu.pipeline_mode<synchronous>, transform_indices = @transform_13, window_bounds = array<i64: 128, 128>}, {pipeline_mode = #tpu.pipeline_mode<synchronous>, transform_indices = @transform_14, window_bounds = array<i64: 1, 128>}, {pipeline_mode = #tpu.pipeline_mode<synchronous>, transform_indices = @transform_15, window_bounds = array<i64: 1, 128>}, {pipeline_mode = #tpu.pipeline_mode<synchronous>, transform_indices = @transform_16, window_bounds = array<i64: 1, 128>}, {transform_indices = @transform_17, window_bounds = array<i64: 1000, 128>}]} {
    %get3A = arith.constant 0 : index
    %get3A_0 = arith.constant 128 : index
    %get3A_1 = vector.load %arg5[%get3A, %get3A_0] : memref<1000x144xf32, #tpu.memory_space<vmem>>, vector<1000x16xf32>
    %get3A_2 = arith.constant 0 : index
    %get3A_3 = arith.constant 0 : index
    %get3A_4 = vector.load %arg6[%get3A_2, %get3A_3] : memref<1000x16xf32, #tpu.memory_space<vmem>>, vector<1000x16xf32>
    %add3A = arith.addf %get3A_1, %get3A_4 : vector<1000x16xf32>
    %mul3A = arith.constant 2.000000e-01 : f32
    %mul3A_5 = vector.broadcast %mul3A : f32 to vector<1000x16xf32>
    %mul3A_6 = arith.mulf %add3A, %mul3A_5 : vector<1000x16xf32>
    %max3A = arith.maximumf %add3A, %mul3A_6 : vector<1000x16xf32>
    %exp3A = math.exp %max3A : vector<1000x16xf32>
    %get3A_7 = arith.constant 0 : index
    %get3A_8 = arith.constant 0 : index
    %get3A_9 = vector.load %arg1[%get3A_7, %get3A_8] : memref<1000x144xf32, #tpu.memory_space<vmem>>, vector<1000x128xf32>
    %get3A_10 = arith.constant 0 : index
    %get3A_11 = arith.constant 0 : index
    %get3A_12 = vector.load %arg2[%get3A_10, %get3A_11] : memref<1000x144xf32, #tpu.memory_space<vmem>>, vector<1000x128xf32>
    %add3A_13 = arith.addf %get3A_9, %get3A_12 : vector<1000x128xf32>
    %get3A_14 = arith.constant 0 : index
    %get3A_15 = arith.constant 0 : index
    %get3A_16 = vector.load %arg5[%get3A_14, %get3A_15] : memref<1000x144xf32, #tpu.memory_space<vmem>>, vector<1000x128xf32>
    %get3A_17 = arith.constant 0 : index
    %get3A_18 = arith.constant 0 : index
    %get3A_19 = vector.load %arg8[%get3A_17, %get3A_18] : memref<16x128xf32, #tpu.memory_space<vmem>>, vector<16x128xf32>
    %dot_general3A = arith.constant dense<0.000000e+00> : vector<1000x128xf32>
    %dot_general3A_20 = tpu.matmul %exp3A, %get3A_19, %dot_general3A {dimension_numbers = #tpu.dot_dimension_numbers<[1], [0], [0], [1], [0, 0, 1, 1], [], []>, precision = #tpu.contract_precision<fp32>, transpose_lhs_hint = false} : vector<1000x16xf32>, vector<16x128xf32>, vector<1000x128xf32> -> vector<1000x128xf32>
    %mul3A_21 = arith.mulf %get3A_16, %dot_general3A_20 : vector<1000x128xf32>
    %add3A_22 = arith.addf %add3A_13, %mul3A_21 : vector<1000x128xf32>
    %get3A_23 = arith.constant 0 : index
    %get3A_24 = arith.constant 128 : index
    %get3A_25 = vector.load %arg1[%get3A_23, %get3A_24] : memref<1000x144xf32, #tpu.memory_space<vmem>>, vector<1000x16xf32>
    %get3A_26 = arith.constant 0 : index
    %get3A_27 = arith.constant 128 : index
    %get3A_28 = vector.load %arg2[%get3A_26, %get3A_27] : memref<1000x144xf32, #tpu.memory_space<vmem>>, vector<1000x16xf32>
    %add3A_29 = arith.addf %get3A_25, %get3A_28 : vector<1000x16xf32>
    %add3A_30 = arith.addf %add3A_29, %exp3A : vector<1000x16xf32>
    %get3A_31 = arith.constant 0 : index
    %get3A_32 = arith.constant 0 : index
    %get3A_33 = vector.load %arg8[%get3A_31, %get3A_32] : memref<16x128xf32, #tpu.memory_space<vmem>>, vector<16x128xf32>
    %dot_general3A_34 = arith.constant dense<0.000000e+00> : vector<1000x128xf32>
    %dot_general3A_35 = tpu.matmul %add3A_30, %get3A_33, %dot_general3A_34 {dimension_numbers = #tpu.dot_dimension_numbers<[1], [0], [0], [1], [0, 0, 1, 1], [], []>, precision = #tpu.contract_precision<fp32>, transpose_lhs_hint = false} : vector<1000x16xf32>, vector<16x128xf32>, vector<1000x128xf32> -> vector<1000x128xf32>
    %div3A = arith.divf %add3A_22, %dot_general3A_35 : vector<1000x128xf32>
    %get3A_36 = arith.constant 0 : index
    %get3A_37 = arith.constant 0 : index
    %get3A_38 = vector.load %arg9[%get3A_36, %get3A_37] : memref<1x128xf32, #tpu.memory_space<vmem>>, vector<1x128xf32>
    %add3A_39 = vector.broadcast %get3A_38 : vector<1x128xf32> to vector<1000x128xf32>
    %add3A_40 = arith.addf %div3A, %add3A_39 : vector<1000x128xf32>
    %get3A_41 = arith.constant 0 : index
    %get3A_42 = arith.constant 128 : index
    %get3A_43 = vector.load %arg3[%get3A_41, %get3A_42] : memref<1000x144xf32, #tpu.memory_space<vmem>>, vector<1000x16xf32>
    %get3A_44 = arith.constant 0 : index
    %get3A_45 = arith.constant 128 : index
    %get3A_46 = vector.load %arg4[%get3A_44, %get3A_45] : memref<1000x144xf32, #tpu.memory_space<vmem>>, vector<1000x16xf32>
    %add3A_47 = arith.addf %get3A_43, %get3A_46 : vector<1000x16xf32>
    %get3A_48 = arith.constant 0 : index
    %get3A_49 = arith.constant 0 : index
    %get3A_50 = vector.load %arg8[%get3A_48, %get3A_49] : memref<16x128xf32, #tpu.memory_space<vmem>>, vector<16x128xf32>
    %dot_general3A_51 = arith.constant dense<0.000000e+00> : vector<1000x128xf32>
    %dot_general3A_52 = tpu.matmul %add3A_47, %get3A_50, %dot_general3A_51 {dimension_numbers = #tpu.dot_dimension_numbers<[1], [0], [0], [1], [0, 0, 1, 1], [], []>, precision = #tpu.contract_precision<fp32>, transpose_lhs_hint = false} : vector<1000x16xf32>, vector<16x128xf32>, vector<1000x128xf32> -> vector<1000x128xf32>
    %get3A_53 = arith.constant 0 : index
    %get3A_54 = arith.constant 0 : index
    %get3A_55 = vector.load %arg3[%get3A_53, %get3A_54] : memref<1000x144xf32, #tpu.memory_space<vmem>>, vector<1000x128xf32>
    %get3A_56 = arith.constant 0 : index
    %get3A_57 = arith.constant 0 : index
    %get3A_58 = vector.load %arg4[%get3A_56, %get3A_57] : memref<1000x144xf32, #tpu.memory_space<vmem>>, vector<1000x128xf32>
    %add3A_59 = arith.addf %get3A_55, %get3A_58 : vector<1000x128xf32>
    %max3A_60 = arith.constant 1.000000e+00 : f32
    %max3A_61 = vector.broadcast %max3A_60 : f32 to vector<1000x128xf32>
    %max3A_62 = arith.maximumf %dot_general3A_52, %max3A_61 : vector<1000x128xf32>
    %div3A_63 = arith.divf %add3A_59, %max3A_62 : vector<1000x128xf32>
    %get3A_64 = arith.constant 0 : index
    %get3A_65 = arith.constant 0 : index
    %get3A_66 = vector.load %arg10[%get3A_64, %get3A_65] : memref<128x128xf32, #tpu.memory_space<vmem>>, vector<128x128xf32>
    %dot_general3A_67 = arith.constant dense<0.000000e+00> : vector<1000x128xf32>
    %dot_general3A_68 = tpu.matmul %div3A_63, %get3A_66, %dot_general3A_67 {dimension_numbers = #tpu.dot_dimension_numbers<[1], [0], [0], [1], [0, 0, 1, 1], [], []>, precision = #tpu.contract_precision<fp32>, transpose_lhs_hint = false} : vector<1000x128xf32>, vector<128x128xf32>, vector<1000x128xf32> -> vector<1000x128xf32>
    %get3A_69 = arith.constant 0 : index
    %get3A_70 = arith.constant 0 : index
    %get3A_71 = vector.load %arg7[%get3A_69, %get3A_70] : memref<1000x128xf32, #tpu.memory_space<vmem>>, vector<1000x128xf32>
    %get3A_72 = arith.constant 0 : index
    %get3A_73 = arith.constant 0 : index
    %get3A_74 = vector.load %arg11[%get3A_72, %get3A_73] : memref<128x128xf32, #tpu.memory_space<vmem>>, vector<128x128xf32>
    %dot_general3A_75 = arith.constant dense<0.000000e+00> : vector<1000x128xf32>
    %dot_general3A_76 = tpu.matmul %get3A_71, %get3A_74, %dot_general3A_75 {dimension_numbers = #tpu.dot_dimension_numbers<[1], [0], [0], [1], [0, 0, 1, 1], [], []>, precision = #tpu.contract_precision<fp32>, transpose_lhs_hint = false} : vector<1000x128xf32>, vector<128x128xf32>, vector<1000x128xf32> -> vector<1000x128xf32>
    %add3A_77 = arith.addf %dot_general3A_68, %dot_general3A_76 : vector<1000x128xf32>
    %get3A_78 = arith.constant 0 : index
    %get3A_79 = arith.constant 0 : index
    %get3A_80 = vector.load %arg12[%get3A_78, %get3A_79] : memref<1x128xf32, #tpu.memory_space<vmem>>, vector<1x128xf32>
    %add3A_81 = vector.broadcast %get3A_80 : vector<1x128xf32> to vector<1000x128xf32>
    %add3A_82 = arith.addf %add3A_77, %add3A_81 : vector<1000x128xf32>
    %get3A_83 = arith.constant 0 : index
    %get3A_84 = arith.constant 0 : index
    %get3A_85 = vector.load %arg13[%get3A_83, %get3A_84] : memref<128x128xf32, #tpu.memory_space<vmem>>, vector<128x128xf32>
    %dot_general3A_86 = arith.constant dense<0.000000e+00> : vector<1000x128xf32>
    %dot_general3A_87 = tpu.matmul %add3A_40, %get3A_85, %dot_general3A_86 {dimension_numbers = #tpu.dot_dimension_numbers<[1], [0], [0], [1], [0, 0, 1, 1], [], []>, precision = #tpu.contract_precision<fp32>, transpose_lhs_hint = false} : vector<1000x128xf32>, vector<128x128xf32>, vector<1000x128xf32> -> vector<1000x128xf32>
    %get3A_88 = arith.constant 0 : index
    %get3A_89 = arith.constant 0 : index
    %get3A_90 = vector.load %arg14[%get3A_88, %get3A_89] : memref<128x128xf32, #tpu.memory_space<vmem>>, vector<128x128xf32>
    %dot_general3A_91 = arith.constant dense<0.000000e+00> : vector<1000x128xf32>
    %dot_general3A_92 = tpu.matmul %add3A_82, %get3A_90, %dot_general3A_91 {dimension_numbers = #tpu.dot_dimension_numbers<[1], [0], [0], [1], [0, 0, 1, 1], [], []>, precision = #tpu.contract_precision<fp32>, transpose_lhs_hint = false} : vector<1000x128xf32>, vector<128x128xf32>, vector<1000x128xf32> -> vector<1000x128xf32>
    %add3A_93 = arith.addf %dot_general3A_87, %dot_general3A_92 : vector<1000x128xf32>
    %get3A_94 = arith.constant 0 : index
    %get3A_95 = arith.constant 0 : index
    %get3A_96 = vector.load %arg15[%get3A_94, %get3A_95] : memref<1x128xf32, #tpu.memory_space<vmem>>, vector<1x128xf32>
    %add3A_97 = vector.broadcast %get3A_96 : vector<1x128xf32> to vector<1000x128xf32>
    %add3A_98 = arith.addf %add3A_93, %add3A_97 : vector<1000x128xf32>
    %get3A_99 = arith.constant 0 : index
    %get3A_100 = arith.constant 0 : index
    %get3A_101 = vector.load %arg7[%get3A_99, %get3A_100] : memref<1000x128xf32, #tpu.memory_space<vmem>>, vector<1000x128xf32>
    %add3A_102 = arith.addf %add3A_98, %get3A_101 : vector<1000x128xf32>
    %reduce_sum3A = arith.constant dense<0.000000e+00> : vector<1000xf32>
    %reduce_sum3A_103 = vector.multi_reduction <add>, %add3A_102, %reduce_sum3A [1] : vector<1000x128xf32> to vector<1000xf32>
    %broadcast_in_dim3A = vector.shape_cast %reduce_sum3A_103 : vector<1000xf32> to vector<1000x1xf32>
    %div3A_104 = arith.constant 1.280000e+02 : f32
    %div3A_105 = vector.broadcast %div3A_104 : f32 to vector<1000x1xf32>
    %div3A_106 = arith.divf %broadcast_in_dim3A, %div3A_105 : vector<1000x1xf32>
    %sub3A = vector.broadcast %div3A_106 : vector<1000x1xf32> to vector<1000x128xf32>
    %sub3A_107 = arith.subf %add3A_102, %sub3A : vector<1000x128xf32>
    %mul3A_108 = arith.mulf %sub3A_107, %sub3A_107 : vector<1000x128xf32>
    %reduce_sum3A_109 = arith.constant dense<0.000000e+00> : vector<1000xf32>
    %reduce_sum3A_110 = vector.multi_reduction <add>, %mul3A_108, %reduce_sum3A_109 [1] : vector<1000x128xf32> to vector<1000xf32>
    %broadcast_in_dim3A_111 = vector.shape_cast %reduce_sum3A_110 : vector<1000xf32> to vector<1000x1xf32>
    %div3A_112 = arith.constant 1.280000e+02 : f32
    %div3A_113 = vector.broadcast %div3A_112 : f32 to vector<1000x1xf32>
    %div3A_114 = arith.divf %broadcast_in_dim3A_111, %div3A_113 : vector<1000x1xf32>
    %add3A_115 = arith.constant 9.99999974E-6 : f32
    %add3A_116 = vector.broadcast %add3A_115 : f32 to vector<1000x1xf32>
    %add3A_117 = arith.addf %div3A_114, %add3A_116 : vector<1000x1xf32>
    %rsqrt3A = math.rsqrt %add3A_117 : vector<1000x1xf32>
    %mul3A_118 = vector.broadcast %rsqrt3A : vector<1000x1xf32> to vector<1000x128xf32>
    %mul3A_119 = arith.mulf %sub3A_107, %mul3A_118 : vector<1000x128xf32>
    %get3A_120 = arith.constant 0 : index
    %get3A_121 = arith.constant 0 : index
    %get3A_122 = vector.load %arg16[%get3A_120, %get3A_121] : memref<1x128xf32, #tpu.memory_space<vmem>>, vector<1x128xf32>
    %mul3A_123 = vector.broadcast %get3A_122 : vector<1x128xf32> to vector<1000x128xf32>
    %mul3A_124 = arith.mulf %mul3A_119, %mul3A_123 : vector<1000x128xf32>
    %get3A_125 = arith.constant 0 : index
    %get3A_126 = arith.constant 0 : index
    %get3A_127 = vector.load %arg17[%get3A_125, %get3A_126] : memref<1x128xf32, #tpu.memory_space<vmem>>, vector<1x128xf32>
    %add3A_128 = vector.broadcast %get3A_127 : vector<1x128xf32> to vector<1000x128xf32>
    %add3A_129 = arith.addf %mul3A_124, %add3A_128 : vector<1000x128xf32>
    %swap3A = arith.constant 0 : index
    %swap3A_130 = arith.constant 0 : index
    %swap3A_131 = vector.load %arg18[%swap3A, %swap3A_130] : memref<1000x128xf32, #tpu.memory_space<vmem>>, vector<1000x128xf32>
    tpu.vector_store %arg18[%swap3A, %swap3A_130], %add3A_129 {strides = array<i32>} : memref<1000x128xf32, #tpu.memory_space<vmem>>, vector<1000x128xf32>,
    return
  }
  func.func @transform_0(%arg0: i32) -> (i32, i32) {
    %c0_i32 = arith.constant 0 : i32
    %c0_i32_0 = arith.constant 0 : i32
    return %arg0, %c0_i32 : i32, i32
  }
  func.func @transform_1(%arg0: i32) -> (i32, i32) {
    %add3A = arith.constant 10 : i32
    %add3A_0 = arith.addi %arg0, %add3A : i32
    %c0_i32 = arith.constant 0 : i32
    %c0_i32_1 = arith.constant 0 : i32
    return %add3A_0, %c0_i32 : i32, i32
  }
  func.func @transform_2(%arg0: i32) -> (i32, i32) {
    %c0_i32 = arith.constant 0 : i32
    %c0_i32_0 = arith.constant 0 : i32
    return %arg0, %c0_i32 : i32, i32
  }
  func.func @transform_3(%arg0: i32) -> (i32, i32) {
    %add3A = arith.constant 10 : i32
    %add3A_0 = arith.addi %arg0, %add3A : i32
    %c0_i32 = arith.constant 0 : i32
    %c0_i32_1 = arith.constant 0 : i32
    return %add3A_0, %c0_i32 : i32, i32
  }
  func.func @transform_4(%arg0: i32) -> (i32, i32) {
    %c0_i32 = arith.constant 0 : i32
    %c0_i32_0 = arith.constant 0 : i32
    return %arg0, %c0_i32 : i32, i32
  }
  func.func @transform_5(%arg0: i32) -> (i32, i32) {
    %c0_i32 = arith.constant 0 : i32
    %c0_i32_0 = arith.constant 0 : i32
    return %arg0, %c0_i32 : i32, i32
  }
  func.func @transform_6(%arg0: i32) -> (i32, i32) {
    %c0_i32 = arith.constant 0 : i32
    %c0_i32_0 = arith.constant 0 : i32
    return %arg0, %c0_i32 : i32, i32
  }
  func.func @transform_7(%arg0: i32) -> (i32, i32) {
    %c0_i32 = arith.constant 0 : i32
    %c0_i32_0 = arith.constant 0 : i32
    %c0_i32_1 = arith.constant 0 : i32
    return %c0_i32, %c0_i32_0 : i32, i32
  }
  func.func @transform_8(%arg0: i32) -> (i32, i32) {
    %c0_i32 = arith.constant 0 : i32
    %c0_i32_0 = arith.constant 0 : i32
    %c0_i32_1 = arith.constant 0 : i32
    return %c0_i32, %c0_i32_0 : i32, i32
  }
  func.func @transform_9(%arg0: i32) -> (i32, i32) {
    %c0_i32 = arith.constant 0 : i32
    %c0_i32_0 = arith.constant 0 : i32
    %c0_i32_1 = arith.constant 0 : i32
    return %c0_i32, %c0_i32_0 : i32, i32
  }
  func.func @transform_10(%arg0: i32) -> (i32, i32) {
    %c0_i32 = arith.constant 0 : i32
    %c0_i32_0 = arith.constant 0 : i32
    %c0_i32_1 = arith.constant 0 : i32
    return %c0_i32, %c0_i32_0 : i32, i32
  }
  func.func @transform_11(%arg0: i32) -> (i32, i32) {
    %c0_i32 = arith.constant 0 : i32
    %c0_i32_0 = arith.constant 0 : i32
    %c0_i32_1 = arith.constant 0 : i32
    return %c0_i32, %c0_i32_0 : i32, i32
  }
  func.func @transform_12(%arg0: i32) -> (i32, i32) {
    %c0_i32 = arith.constant 0 : i32
    %c0_i32_0 = arith.constant 0 : i32
    %c0_i32_1 = arith.constant 0 : i32
    return %c0_i32, %c0_i32_0 : i32, i32
  }
  func.func @transform_13(%arg0: i32) -> (i32, i32) {
    %c0_i32 = arith.constant 0 : i32
    %c0_i32_0 = arith.constant 0 : i32
    %c0_i32_1 = arith.constant 0 : i32
    return %c0_i32, %c0_i32_0 : i32, i32
  }
  func.func @transform_14(%arg0: i32) -> (i32, i32) {
    %c0_i32 = arith.constant 0 : i32
    %c0_i32_0 = arith.constant 0 : i32
    %c0_i32_1 = arith.constant 0 : i32
    return %c0_i32, %c0_i32_0 : i32, i32
  }
  func.func @transform_15(%arg0: i32) -> (i32, i32) {
    %c0_i32 = arith.constant 0 : i32
    %c0_i32_0 = arith.constant 0 : i32
    %c0_i32_1 = arith.constant 0 : i32
    return %c0_i32, %c0_i32_0 : i32, i32
  }
  func.func @transform_16(%arg0: i32) -> (i32, i32) {
    %c0_i32 = arith.constant 0 : i32
    %c0_i32_0 = arith.constant 0 : i32
    %c0_i32_1 = arith.constant 0 : i32
    return %c0_i32, %c0_i32_0 : i32, i32
  }
  func.func @transform_17(%arg0: i32) -> (i32, i32) {
    %c0_i32 = arith.constant 0 : i32
    %c0_i32_0 = arith.constant 0 : i32
    return %arg0, %c0_i32 : i32, i32
  }
}

</mosaic_0001>

<sc_bundles>
// kernel: kernel.6.cloned.1.call-start
scs
__scs_entry_jumppad:
0x0: {  	(pc) =	sbr.rel $0x88, $3  }
0x1: {  	(tag) =	ssettag $0x0;
	lr =	simm.s32 $0x1  }
0x2: {  	[smem:$0x3F94] =	sst lr;
	_ =	strace $0xD0000000  }
0x3: {  	_ = 	snop  }
0x4: {  	_ = 	snop  }
0x5: {  	_ = 	snop  }
0x6: {  	_ = 	snop  }
0x7: {  	_ = 	snop  }
__scs_overlays_trampoline_lowered:
0x8: {  	[smem:$0x3FA3] =	sst s0  }
0x9: {  	[smem:$0x3FA4] =	sst s1  }
0xa: {  	[smem:$0x3FA5] =	sst s2  }
0xb: {  	[smem:$0x3FA6] =	sst s3  }
0xc: {  	[smem:$0x3FA7] =	sst s4  }
0xd: {  	[smem:$0x3FA8] =	sst s5  }
0xe: {  	[smem:$0x3FA9] =	sst s6  }
0xf: {  	[smem:$0x3FAA] =	sst s7  }
0x10: {  	[smem:$0x3FAB] =	sst s8  }
0x11: {  	[smem:$0x3FAC] =	sst s9;
	s0 =	simm.s32 @!p0 $0x0  }
0x12: {  	s1 =	sld [smem:$0x3F92];
	s0 =	simm.s32 @p0 $0x1  }
0x13: {  	[smem:$0x3FAD] =	sst s0;
	s0 =	simm.s32 @!p1 $0x0  }
0x14: {  	s2 =	sld [smem:$0x3F91];
	s0 =	simm.s32 @p1 $0x1  }
0x15: {  	[smem:$0x3FAE] =	sst s0;
	s0 =	simm.s32 @!p2 $0x0  }
0x16: {  	s3 =	sld [smem:$0x3FDB];
	s0 =	simm.s32 @p2 $0x1  }
0x17: {  	s4 =	simm.s32 $0x1BF5;
	[smem:$0x3FB0] =	sst s0  }
0x18: {  	s0 =	sld [smem:$0x3F93];
	_ =	swait.ge [sflag:s4], $0x0  }
0x19: {  	s7 =	sld [smem:$0x3F94]  }
0x1a: {  	s8 =	sadd.s32 $0xFFFFE003, lr  }
0x1b: {  	s9 =	sadd.s32 $0xFFFFFEF7, lr;
	s5 =	simm.s32 $0xFFFFFFFF;
	p2 =	slt.u32 s8, $0xFFFFF086  }
0x1c: {  	p1 =	slt.u32 s9, $0xF7A;
	s5 =	simm.s32 @!p2 $0x0  }
0x1d: {  	s5 =	simm.s32 @p1 $0x1;
	p0 =	seq.s32 s7, s2  }
0x1e: {  	s7 =	smul.u32 @!p0 $0xF7A, s2;
	p2 =	seq.s32 @!p0 s5, $0x0  }
0x1f: {  	s9 =	smul.u32 $0xF7A, s1;
	s8 =	simm.s32 @!p0 $0x1BF5;
	p2 =	por !p2, p0  }
0x20: {  	[sflag:s8] =	ssyncset.s32 @!p0 $0xFFFFF086;
	s6 =	sadd.s32 @!p0 s3, s7;
	s7 =	simm.s32 @!p0 $0x108  }
0x21: {  	s3 =	sadd.s32 s3, s9;
	s6 =	sadd.s32 @!p0 $0x88, s6;
	s7 =	simm.s32 @p2 $0x1082  }
0x22: {  	[simem:s7], [sflag:s8] =	dma.local @!p0 [hbm:s6], $0xF7A  }
0x23: {  	s9 =	sor.u32 $0xD0000000, s2;
	s6 =	simm.s32 $0x108;
	_ =	swait.ge @!p0 [sflag:s8], $0x0  }
0x24: {  	s3 =	sadd.s32 $0x88, s3;
	s6 =	simm.s32 @!p1 $0x1082;
	[sflag:s4] =	ssyncset.s32 $0xFFFFF086  }
0x25: {  	[simem:s6], [sflag:s4] =	dma.local [hbm:s3], $0xF7A  }
0x26: {  	[smem:$0x3F94] =	sst s1;
	(tag) =	ssettag s2;
	_ =	strace s9  }
0x27: {  	s1 =	sld [smem:$0x3FA4]  }
0x28: {  	s2 =	sld [smem:$0x3FA5]  }
0x29: {  	s4 =	sld [smem:$0x3FA7]  }
0x2a: {  	p0 =	seq.s32 s5, $0x0;
	s5 =	sld [smem:$0x3FA8]  }
0x2b: {  	s6 =	sld [smem:$0x3FA9]  }
0x2c: {  	s7 =	sld [smem:$0x3FAA]  }
0x2d: {  	s3 =	simm.s32 $0x108;
	s8 =	sld [smem:$0x3FAB]  }
0x2e: {  	s3 =	simm.s32 @!p0 $0x1082;
	s9 =	sld [smem:$0x3FAC]  }
0x2f: {  	lr =	sadd.s32 s0, s3;
	s0 =	sld [smem:$0x3FA3]  }
0x30: {  	s3 =	sld [smem:$0x3FA6]  }
0x31: {  	[smem:$0x3FAF] =	sst s10  }
0x32: {  	s10 =	sld [smem:$0x3FAD];
	_ =	sdelay $0x3  }
0x33: {  	p0 =	seq.s32 s10, $0x1;
	s10 =	sld [smem:$0x3FAF];
	_ =	sdelay $0x3  }
0x34: {  	[smem:$0x3FAF] =	sst s10  }
0x35: {  	s10 =	sld [smem:$0x3FAE];
	_ =	sdelay $0x3  }
0x36: {  	p1 =	seq.s32 s10, $0x1;
	s10 =	sld [smem:$0x3FAF];
	_ =	sdelay $0x3  }
0x37: {  	[smem:$0x3FAF] =	sst s10  }
0x38: {  	s10 =	sld [smem:$0x3FB0]  }
0x39: {  	_ = 	snop;
	(pc) =	sbr.ind lr, $3  }
0x3a: {  	_ = 	snop  }
0x3b: {  	_ = 	snop  }
0x3c: {  	p2 =	seq.s32 s10, $0x1;
	s10 =	sld [smem:$0x3FAF]  }
0x3d: {  	_ =	shalt  }
0x3e: {  	_ =	shalt  }
0x3f: {  	_ =	shalt  }
0x40: {  	_ =	shalt  }
0x41: {  	_ =	shalt  }
0x42: {  	_ =	shalt  }
0x43: {  	_ =	shalt  }
0x44: {  	_ =	shalt  }
0x45: {  	_ =	shalt  }
0x46: {  	_ =	shalt  }
0x47: {  	_ =	shalt  }
0x48: {  	_ =	shalt  }
0x49: {  	_ =	shalt  }
0x4a: {  	_ =	shalt  }
0x4b: {  	_ =	shalt  }
0x4c: {  	_ =	shalt  }
0x4d: {  	_ =	shalt  }
0x4e: {  	_ =	shalt  }
0x4f: {  	_ =	shalt  }
0x50: {  	_ =	shalt  }
0x51: {  	_ =	shalt  }
0x52: {  	_ =	shalt  }
0x53: {  	_ =	shalt  }
0x54: {  	_ =	shalt  }
0x55: {  	_ =	shalt  }
0x56: {  	_ =	shalt  }
0x57: {  	_ =	shalt  }
0x58: {  	_ =	shalt  }
0x59: {  	_ =	shalt  }
0x5a: {  	_ =	shalt  }
0x5b: {  	_ =	shalt  }
0x5c: {  	_ =	shalt  }
0x5d: {  	_ =	shalt  }
0x5e: {  	_ =	shalt  }
0x5f: {  	_ =	shalt  }
0x60: {  	_ =	shalt  }
0x61: {  	_ =	shalt  }
0x62: {  	_ =	shalt  }
0x63: {  	_ =	shalt  }
0x64: {  	_ =	shalt  }
0x65: {  	_ =	shalt  }
0x66: {  	_ =	shalt  }
0x67: {  	_ =	shalt  }
0x68: {  	_ =	shalt  }
0x69: {  	_ =	shalt  }
0x6a: {  	_ =	shalt  }
0x6b: {  	_ =	shalt  }
0x6c: {  	_ =	shalt  }
0x6d: {  	_ =	shalt  }
0x6e: {  	_ =	shalt  }
0x6f: {  	_ =	shalt  }
0x70: {  	_ =	shalt  }
0x71: {  	_ =	shalt  }
0x72: {  	_ =	shalt  }
0x73: {  	_ =	shalt  }
0x74: {  	_ =	shalt  }
0x75: {  	_ =	shalt  }
0x76: {  	_ =	shalt  }
0x77: {  	_ =	shalt  }
0x78: {  	_ =	shalt  }
0x79: {  	_ =	shalt  }
0x7a: {  	_ =	shalt  }
0x7b: {  	_ =	shalt  }
0x7c: {  	_ =	shalt  }
0x7d: {  	_ =	shalt  }
0x7e: {  	_ =	shalt  }
0x7f: {  	_ =	shalt  }
0x80: {  	_ =	shalt  }
0x81: {  	_ =	shalt  }
0x82: {  	_ =	shalt  }
0x83: {  	_ =	shalt  }
0x84: {  	_ =	shalt  }
0x85: {  	_ =	shalt  }
0x86: {  	_ =	shalt  }
0x87: {  	_ =	shalt  }
.Lfunc_end0:
.L_simem_size_0:
called_computation_lowered:
.L_overlay_start_0:
0x88: {  	s2 =	sld [smem:$0x3FD9]  }
0x89: {  	s3 =	sld [smem:$0x3FFE];
	_ =	sdelay $0x1  }
0x8a: {  	s1 =	srdreg.scid  }
0x8b: {  	s0 =	sand.u32 $0x1, s1  }
0x8c: {  	s17 =	sshll.u32 s0, $0xA;
	s2 =	sadd.s32 s3, s2  }
0x8d: {  	s2 =	sadd.s32 s2, s17  }
0x8e: {  	[smem:$0x3FBB] =	sst s2  }
0x8f: {  	_ = 	snop  }
0x90: {  	s2 =	sld [smem:$0x3FD0];
	(tm) =	ssettm $0x1  }
0x91: {  	s18 =	sld [smem:$0x3FFB];
	_ =	sdelay $0x3  }
0x92: {  	_ =	strace s18  }
0x93: {  	s3 =	sld [smem:$0x3FFC];
	_ =	sdelay $0x3  }
0x94: {  	_ =	strace s3  }
0x95: {  	s3 =	sld [smem:$0x3FFD];
	_ =	sdelay $0x3  }
0x96: {  	_ =	strace s3  }
0x97: {  	_ =	strace $0x8FFFFFFF  }
0x98: {  	s19 =	sld [smem:$0x3FDB];
	_ =	sdelay $0x1  }
0x99: {  	s4 =	simm.s32 $_scs_section_size  }
0x9a: {  	s5 =	simm.s32 $_size__tile_overlayer_lowered;
	s6 =	simm.s32 $_tile_overlayer_lowered  }
0x9b: {  	s22 =	simm.s32 $0x1BFF;
	s21 =	sshll.u32 s6, $0x1;
	s3 =	sadd.s32 s4, s19  }
0x9c: {  	s7 =	simm.s32 $0x0;
	s20 =	sshll.u32 s5, $0x1;
	s5 =	sadd.s32 s21, s3  }
0x9d: {  	[timem:s7], [sflag:s22] =	dma.local [hbm:s5], s20  }
0x9e: {  	_ =	swait.ge [sflag:s22], s20  }
0x9f: {  	s4 =	ssub.s32 $0x0, s20;
	[sflag:s22] =	ssyncset.done $0x0  }
0xa0: {  	[sflag:s22] =	ssyncadd.s32 s4;
	_ =	sdelay $0x1  }
0xa1: {  	s23 =	simm.s32 $0x1B8B  }
0xa2: {  	_ =	swait.ge [sflag:s23], $0x1  }
0xa3: {  	[sflag:s23] =	ssyncset.done $0x0  }
0xa4: {  	s25 =	simm.s32 $0x1B8E;
	s24 =	sld [smem:$0x3FFE];
	[sflag:s23] =	ssyncadd.s32 $0xFFFFFFFF  }
0xa5: {  	s26 =	simm.s32 $execute0_lowered;
	[smem:$0x3FD2] =	sst s25  }
0xa6: {  	s5 =	sshll.u32 s26, $0x1;
	_ =	strace $0x80000046;
	[dreg:$0x1] =	wrdreg $0xFFFFFFFF  }
0xa7: {  	s28 =	simm.s32 $_size_execute0_lowered;
	s3 =	sadd.s32 s3, s5;
	[dreg:$0x0] =	wrdreg $0x0  }
0xa8: {  	s5 =	sshll.u32 s28, $0x1;
	[dreg:$0x2] =	wrdreg s3  }
0xa9: {  	[dreg:$0x3] =	wrdreg s5  }
0xaa: {  	[dreg:$0x4] =	wrdreg $0xC0  }
0xab: {  	_ =	task [dreg:s7], $0x5FFFF  }
0xac: {  	[dreg:$0x1] =	wrdreg $0xFFFFFFFF  }
0xad: {  	[dreg:$0x0] =	wrdreg $0x60  }
0xae: {  	[dreg:$0x2] =	wrdreg s24  }
0xaf: {  	[dreg:$0x3] =	wrdreg s2  }
0xb0: {  	[dreg:$0x4] =	wrdreg $0x96A00  }
0xb1: {  	[dreg:$0x5] =	wrdreg $0x9  }
0xb2: {  	_ =	task.clear_ibuf [dreg:s7], $0x6FFFF;
	_ =	strace $0x90000046  }
0xb3: {  	s29 =	simm.s32 $0x9;
	_ =	strace $0x80000048  }
0xb4: {  	_ =	swait.ge [sflag:s29], $0x1  }
0xb5: {  	[sflag:s29] =	ssyncadd.s32 $0xFFFFFFFF  }
0xb6: {  	_ =	strace $0x90000048  }
0xb7: {  	_ =	sfence  }
0xb8: {  	s30 =	sld [smem:$0x0];
	_ =	sdelay $0x2  }
0xb9: {  	s31 =	sshll.u32 s1, $0xD;
	s1 =	sshrl.u32 s1, $0x2  }
0xba: {  	s3 =	sand.u32 $0x4000, s31;
	s1 =	sadd.s32 s1, s30  }
0xbb: {  	s0 =	sor.u32 s3, s0;
	s1 =	sshll.u32 s1, $0x11  }
0xbc: {  	s0 =	sor.u32 s1, s0  }
0xbd: {  	s0 =	sadd.s32 $0x8F2B, s0  }
0xbe: {  	[sflag:s0] =	ssyncadd.remote.s32 $0x1  }
0xbf: {  	_ =	sfence.sel $0xFFFF  }
0xc0: {  	[dreg:$0x0] =	wrdreg $0xFFFFFFFF;
	(pc) =	sbr.abs _section_cstart, $3  }
0xc1: {  	[dreg:$0x1] =	wrdreg $0xFFFFFFFF  }
0xc2: {  	_ =	task.clear_ibuf [dreg:s7], $0x2FFFF;
	_ =	strace $0x9FFFFFFF  }
0xc3: {  	(tm) =	ssettm $0x7FFFFFFF  }
tec
execute0_lowered:
.L_overlay_start_1:
0x0: {  	(tag) =	ssettag $0x1  }
0x1: {  	s6 =	rddreg [dreg:$0x0]  }
0x2: {  	s0 =	srdreg.scid;
	s7 =	rddreg [dreg:$0x1]  }
0x3: {  	s13 =	stileid.u32;
	s2 =	rddreg [dreg:$0x2];
	s3 =	simm.s32 $0x0  }
0x4: {  	s14 =	simm.s32 $0x6F90;
	s15 =	simm.s32 $0x28;
	s16 =	simm.s32 $0x1680  }
0x5: {  	s17 =	simm.s32 $0x4380;
	s18 =	simm.s32 $0x1;
	s19 =	simm.s32 $0x2D00  }
0x6: {  	s20 =	simm.s32 $0x4600;
	s21 =	simm.s32 $0x2;
	s22 =	simm.s32 $0x3  }
0x7: {  	s23 =	simm.s32 $0x4;
	s25 =	simm.s32 $0x9678;
	s9 =	smul.u32 $0x1680, s13  }
0x8: {  	s28 =	simm.s32 $0x0;
	s0 =	sand.u32 $0x1, s0;
	s10 =	smul.u32 $0x28, s13  }
0x9: {  	[smem:$0x7FF] =	sst s3;
	s4 =	sadd.s32 $0x50800, s6;
	s30 =	smul.u32 $0x5A00, s13  }
0xa: {  	s5 =	sadd.s32 $0x7C800, s6;
	s1 =	sshll.u32 s0, $0x4;
	s8 =	smul.u32 $0x15F900, s0  }
0xb: {  	_ =	strace $0x80000047;
	s0 =	ssub.s32 $0x2, s0;
	s1 =	sor.u32 s13, s1  }
0xc: {  	s26 =	ssub.s32 $0x2988, s10;
	s29 =	sshrl.u32 s0, $0x1;
	s31 =	sshrl.u32 s30, $0x2  }
0xd: {  	s13 =	simm.s32 $0x5;
	s1 =	smul.u32 $0x4E2, s1;
	s8 =	sadd.s32 s9, s8  }
0xe: {  	s9 =	smul.u32 $0xCCD, s26;
	s0 =	ssub.s32 s0, s29;
	s8 =	sshrl.u32 s8, $0x3  }
0xf: {  	s10 =	sadd.s32 s31, s2;
	s11 =	sadd.s32 s1, s6;
	s12 =	sadd.s32 s8, s6  }
0x10: {  	s7 =	sadd.s32 s7, s1;
	s8 =	sshrl.u32 s9, $0x15;
	s9 =	smax.u32 s0, $0x1  }
0x11: {  	v0 =	vimm.f32 $0.0e+00;
	s6 =	sadd.s32 $0x81800, s11;
	s11 =	sadd.s32 $0x8B600, s12;
	s12 =	simm.s32 $0x4880  }
.LBB2_1:
0x12: {  	s0 =	simm.s32 $0x80;
	s1 =	simm.s32 $0x440  }
.LBB2_2:
0x13: {  	p0 =	sne.s32 s1, $0x59C0;
	[tilespmem:s0+$0x0] =	vst v0  }
0x14: {  	[tilespmem:s0+$0xFFFFFF80] =	vst v0  }
0x15: {  	[tilespmem:s0+$0xFFFFFF90] =	vst v0  }
0x16: {  	[tilespmem:s0+$0xFFFFFFA0] =	vst v0  }
.Ltmp0:
0x17: {  	[tilespmem:s0+$0xFFFFFFB0] =	vst v0;
	(pc) =	sbr.rel @p0 .LBB2_2-.Ltmp0, $4  }
0x18: {  	[tilespmem:s0+$0xFFFFFFC0] =	vst v0  }
0x19: {  	[tilespmem:s0+$0xFFFFFFD0] =	vst v0  }
0x1a: {  	[tilespmem:s0+$0xFFFFFFE0] =	vst v0  }
0x1b: {  	[tilespmem:s0+$0xFFFFFFF0] =	vst v0;
	s0 =	sshra.s32 s1, $0x2;
	s1 =	sadd.s32 $0x240, s1  }
0x1c: {  	[tilespmem:s0+$0x0] =	vst v0  }
0x1d: {  	[tilespmem:s0+$0xFFFFFF80] =	vst v0  }
0x1e: {  	[tilespmem:s0+$0xFFFFFF90] =	vst v0  }
0x1f: {  	[tilespmem:s0+$0xFFFFFFA0] =	vst v0  }
0x20: {  	[tilespmem:s0+$0xFFFFFFB0] =	vst v0  }
0x21: {  	[tilespmem:s0+$0xFFFFFFC0] =	vst v0  }
0x22: {  	[tilespmem:s0+$0xFFFFFFD0] =	vst v0  }
0x23: {  	[tilespmem:s0+$0xFFFFFFE0] =	vst v0  }
0x24: {  	[tilespmem:s0+$0xFFFFFFF0] =	vst v0  }
0x25: {  	[tilespmem:s12], [sflag:$0x5] =	stream.linear.gather [hbm4b:s6+s3], $0x2710, $0x38;
	[tilespmem:$0x1F630] =	vst v63  }
0x26: {  	_ =	swait.ge [sflag:s13], $0x2710  }
0x27: {  	[sflag:s13] =	ssyncset.done $0x0  }
0x28: {  	[sflag:s13] =	ssyncadd.s32 $0xFFFFD8F0  }
0x29: {  	[tilespmem:s14], [sflag:$0x5] =	stream.linear.gather [hbm4b:s7+s3], $0x2710, $0x38;
	[tilespmem:$0x1F630] =	vst v63  }
0x2a: {  	p0 =	sne.s32 s8, $0x1;
	_ =	swait.ge [sflag:s13], $0x2710  }
.Ltmp1:
0x2b: {  	[sflag:s13] =	ssyncset.done $0x0;
	(pc) =	sbr.rel @!p0 .LBB2_5-.Ltmp1, $4  }
0x2c: {  	[sflag:s13] =	ssyncadd.s32 $0xFFFFD8F0  }
0x2d: {  	[spmem:s10] =	stream.linear.scatter [tilespmem:s3], [sflag:$0x5], $0x1680, $0x38;
	[tilespmem:$0x1F630] =	vst v63  }
0x2e: {  	_ =	swait.ge [sflag:s13], $0x1680  }
0x2f: {  	s0 =	sadd.s32 $0xFFFFFFFF, s8;
	s1 =	smov.u32 s10;
	[sflag:s13] =	ssyncset.done $0x0  }
.LBB2_4:
0x30: {  	p1 =	sne.s32 s0, $0x1;
	[sflag:s13] =	ssyncadd.s32 $0xFFFFE980;
	s1 =	sadd.s32 $0x16800, s1  }
.Ltmp2:
0x31: {  	s0 =	sadd.s32 $0xFFFFFFFF, s0;
	(pc) =	sbr.rel @p1 .LBB2_4-.Ltmp2, $4  }
0x32: {  	_ = 	snop  }
0x33: {  	[spmem:s1] =	stream.linear.scatter [tilespmem:s3], [sflag:$0x5], $0x1680, $0x38;
	[tilespmem:$0x1F630] =	vst v63  }
0x34: {  	_ =	swait.ge [sflag:s13], $0x1680  }
0x35: {  	[sflag:s13] =	ssyncset.done $0x0  }
.LBB2_5:
0x36: {  	[sflag:s13] =	ssyncadd.s32 $0xFFFFE980  }
0x37: {  	[bflag:$0x0] =	sbarrier.arrive $0xFFFF  }
0x38: {  	[tilespmem:s16], [sflag:$0x1] =	stream.indirect.gather [hbm4b:s4+s15], $0x90, s12, s15, $0xb8;
	[tilespmem:$0x1F630] =	vst v63  }
0x39: {  	s29 =	simm.s32 $0x0  }
0x3a: {  	[tilespmem:s17], [sflag:$0x1] =	stream.indirect.gather [hbm4b:s5+s15], $0x10, s14, s15, $0xb8;
	[tilespmem:$0x1F630] =	vst v63  }
.LBB2_6:
0x3b: {  	_ =	swait.ge [sflag:s18], $0x1680  }
0x3c: {  	[sflag:s18] =	ssyncset.done $0x0  }
0x3d: {  	[sflag:s18] =	ssyncadd.s32 $0xFFFFE980  }
0x3e: {  	_ =	swait.ge [sflag:s18], $0x280  }
0x3f: {  	p1 =	seq.s32 s29, $0x0;
	[sflag:s18] =	ssyncset.done $0x0  }
0x40: {  	s0 =	simm.s32 @!p1 $0x4;
	[sflag:s18] =	ssyncadd.s32 $0xFFFFFD80  }
0x41: {  	s31 =	smul.u32 $0x50, s29;
	_ =	swait.ge @!p1 [sflag:s0], $0x1680  }
0x42: {  	[sflag:s0] =	ssyncset.done @!p1 $0x0  }
0x43: {  	s24 =	sadd.s32 $0x48A8, s31;
	[sflag:s0] =	ssyncadd.s32 @!p1 $0xFFFFE980  }
0x44: {  	[tilespmem:s19], [sflag:$0x2] =	stream.indirect.gather [hbm4b:s4+s15], $0x90, s24, s15, $0xb8;
	[tilespmem:$0x1F630] =	vst v63  }
0x45: {  	s30 =	sadd.s32 $0x6FB8, s31;
	s24 =	simm.s32 $0x1710  }
0x46: {  	[tilespmem:s20], [sflag:$0x2] =	stream.indirect.gather [hbm4b:s5+s15], $0x10, s30, s15, $0xb8;
	[tilespmem:$0x1F630] =	vst v63  }
0x47: {  	s26 =	simm.s32 $0x4390;
	v1 =	vld [tilespmem:s24+$0x80]  }
0x48: {  	v2 =	vld [tilespmem:s26+$0x0]  }
0x49: {  	v3 =	vld [tilespmem:s26+$0xFFFFFFF0]  }
0x4a: {  	v4 =	vld [tilespmem:s24+$0xFFFFFFF0];
	_ =	sdelay $0x1  }
0x4b: {  	v5 =	vld [tilespmem:s24+$0xFFFFFF70]  }
0x4c: {  	v6 =	vld [tilespmem:s24+$0xFFFFFF80]  }
0x4d: {  	v7 =	vld [tilespmem:s24+$0xFFFFFF90];
	v1 =	vadd.f32 v2, v1  }
0x4e: {  	v10 =	vld [tilespmem:s24+$0xFFFFFFA0];
	v2 =	vadd.f32 v3, v4  }
0x4f: {  	v11 =	vld [tilespmem:s24+$0xFFFFFFB0];
	v3 =	vmul.f32 $2.000000030e-01, v1  }
0x50: {  	v12 =	vld [tilespmem:s24+$0xFFFFFFC0];
	v4 =	vmul.f32 $2.000000030e-01, v2  }
0x51: {  	v13 =	vld [tilespmem:s24+$0xFFFFFFD0];
	v1 =	vmax.f32 v1, v3  }
0x52: {  	v14 =	vld [tilespmem:s24+$0xFFFFFFE0];
	v2 =	vmax.f32 v2, v4;
	v1 =	vmul.f32 $1.442695020e+00, v1  }
0x53: {  	v15 =	vld [tilespmem:s24+$0x10];
	v2 =	vmul.f32 $1.442695020e+00, v2  }
0x54: {  	v17 =	vld [tilespmem:s24+$0x20];
	(erf) = vpow2.f32 v1  }
0x55: {  	v18 =	vld [tilespmem:s24+$0x30];
	(erf) = vpow2.f32 v2  }
0x56: {  	v19 =	vld [tilespmem:s24+$0x40]  }
0x57: {  	v20 =	vld [tilespmem:s24+$0x50]  }
0x58: {  	v3 =	vld [tilespmem:s24+$0x0]  }
0x59: {  	v1 =	vld [tilespmem:s24+$0x70]  }
0x5a: {  	s1 =	simm.s32 $0x1830;
	v21 =	vld [tilespmem:s24+$0x60]  }
0x5b: {  	v16 =	vld [tilespmem:s1+$0x80];
	s26 =	simm.s32 $0x43B0  }
0x5c: {  	v22 =	vld [tilespmem:s26+$0x0]  }
0x5d: {  	v25 =	vld [tilespmem:s1+$0xFFFFFFF0];
	v24 =	vpop (erf)  }
0x5e: {  	v23 =	vld [tilespmem:s26+$0xFFFFFFF0];
	v2 =	vmul.f32 v1, v24;
	v3 =	vmul.f32 v24, v3;
	v8 =	vpop (erf)  }
0x5f: {  	v9 =	vld [tilespmem:s1+$0xFFFFFF70];
	[tilespmem:s24+$0x80] =	vst v24;
	v4 =	vmul.f32 v8, v5;
	v5 =	vmul.f32 v8, v6  }
0x60: {  	v1 =	vld [tilespmem:s1+$0xFFFFFF80];
	v6 =	vmul.f32 v7, v8;
	v7 =	vmul.f32 v10, v8;
	[tilespmem:s24+$0x70] =	vst v2  }
0x61: {  	v10 =	vmul.f32 v11, v8;
	v11 =	vmul.f32 v12, v8;
	v12 =	vadd.f32 v22, v16;
	v16 =	vld [tilespmem:s1+$0x0];
	[tilespmem:s24+$0x0] =	vst v3  }
0x62: {  	v2 =	vld [tilespmem:s1+$0xFFFFFF90];
	[tilespmem:s24+$0xFFFFFF70] =	vst v4  }
0x63: {  	v62 =	vadd.f32 v23, v25;
	v13 =	vmul.f32 v13, v8;
	v3 =	vld [tilespmem:s1+$0xFFFFFFA0];
	[tilespmem:s24+$0xFFFFFF80] =	vst v5;
	v63 =	vmul.f32 $2.000000030e-01, v12  }
0x64: {  	v4 =	vld [tilespmem:s1+$0xFFFFFFB0];
	[tilespmem:s24+$0xFFFFFF90] =	vst v6  }
0x65: {  	v5 =	vld [tilespmem:s1+$0xFFFFFFC0];
	[tilespmem:s24+$0xFFFFFFD0] =	vst v13;
	v13 =	vmul.f32 v17, v24;
	v17 =	vmul.f32 $2.000000030e-01, v62;
	v12 =	vmax.f32 v12, v63  }
0x66: {  	v6 =	vld [tilespmem:s1+$0xFFFFFFD0];
	[tilespmem:s24+$0xFFFFFFA0] =	vst v7;
	v23 =	vmul.f32 $1.442695020e+00, v12  }
0x67: {  	v7 =	vld [tilespmem:s1+$0xFFFFFFE0];
	[tilespmem:s24+$0xFFFFFFB0] =	vst v10;
	v10 =	vmul.f32 v14, v8;
	v12 =	vmax.f32 v62, v17  }
0x68: {  	v14 =	vld [tilespmem:s1+$0x10];
	[tilespmem:s24+$0x20] =	vst v13;
	v13 =	vmul.f32 $1.442695020e+00, v12;
	(erf) = vpow2.f32 v23  }
0x69: {  	[tilespmem:s24+$0xFFFFFFC0] =	vst v11;
	v11 =	vmul.f32 v24, v15;
	v15 =	vld [tilespmem:s1+$0x20]  }
0x6a: {  	v18 =	vmul.f32 v18, v24;
	[tilespmem:s24+$0xFFFFFFE0] =	vst v10;
	v10 =	vld [tilespmem:s1+$0x30];
	(erf) = vpow2.f32 v13  }
0x6b: {  	v19 =	vmul.f32 v19, v24;
	[tilespmem:s24+$0x10] =	vst v11;
	v11 =	vld [tilespmem:s1+$0x40]  }
0x6c: {  	v20 =	vmul.f32 v20, v24;
	[tilespmem:s24+$0x30] =	vst v18;
	v17 =	vld [tilespmem:s1+$0x70]  }
0x6d: {  	[tilespmem:s24+$0x40] =	vst v19;
	v18 =	vmul.f32 v21, v24;
	v12 =	vld [tilespmem:s1+$0x50]  }
0x6e: {  	s12 =	simm.s32 $0x1950;
	s0 =	simm.s32 $0x2;
	[tilespmem:s24+$0x50] =	vst v20;
	v13 =	vld [tilespmem:s1+$0x60]  }
.LBB2_7:
0x6f: {  	v19 =	vld [tilespmem:s12+$0x80];
	s26 =	sadd.s32 $0x20, s26;
	[tilespmem:s24+$0x60] =	vst v18  }
0x70: {  	s0 =	sadd.s32 $0x2, s0;
	v18 =	vld [tilespmem:s26+$0x0];
	[tilespmem:s24+$0xFFFFFFF0] =	vst v8;
	s24 =	smov.u32 s1;
	s1 =	smov.u32 s12  }
0x71: {  	p1 =	slt.u32 s0, $0x26;
	v20 =	vld [tilespmem:s26+$0xFFFFFFF0];
	v21 =	vpop (erf)  }
0x72: {  	v22 =	vld [tilespmem:s12+$0xFFFFFFF0];
	[tilespmem:s24+$0x80] =	vst v21;
	v16 =	vmul.f32 v21, v16;
	v17 =	vmul.f32 v17, v21  }
0x73: {  	v24 =	vmul.f32 v21, v14;
	v25 =	vmul.f32 v15, v21;
	v23 =	vld [tilespmem:s12+$0xFFFFFF70];
	v8 =	vpop (erf)  }
0x74: {  	v9 =	vmul.f32 v8, v9;
	v14 =	vmul.f32 v8, v1;
	v1 =	vld [tilespmem:s12+$0xFFFFFF80];
	[tilespmem:s24+$0x70] =	vst v17  }
0x75: {  	v17 =	vmul.f32 v2, v8;
	v15 =	vadd.f32 v18, v19;
	v2 =	vld [tilespmem:s12+$0xFFFFFF90];
	v18 =	vmul.f32 v3, v8;
	[tilespmem:s24+$0x0] =	vst v16  }
0x76: {  	v16 =	vmul.f32 v4, v8;
	v19 =	vmul.f32 v5, v8;
	v3 =	vld [tilespmem:s12+$0xFFFFFFA0];
	[tilespmem:s24+$0xFFFFFF70] =	vst v9  }
0x77: {  	v26 =	vmul.f32 v6, v8;
	v20 =	vadd.f32 v20, v22;
	v4 =	vld [tilespmem:s12+$0xFFFFFFB0];
	v22 =	vmul.f32 $2.000000030e-01, v15;
	[tilespmem:s24+$0xFFFFFF80] =	vst v14  }
0x78: {  	v27 =	vmul.f32 v10, v21;
	v5 =	vld [tilespmem:s12+$0xFFFFFFC0];
	[tilespmem:s24+$0xFFFFFF90] =	vst v17;
	v17 =	vmul.f32 v7, v8;
	v9 =	vmov v23  }
0x79: {  	v10 =	vmul.f32 $2.000000030e-01, v20;
	v6 =	vld [tilespmem:s12+$0xFFFFFFD0];
	v14 =	vmax.f32 v15, v22;
	[tilespmem:s24+$0xFFFFFFA0] =	vst v18;
	v22 =	vmul.f32 v11, v21  }
0x7a: {  	v23 =	vmul.f32 v12, v21;
	v7 =	vld [tilespmem:s12+$0xFFFFFFE0];
	v11 =	vmul.f32 $1.442695020e+00, v14;
	[tilespmem:s24+$0xFFFFFFB0] =	vst v16  }
0x7b: {  	v18 =	vmul.f32 v13, v21;
	v10 =	vmax.f32 v20, v10;
	v16 =	vld [tilespmem:s12+$0x0];
	[tilespmem:s24+$0xFFFFFFC0] =	vst v19  }
0x7c: {  	v12 =	vmul.f32 $1.442695020e+00, v10;
	v14 =	vld [tilespmem:s12+$0x10];
	(erf) = vpow2.f32 v11;
	[tilespmem:s24+$0xFFFFFFD0] =	vst v26  }
0x7d: {  	v15 =	vld [tilespmem:s12+$0x20];
	[tilespmem:s24+$0xFFFFFFE0] =	vst v17  }
.Ltmp3:
0x7e: {  	v10 =	vld [tilespmem:s12+$0x30];
	(erf) = vpow2.f32 v12;
	[tilespmem:s24+$0x10] =	vst v24;
	(pc) =	sbr.rel @p1 .LBB2_7-.Ltmp3, $4  }
0x7f: {  	v11 =	vld [tilespmem:s12+$0x40];
	[tilespmem:s24+$0x20] =	vst v25  }
0x80: {  	v12 =	vld [tilespmem:s12+$0x50];
	[tilespmem:s24+$0x30] =	vst v27  }
0x81: {  	v17 =	vld [tilespmem:s12+$0x70];
	[tilespmem:s24+$0x40] =	vst v22  }
0x82: {  	s12 =	sadd.s32 $0x120, s12;
	v13 =	vld [tilespmem:s1+$0x60];
	[tilespmem:s24+$0x50] =	vst v23  }
0x83: {  	_ =	sdelay $0x1  }
0x84: {  	[tilespmem:s24+$0x60] =	vst v18;
	v18 =	vpop (erf)  }
0x85: {  	[tilespmem:s24+$0xFFFFFFF0] =	vst v8;
	v8 =	vmul.f32 v17, v18  }
0x86: {  	[tilespmem:s1+$0x80] =	vst v18;
	v16 =	vmul.f32 v18, v16  }
0x87: {  	v17 =	vpop (erf);
	[tilespmem:s1+$0x70] =	vst v8  }
0x88: {  	v9 =	vmul.f32 v17, v9;
	[tilespmem:s1+$0x0] =	vst v16  }
0x89: {  	v1 =	vmul.f32 v17, v1;
	[tilespmem:s1+$0xFFFFFFF0] =	vst v17  }
0x8a: {  	v2 =	vmul.f32 v2, v17;
	[tilespmem:s1+$0xFFFFFF70] =	vst v9  }
0x8b: {  	v3 =	vmul.f32 v3, v17;
	[tilespmem:s1+$0xFFFFFF80] =	vst v1  }
0x8c: {  	v1 =	vmul.f32 v4, v17;
	[tilespmem:s1+$0xFFFFFF90] =	vst v2  }
0x8d: {  	v2 =	vmul.f32 v5, v17;
	[tilespmem:s1+$0xFFFFFFA0] =	vst v3  }
0x8e: {  	v3 =	vmul.f32 v6, v17;
	[tilespmem:s1+$0xFFFFFFB0] =	vst v1  }
0x8f: {  	v1 =	vmul.f32 v7, v17;
	[tilespmem:s1+$0xFFFFFFC0] =	vst v2  }
0x90: {  	v2 =	vmul.f32 v18, v14;
	[tilespmem:s1+$0xFFFFFFD0] =	vst v3  }
0x91: {  	v3 =	vmul.f32 v15, v18;
	[tilespmem:s1+$0xFFFFFFE0] =	vst v1  }
0x92: {  	v1 =	vmul.f32 v10, v18;
	[tilespmem:s1+$0x10] =	vst v2  }
0x93: {  	v2 =	vmul.f32 v11, v18;
	[tilespmem:s1+$0x20] =	vst v3  }
0x94: {  	s0 =	smul.u32 $0x140, s29;
	v3 =	vmul.f32 v12, v18;
	[tilespmem:s1+$0x30] =	vst v1  }
0x95: {  	v1 =	vmul.f32 v13, v18;
	[tilespmem:s1+$0x40] =	vst v2  }
0x96: {  	s0 =	sshra.s32 s0, $0x2;
	[tilespmem:s1+$0x50] =	vst v3  }
0x97: {  	s0 =	sadd.s32 $0x6F90, s0;
	[tilespmem:s1+$0x60] =	vst v1  }
0x98: {  	[spmem:s2] =	stream.indirect.scatter.add.f32 [tilespmem:s16], [sflag:$0x3], $0x90, s0, s15, $0xb8;
	[tilespmem:$0x1F630] =	vst v63  }
0x99: {  	_ =	swait.ge [sflag:s21], $0x1680  }
0x9a: {  	[sflag:s21] =	ssyncset.done $0x0  }
0x9b: {  	[sflag:s21] =	ssyncadd.s32 $0xFFFFE980  }
0x9c: {  	_ =	swait.ge [sflag:s21], $0x280  }
0x9d: {  	[sflag:s21] =	ssyncset.done $0x0  }
0x9e: {  	[sflag:s21] =	ssyncadd.s32 $0xFFFFFD80  }
0x9f: {  	_ =	swait.ge [sflag:s22], $0x1680  }
0xa0: {  	[sflag:s22] =	ssyncset.done $0x0  }
0xa1: {  	s24 =	sadd.s32 $0x48D0, s31;
	[sflag:s22] =	ssyncadd.s32 $0xFFFFE980  }
0xa2: {  	[tilespmem:s16], [sflag:$0x1] =	stream.indirect.gather [hbm4b:s4+s15], $0x90, s24, s15, $0xb8;
	[tilespmem:$0x1F630] =	vst v63  }
0xa3: {  	s26 =	sadd.s32 $0x6FE0, s31;
	s24 =	simm.s32 $0x2D90  }
0xa4: {  	[tilespmem:s17], [sflag:$0x1] =	stream.indirect.gather [hbm4b:s5+s15], $0x10, s26, s15, $0xb8;
	[tilespmem:$0x1F630] =	vst v63  }
0xa5: {  	s31 =	simm.s32 $0x4610;
	v1 =	vld [tilespmem:s24+$0x80]  }
0xa6: {  	v2 =	vld [tilespmem:s31+$0x0]  }
0xa7: {  	v3 =	vld [tilespmem:s31+$0xFFFFFFF0]  }
0xa8: {  	v4 =	vld [tilespmem:s24+$0xFFFFFFF0];
	_ =	sdelay $0x1  }
0xa9: {  	v5 =	vld [tilespmem:s24+$0xFFFFFF70]  }
0xaa: {  	v6 =	vld [tilespmem:s24+$0xFFFFFF80]  }
0xab: {  	v7 =	vld [tilespmem:s24+$0xFFFFFF90];
	v1 =	vadd.f32 v2, v1  }
0xac: {  	v10 =	vld [tilespmem:s24+$0xFFFFFFA0];
	v2 =	vadd.f32 v3, v4  }
0xad: {  	v11 =	vld [tilespmem:s24+$0xFFFFFFB0];
	v3 =	vmul.f32 $2.000000030e-01, v1  }
0xae: {  	v12 =	vld [tilespmem:s24+$0xFFFFFFC0];
	v4 =	vmul.f32 $2.000000030e-01, v2  }
0xaf: {  	v13 =	vld [tilespmem:s24+$0xFFFFFFD0];
	v1 =	vmax.f32 v1, v3  }
0xb0: {  	v14 =	vld [tilespmem:s24+$0xFFFFFFE0];
	v2 =	vmax.f32 v2, v4;
	v1 =	vmul.f32 $1.442695020e+00, v1  }
0xb1: {  	v15 =	vld [tilespmem:s24+$0x10];
	v2 =	vmul.f32 $1.442695020e+00, v2  }
0xb2: {  	v17 =	vld [tilespmem:s24+$0x20];
	(erf) = vpow2.f32 v1  }
0xb3: {  	v18 =	vld [tilespmem:s24+$0x30];
	(erf) = vpow2.f32 v2  }
0xb4: {  	v19 =	vld [tilespmem:s24+$0x40]  }
0xb5: {  	v20 =	vld [tilespmem:s24+$0x50]  }
0xb6: {  	v3 =	vld [tilespmem:s24+$0x0]  }
0xb7: {  	v1 =	vld [tilespmem:s24+$0x70]  }
0xb8: {  	s1 =	simm.s32 $0x2EB0;
	v21 =	vld [tilespmem:s24+$0x60]  }
0xb9: {  	s26 =	simm.s32 $0x4630;
	v16 =	vld [tilespmem:s1+$0x80]  }
0xba: {  	v22 =	vld [tilespmem:s26+$0x0]  }
0xbb: {  	v23 =	vld [tilespmem:s26+$0xFFFFFFF0];
	v24 =	vpop (erf)  }
0xbc: {  	v25 =	vld [tilespmem:s1+$0xFFFFFFF0];
	v2 =	vmul.f32 v1, v24;
	v3 =	vmul.f32 v24, v3;
	v8 =	vpop (erf)  }
0xbd: {  	v9 =	vld [tilespmem:s1+$0xFFFFFF70];
	[tilespmem:s24+$0x80] =	vst v24;
	v4 =	vmul.f32 v8, v5;
	v5 =	vmul.f32 v8, v6  }
0xbe: {  	v1 =	vld [tilespmem:s1+$0xFFFFFF80];
	v6 =	vmul.f32 v7, v8;
	v7 =	vmul.f32 v10, v8;
	[tilespmem:s24+$0x70] =	vst v2  }
0xbf: {  	v10 =	vmul.f32 v11, v8;
	v11 =	vmul.f32 v12, v8;
	v12 =	vadd.f32 v22, v16;
	v16 =	vld [tilespmem:s1+$0x0];
	[tilespmem:s24+$0x0] =	vst v3  }
0xc0: {  	v2 =	vld [tilespmem:s1+$0xFFFFFF90];
	[tilespmem:s24+$0xFFFFFF70] =	vst v4  }
0xc1: {  	v62 =	vadd.f32 v23, v25;
	v13 =	vmul.f32 v13, v8;
	v3 =	vld [tilespmem:s1+$0xFFFFFFA0];
	[tilespmem:s24+$0xFFFFFF80] =	vst v5;
	v63 =	vmul.f32 $2.000000030e-01, v12  }
0xc2: {  	v4 =	vld [tilespmem:s1+$0xFFFFFFB0];
	[tilespmem:s24+$0xFFFFFF90] =	vst v6  }
0xc3: {  	v5 =	vld [tilespmem:s1+$0xFFFFFFC0];
	[tilespmem:s24+$0xFFFFFFD0] =	vst v13;
	v13 =	vmul.f32 v17, v24;
	v17 =	vmul.f32 $2.000000030e-01, v62;
	v12 =	vmax.f32 v12, v63  }
0xc4: {  	v6 =	vld [tilespmem:s1+$0xFFFFFFD0];
	[tilespmem:s24+$0xFFFFFFA0] =	vst v7;
	v23 =	vmul.f32 $1.442695020e+00, v12  }
0xc5: {  	v7 =	vld [tilespmem:s1+$0xFFFFFFE0];
	[tilespmem:s24+$0xFFFFFFB0] =	vst v10;
	v10 =	vmul.f32 v14, v8;
	v12 =	vmax.f32 v62, v17  }
0xc6: {  	v14 =	vld [tilespmem:s1+$0x10];
	[tilespmem:s24+$0x20] =	vst v13;
	v13 =	vmul.f32 $1.442695020e+00, v12;
	(erf) = vpow2.f32 v23  }
0xc7: {  	[tilespmem:s24+$0xFFFFFFC0] =	vst v11;
	v11 =	vmul.f32 v24, v15;
	v15 =	vld [tilespmem:s1+$0x20]  }
0xc8: {  	v18 =	vmul.f32 v18, v24;
	[tilespmem:s24+$0xFFFFFFE0] =	vst v10;
	v10 =	vld [tilespmem:s1+$0x30];
	(erf) = vpow2.f32 v13  }
0xc9: {  	v19 =	vmul.f32 v19, v24;
	[tilespmem:s24+$0x10] =	vst v11;
	v11 =	vld [tilespmem:s1+$0x40]  }
0xca: {  	v20 =	vmul.f32 v20, v24;
	[tilespmem:s24+$0x30] =	vst v18;
	v17 =	vld [tilespmem:s1+$0x70]  }
0xcb: {  	[tilespmem:s24+$0x40] =	vst v19;
	v18 =	vmul.f32 v21, v24;
	v12 =	vld [tilespmem:s1+$0x50]  }
0xcc: {  	s12 =	simm.s32 $0x2FD0;
	s0 =	simm.s32 $0x2;
	[tilespmem:s24+$0x50] =	vst v20;
	v13 =	vld [tilespmem:s1+$0x60]  }
.LBB2_9:
0xcd: {  	v19 =	vld [tilespmem:s12+$0x80];
	s26 =	sadd.s32 $0x20, s26;
	[tilespmem:s24+$0x60] =	vst v18  }
0xce: {  	s0 =	sadd.s32 $0x2, s0;
	v18 =	vld [tilespmem:s26+$0x0];
	[tilespmem:s24+$0xFFFFFFF0] =	vst v8;
	s24 =	smov.u32 s1;
	s1 =	smov.u32 s12  }
0xcf: {  	p1 =	slt.u32 s0, $0x26;
	v20 =	vld [tilespmem:s26+$0xFFFFFFF0];
	v21 =	vpop (erf)  }
0xd0: {  	v22 =	vld [tilespmem:s12+$0xFFFFFFF0];
	[tilespmem:s24+$0x80] =	vst v21;
	v16 =	vmul.f32 v21, v16;
	v17 =	vmul.f32 v17, v21  }
0xd1: {  	v24 =	vmul.f32 v21, v14;
	v25 =	vmul.f32 v15, v21;
	v23 =	vld [tilespmem:s12+$0xFFFFFF70];
	v8 =	vpop (erf)  }
0xd2: {  	v9 =	vmul.f32 v8, v9;
	v14 =	vmul.f32 v8, v1;
	v1 =	vld [tilespmem:s12+$0xFFFFFF80];
	[tilespmem:s24+$0x70] =	vst v17  }
0xd3: {  	v17 =	vmul.f32 v2, v8;
	v15 =	vadd.f32 v18, v19;
	v2 =	vld [tilespmem:s12+$0xFFFFFF90];
	v18 =	vmul.f32 v3, v8;
	[tilespmem:s24+$0x0] =	vst v16  }
0xd4: {  	v16 =	vmul.f32 v4, v8;
	v19 =	vmul.f32 v5, v8;
	v3 =	vld [tilespmem:s12+$0xFFFFFFA0];
	[tilespmem:s24+$0xFFFFFF70] =	vst v9  }
0xd5: {  	v26 =	vmul.f32 v6, v8;
	v20 =	vadd.f32 v20, v22;
	v4 =	vld [tilespmem:s12+$0xFFFFFFB0];
	v22 =	vmul.f32 $2.000000030e-01, v15;
	[tilespmem:s24+$0xFFFFFF80] =	vst v14  }
0xd6: {  	v27 =	vmul.f32 v10, v21;
	v5 =	vld [tilespmem:s12+$0xFFFFFFC0];
	[tilespmem:s24+$0xFFFFFF90] =	vst v17;
	v17 =	vmul.f32 v7, v8;
	v9 =	vmov v23  }
0xd7: {  	v10 =	vmul.f32 $2.000000030e-01, v20;
	v6 =	vld [tilespmem:s12+$0xFFFFFFD0];
	v14 =	vmax.f32 v15, v22;
	[tilespmem:s24+$0xFFFFFFA0] =	vst v18;
	v22 =	vmul.f32 v11, v21  }
0xd8: {  	v23 =	vmul.f32 v12, v21;
	v7 =	vld [tilespmem:s12+$0xFFFFFFE0];
	v11 =	vmul.f32 $1.442695020e+00, v14;
	[tilespmem:s24+$0xFFFFFFB0] =	vst v16  }
0xd9: {  	v18 =	vmul.f32 v13, v21;
	v10 =	vmax.f32 v20, v10;
	v16 =	vld [tilespmem:s12+$0x0];
	[tilespmem:s24+$0xFFFFFFC0] =	vst v19  }
0xda: {  	v12 =	vmul.f32 $1.442695020e+00, v10;
	v14 =	vld [tilespmem:s12+$0x10];
	(erf) = vpow2.f32 v11;
	[tilespmem:s24+$0xFFFFFFD0] =	vst v26  }
0xdb: {  	v15 =	vld [tilespmem:s12+$0x20];
	[tilespmem:s24+$0xFFFFFFE0] =	vst v17  }
.Ltmp4:
0xdc: {  	v10 =	vld [tilespmem:s12+$0x30];
	(erf) = vpow2.f32 v12;
	[tilespmem:s24+$0x10] =	vst v24;
	(pc) =	sbr.rel @p1 .LBB2_9-.Ltmp4, $4  }
0xdd: {  	v11 =	vld [tilespmem:s12+$0x40];
	[tilespmem:s24+$0x20] =	vst v25  }
0xde: {  	v12 =	vld [tilespmem:s12+$0x50];
	[tilespmem:s24+$0x30] =	vst v27  }
0xdf: {  	v17 =	vld [tilespmem:s12+$0x70];
	[tilespmem:s24+$0x40] =	vst v22  }
0xe0: {  	s12 =	sadd.s32 $0x120, s12;
	v13 =	vld [tilespmem:s1+$0x60];
	[tilespmem:s24+$0x50] =	vst v23  }
0xe1: {  	_ =	sdelay $0x1  }
0xe2: {  	[tilespmem:s24+$0x60] =	vst v18;
	v61 =	vpop (erf)  }
0xe3: {  	[tilespmem:s24+$0xFFFFFFF0] =	vst v8;
	v62 =	vmul.f32 v17, v61  }
0xe4: {  	[tilespmem:s1+$0x80] =	vst v61;
	v16 =	vmul.f32 v61, v16  }
0xe5: {  	v63 =	vpop (erf);
	[tilespmem:s1+$0x70] =	vst v62  }
0xe6: {  	v9 =	vmul.f32 v63, v9;
	[tilespmem:s1+$0x0] =	vst v16  }
0xe7: {  	v1 =	vmul.f32 v63, v1;
	[tilespmem:s1+$0xFFFFFFF0] =	vst v63  }
0xe8: {  	v2 =	vmul.f32 v2, v63;
	[tilespmem:s1+$0xFFFFFF70] =	vst v9  }
0xe9: {  	v3 =	vmul.f32 v3, v63;
	[tilespmem:s1+$0xFFFFFF80] =	vst v1  }
0xea: {  	v1 =	vmul.f32 v4, v63;
	[tilespmem:s1+$0xFFFFFF90] =	vst v2  }
0xeb: {  	v2 =	vmul.f32 v5, v63;
	[tilespmem:s1+$0xFFFFFFA0] =	vst v3  }
0xec: {  	v3 =	vmul.f32 v6, v63;
	[tilespmem:s1+$0xFFFFFFB0] =	vst v1  }
0xed: {  	v1 =	vmul.f32 v7, v63;
	[tilespmem:s1+$0xFFFFFFC0] =	vst v2  }
0xee: {  	v2 =	vmul.f32 v61, v14;
	[tilespmem:s1+$0xFFFFFFD0] =	vst v3  }
0xef: {  	v3 =	vmul.f32 v15, v61;
	[tilespmem:s1+$0xFFFFFFE0] =	vst v1  }
0xf0: {  	s29 =	sadd.s32 $0x1, s29;
	v1 =	vmul.f32 v10, v61;
	[tilespmem:s1+$0x10] =	vst v2  }
0xf1: {  	p1 =	sne.s32 s29, $0x7C;
	v2 =	vmul.f32 v11, v61;
	[tilespmem:s1+$0x20] =	vst v3  }
.Ltmp5:
0xf2: {  	v3 =	vmul.f32 v12, v61;
	[tilespmem:s1+$0x30] =	vst v1;
	(pc) =	sbr.rel @p1 .LBB2_6-.Ltmp5, $4  }
0xf3: {  	v1 =	vmul.f32 v13, v61;
	[tilespmem:s1+$0x40] =	vst v2  }
0xf4: {  	[tilespmem:s1+$0x50] =	vst v3  }
0xf5: {  	[tilespmem:s1+$0x60] =	vst v1  }
0xf6: {  	[spmem:s2] =	stream.indirect.scatter.add.f32 [tilespmem:s19], [sflag:$0x4], $0x90, s30, s15, $0xb8;
	[tilespmem:$0x1F630] =	vst v63  }
0xf7: {  	_ =	swait.ge [sflag:s18], $0x1680  }
0xf8: {  	[sflag:s18] =	ssyncset.done $0x0  }
0xf9: {  	[sflag:s18] =	ssyncadd.s32 $0xFFFFE980  }
0xfa: {  	_ =	swait.ge [sflag:s18], $0x280  }
0xfb: {  	[sflag:s18] =	ssyncset.done $0x0  }
0xfc: {  	[sflag:s18] =	ssyncadd.s32 $0xFFFFFD80  }
0xfd: {  	_ =	swait.ge [sflag:s23], $0x1680  }
0xfe: {  	[sflag:s23] =	ssyncset.done $0x0  }
0xff: {  	s0 =	simm.s32 $0x6F68;
	[sflag:s23] =	ssyncadd.s32 $0xFFFFE980  }
0x100: {  	[tilespmem:s19], [sflag:$0x2] =	stream.indirect.gather [hbm4b:s4+s15], $0x90, s0, s15, $0xb8;
	[tilespmem:$0x1F630] =	vst v63  }
0x101: {  	s24 =	simm.s32 $0x1710  }
0x102: {  	[tilespmem:s20], [sflag:$0x2] =	stream.indirect.gather [hbm4b:s5+s15], $0x10, s25, s15, $0xb8;
	[tilespmem:$0x1F630] =	vst v63  }
0x103: {  	s31 =	simm.s32 $0x4390;
	v1 =	vld [tilespmem:s24+$0x80]  }
0x104: {  	v2 =	vld [tilespmem:s31+$0x0]  }
0x105: {  	v3 =	vld [tilespmem:s31+$0xFFFFFFF0]  }
0x106: {  	v4 =	vld [tilespmem:s24+$0xFFFFFFF0];
	_ =	sdelay $0x1  }
0x107: {  	v5 =	vld [tilespmem:s24+$0xFFFFFF70]  }
0x108: {  	v6 =	vld [tilespmem:s24+$0xFFFFFF80]  }
0x109: {  	v7 =	vld [tilespmem:s24+$0xFFFFFF90];
	v1 =	vadd.f32 v2, v1  }
0x10a: {  	v10 =	vld [tilespmem:s24+$0xFFFFFFA0];
	v2 =	vadd.f32 v3, v4  }
0x10b: {  	v11 =	vld [tilespmem:s24+$0xFFFFFFB0];
	v3 =	vmul.f32 $2.000000030e-01, v1  }
0x10c: {  	v12 =	vld [tilespmem:s24+$0xFFFFFFC0];
	v4 =	vmul.f32 $2.000000030e-01, v2  }
0x10d: {  	v13 =	vld [tilespmem:s24+$0xFFFFFFD0];
	v1 =	vmax.f32 v1, v3  }
0x10e: {  	v14 =	vld [tilespmem:s24+$0xFFFFFFE0];
	v2 =	vmax.f32 v2, v4;
	v1 =	vmul.f32 $1.442695020e+00, v1  }
0x10f: {  	v15 =	vld [tilespmem:s24+$0x10];
	v2 =	vmul.f32 $1.442695020e+00, v2  }
0x110: {  	v17 =	vld [tilespmem:s24+$0x20];
	(erf) = vpow2.f32 v1  }
0x111: {  	v18 =	vld [tilespmem:s24+$0x30];
	(erf) = vpow2.f32 v2  }
0x112: {  	v19 =	vld [tilespmem:s24+$0x40]  }
0x113: {  	v20 =	vld [tilespmem:s24+$0x50]  }
0x114: {  	v3 =	vld [tilespmem:s24+$0x0]  }
0x115: {  	v1 =	vld [tilespmem:s24+$0x70]  }
0x116: {  	s1 =	simm.s32 $0x1830;
	v21 =	vld [tilespmem:s24+$0x60]  }
0x117: {  	s26 =	simm.s32 $0x43B0;
	v16 =	vld [tilespmem:s1+$0x80]  }
0x118: {  	v22 =	vld [tilespmem:s26+$0x0]  }
0x119: {  	v23 =	vld [tilespmem:s26+$0xFFFFFFF0];
	v24 =	vpop (erf)  }
0x11a: {  	v25 =	vld [tilespmem:s1+$0xFFFFFFF0];
	v2 =	vmul.f32 v1, v24;
	v3 =	vmul.f32 v24, v3;
	v8 =	vpop (erf)  }
0x11b: {  	v9 =	vld [tilespmem:s1+$0xFFFFFF70];
	[tilespmem:s24+$0x80] =	vst v24;
	v4 =	vmul.f32 v8, v5;
	v5 =	vmul.f32 v8, v6  }
0x11c: {  	v1 =	vld [tilespmem:s1+$0xFFFFFF80];
	v6 =	vmul.f32 v7, v8;
	v7 =	vmul.f32 v10, v8;
	[tilespmem:s24+$0x70] =	vst v2  }
0x11d: {  	v10 =	vmul.f32 v11, v8;
	v11 =	vmul.f32 v12, v8;
	v12 =	vadd.f32 v22, v16;
	v16 =	vld [tilespmem:s1+$0x0];
	[tilespmem:s24+$0x0] =	vst v3  }
0x11e: {  	v2 =	vld [tilespmem:s1+$0xFFFFFF90];
	[tilespmem:s24+$0xFFFFFF70] =	vst v4  }
0x11f: {  	v62 =	vadd.f32 v23, v25;
	v13 =	vmul.f32 v13, v8;
	v3 =	vld [tilespmem:s1+$0xFFFFFFA0];
	[tilespmem:s24+$0xFFFFFF80] =	vst v5;
	v63 =	vmul.f32 $2.000000030e-01, v12  }
0x120: {  	v4 =	vld [tilespmem:s1+$0xFFFFFFB0];
	[tilespmem:s24+$0xFFFFFF90] =	vst v6  }
0x121: {  	v5 =	vld [tilespmem:s1+$0xFFFFFFC0];
	[tilespmem:s24+$0xFFFFFFD0] =	vst v13;
	v13 =	vmul.f32 v17, v24;
	v17 =	vmul.f32 $2.000000030e-01, v62;
	v12 =	vmax.f32 v12, v63  }
0x122: {  	v6 =	vld [tilespmem:s1+$0xFFFFFFD0];
	[tilespmem:s24+$0xFFFFFFA0] =	vst v7;
	v23 =	vmul.f32 $1.442695020e+00, v12  }
0x123: {  	v7 =	vld [tilespmem:s1+$0xFFFFFFE0];
	[tilespmem:s24+$0xFFFFFFB0] =	vst v10;
	v10 =	vmul.f32 v14, v8;
	v12 =	vmax.f32 v62, v17  }
0x124: {  	v14 =	vld [tilespmem:s1+$0x10];
	[tilespmem:s24+$0x20] =	vst v13;
	v13 =	vmul.f32 $1.442695020e+00, v12;
	(erf) = vpow2.f32 v23  }
0x125: {  	[tilespmem:s24+$0xFFFFFFC0] =	vst v11;
	v11 =	vmul.f32 v24, v15;
	v15 =	vld [tilespmem:s1+$0x20]  }
0x126: {  	v18 =	vmul.f32 v18, v24;
	[tilespmem:s24+$0xFFFFFFE0] =	vst v10;
	v10 =	vld [tilespmem:s1+$0x30];
	(erf) = vpow2.f32 v13  }
0x127: {  	v19 =	vmul.f32 v19, v24;
	[tilespmem:s24+$0x10] =	vst v11;
	v11 =	vld [tilespmem:s1+$0x40]  }
0x128: {  	v20 =	vmul.f32 v20, v24;
	[tilespmem:s24+$0x30] =	vst v18;
	v17 =	vld [tilespmem:s1+$0x70]  }
0x129: {  	[tilespmem:s24+$0x40] =	vst v19;
	v18 =	vmul.f32 v21, v24;
	v12 =	vld [tilespmem:s1+$0x50]  }
0x12a: {  	s12 =	simm.s32 $0x1950;
	s0 =	simm.s32 $0x2;
	[tilespmem:s24+$0x50] =	vst v20;
	v13 =	vld [tilespmem:s1+$0x60]  }
.LBB2_12:
0x12b: {  	v19 =	vld [tilespmem:s12+$0x80];
	s26 =	sadd.s32 $0x20, s26;
	[tilespmem:s24+$0x60] =	vst v18  }
0x12c: {  	s0 =	sadd.s32 $0x2, s0;
	v18 =	vld [tilespmem:s26+$0x0];
	[tilespmem:s24+$0xFFFFFFF0] =	vst v8;
	s24 =	smov.u32 s1;
	s1 =	smov.u32 s12  }
0x12d: {  	p1 =	slt.u32 s0, $0x26;
	v20 =	vld [tilespmem:s26+$0xFFFFFFF0];
	v21 =	vpop (erf)  }
0x12e: {  	v22 =	vld [tilespmem:s12+$0xFFFFFFF0];
	[tilespmem:s24+$0x80] =	vst v21;
	v16 =	vmul.f32 v21, v16;
	v17 =	vmul.f32 v17, v21  }
0x12f: {  	v24 =	vmul.f32 v21, v14;
	v25 =	vmul.f32 v15, v21;
	v23 =	vld [tilespmem:s12+$0xFFFFFF70];
	v8 =	vpop (erf)  }
0x130: {  	v9 =	vmul.f32 v8, v9;
	v14 =	vmul.f32 v8, v1;
	v1 =	vld [tilespmem:s12+$0xFFFFFF80];
	[tilespmem:s24+$0x70] =	vst v17  }
0x131: {  	v17 =	vmul.f32 v2, v8;
	v15 =	vadd.f32 v18, v19;
	v2 =	vld [tilespmem:s12+$0xFFFFFF90];
	v18 =	vmul.f32 v3, v8;
	[tilespmem:s24+$0x0] =	vst v16  }
0x132: {  	v16 =	vmul.f32 v4, v8;
	v19 =	vmul.f32 v5, v8;
	v3 =	vld [tilespmem:s12+$0xFFFFFFA0];
	[tilespmem:s24+$0xFFFFFF70] =	vst v9  }
0x133: {  	v26 =	vmul.f32 v6, v8;
	v20 =	vadd.f32 v20, v22;
	v4 =	vld [tilespmem:s12+$0xFFFFFFB0];
	v22 =	vmul.f32 $2.000000030e-01, v15;
	[tilespmem:s24+$0xFFFFFF80] =	vst v14  }
0x134: {  	v27 =	vmul.f32 v10, v21;
	v5 =	vld [tilespmem:s12+$0xFFFFFFC0];
	[tilespmem:s24+$0xFFFFFF90] =	vst v17;
	v17 =	vmul.f32 v7, v8;
	v9 =	vmov v23  }
0x135: {  	v10 =	vmul.f32 $2.000000030e-01, v20;
	v6 =	vld [tilespmem:s12+$0xFFFFFFD0];
	v14 =	vmax.f32 v15, v22;
	[tilespmem:s24+$0xFFFFFFA0] =	vst v18;
	v22 =	vmul.f32 v11, v21  }
0x136: {  	v23 =	vmul.f32 v12, v21;
	v7 =	vld [tilespmem:s12+$0xFFFFFFE0];
	v11 =	vmul.f32 $1.442695020e+00, v14;
	[tilespmem:s24+$0xFFFFFFB0] =	vst v16  }
0x137: {  	v18 =	vmul.f32 v13, v21;
	v10 =	vmax.f32 v20, v10;
	v16 =	vld [tilespmem:s12+$0x0];
	[tilespmem:s24+$0xFFFFFFC0] =	vst v19  }
0x138: {  	v12 =	vmul.f32 $1.442695020e+00, v10;
	v14 =	vld [tilespmem:s12+$0x10];
	(erf) = vpow2.f32 v11;
	[tilespmem:s24+$0xFFFFFFD0] =	vst v26  }
0x139: {  	v15 =	vld [tilespmem:s12+$0x20];
	[tilespmem:s24+$0xFFFFFFE0] =	vst v17  }
.Ltmp6:
0x13a: {  	v10 =	vld [tilespmem:s12+$0x30];
	(erf) = vpow2.f32 v12;
	[tilespmem:s24+$0x10] =	vst v24;
	(pc) =	sbr.rel @p1 .LBB2_12-.Ltmp6, $4  }
0x13b: {  	v11 =	vld [tilespmem:s12+$0x40];
	[tilespmem:s24+$0x20] =	vst v25  }
0x13c: {  	v12 =	vld [tilespmem:s12+$0x50];
	[tilespmem:s24+$0x30] =	vst v27  }
0x13d: {  	v17 =	vld [tilespmem:s12+$0x70];
	[tilespmem:s24+$0x40] =	vst v22  }
0x13e: {  	s12 =	sadd.s32 $0x120, s12;
	v13 =	vld [tilespmem:s1+$0x60];
	[tilespmem:s24+$0x50] =	vst v23  }
0x13f: {  	_ =	sdelay $0x1  }
0x140: {  	[tilespmem:s24+$0x60] =	vst v18;
	v18 =	vpop (erf)  }
0x141: {  	[tilespmem:s24+$0xFFFFFFF0] =	vst v8;
	v8 =	vmul.f32 v17, v18  }
0x142: {  	[tilespmem:s1+$0x80] =	vst v18;
	v16 =	vmul.f32 v18, v16  }
0x143: {  	v17 =	vpop (erf);
	[tilespmem:s1+$0x70] =	vst v8  }
0x144: {  	v9 =	vmul.f32 v17, v9;
	[tilespmem:s1+$0x0] =	vst v16  }
0x145: {  	v1 =	vmul.f32 v17, v1;
	[tilespmem:s1+$0xFFFFFFF0] =	vst v17  }
0x146: {  	v2 =	vmul.f32 v2, v17;
	[tilespmem:s1+$0xFFFFFF70] =	vst v9  }
0x147: {  	v3 =	vmul.f32 v3, v17;
	[tilespmem:s1+$0xFFFFFF80] =	vst v1  }
0x148: {  	v1 =	vmul.f32 v4, v17;
	[tilespmem:s1+$0xFFFFFF90] =	vst v2  }
0x149: {  	v2 =	vmul.f32 v5, v17;
	[tilespmem:s1+$0xFFFFFFA0] =	vst v3  }
0x14a: {  	v3 =	vmul.f32 v6, v17;
	[tilespmem:s1+$0xFFFFFFB0] =	vst v1  }
0x14b: {  	v1 =	vmul.f32 v7, v17;
	[tilespmem:s1+$0xFFFFFFC0] =	vst v2  }
0x14c: {  	v2 =	vmul.f32 v18, v14;
	[tilespmem:s1+$0xFFFFFFD0] =	vst v3  }
0x14d: {  	v3 =	vmul.f32 v15, v18;
	[tilespmem:s1+$0xFFFFFFE0] =	vst v1  }
0x14e: {  	v1 =	vmul.f32 v10, v18;
	[tilespmem:s1+$0x10] =	vst v2  }
0x14f: {  	v2 =	vmul.f32 v11, v18;
	[tilespmem:s1+$0x20] =	vst v3  }
0x150: {  	v3 =	vmul.f32 v12, v18;
	[tilespmem:s1+$0x30] =	vst v1  }
0x151: {  	v1 =	vmul.f32 v13, v18;
	[tilespmem:s1+$0x40] =	vst v2  }
0x152: {  	[tilespmem:s1+$0x50] =	vst v3  }
0x153: {  	s0 =	simm.s32 $0x9650;
	[tilespmem:s1+$0x60] =	vst v1  }
0x154: {  	[spmem:s2] =	stream.indirect.scatter.add.f32 [tilespmem:s16], [sflag:$0x3], $0x90, s0, s15, $0xb8;
	[tilespmem:$0x1F630] =	vst v63  }
0x155: {  	_ =	swait.ge [sflag:s21], $0x1680  }
0x156: {  	[sflag:s21] =	ssyncset.done $0x0  }
0x157: {  	[sflag:s21] =	ssyncadd.s32 $0xFFFFE980  }
0x158: {  	_ =	swait.ge [sflag:s21], $0x280  }
0x159: {  	[sflag:s21] =	ssyncset.done $0x0  }
0x15a: {  	[sflag:s21] =	ssyncadd.s32 $0xFFFFFD80  }
0x15b: {  	_ =	swait.ge [sflag:s22], $0x1680  }
0x15c: {  	[sflag:s22] =	ssyncset.done $0x0  }
0x15d: {  	s24 =	simm.s32 $0x2D90;
	[sflag:s22] =	ssyncadd.s32 $0xFFFFE980  }
0x15e: {  	s31 =	simm.s32 $0x4610;
	v1 =	vld [tilespmem:s24+$0x80]  }
0x15f: {  	v2 =	vld [tilespmem:s31+$0x0]  }
0x160: {  	v3 =	vld [tilespmem:s31+$0xFFFFFFF0]  }
0x161: {  	v4 =	vld [tilespmem:s24+$0xFFFFFFF0];
	_ =	sdelay $0x1  }
0x162: {  	v5 =	vld [tilespmem:s24+$0xFFFFFF70]  }
0x163: {  	v6 =	vld [tilespmem:s24+$0xFFFFFF80]  }
0x164: {  	v7 =	vld [tilespmem:s24+$0xFFFFFF90];
	v1 =	vadd.f32 v2, v1  }
0x165: {  	v10 =	vld [tilespmem:s24+$0xFFFFFFA0];
	v2 =	vadd.f32 v3, v4  }
0x166: {  	v11 =	vld [tilespmem:s24+$0xFFFFFFB0];
	v3 =	vmul.f32 $2.000000030e-01, v1  }
0x167: {  	v12 =	vld [tilespmem:s24+$0xFFFFFFC0];
	v4 =	vmul.f32 $2.000000030e-01, v2  }
0x168: {  	v13 =	vld [tilespmem:s24+$0xFFFFFFD0];
	v1 =	vmax.f32 v1, v3  }
0x169: {  	v14 =	vld [tilespmem:s24+$0xFFFFFFE0];
	v2 =	vmax.f32 v2, v4;
	v1 =	vmul.f32 $1.442695020e+00, v1  }
0x16a: {  	v15 =	vld [tilespmem:s24+$0x10];
	v2 =	vmul.f32 $1.442695020e+00, v2  }
0x16b: {  	v17 =	vld [tilespmem:s24+$0x20];
	(erf) = vpow2.f32 v1  }
0x16c: {  	v18 =	vld [tilespmem:s24+$0x30];
	(erf) = vpow2.f32 v2  }
0x16d: {  	v19 =	vld [tilespmem:s24+$0x40]  }
0x16e: {  	v20 =	vld [tilespmem:s24+$0x50]  }
0x16f: {  	v3 =	vld [tilespmem:s24+$0x0]  }
0x170: {  	v1 =	vld [tilespmem:s24+$0x70]  }
0x171: {  	s1 =	simm.s32 $0x2EB0;
	v21 =	vld [tilespmem:s24+$0x60]  }
0x172: {  	s26 =	simm.s32 $0x4630;
	v16 =	vld [tilespmem:s1+$0x80]  }
0x173: {  	v22 =	vld [tilespmem:s26+$0x0]  }
0x174: {  	v23 =	vld [tilespmem:s26+$0xFFFFFFF0];
	v24 =	vpop (erf)  }
0x175: {  	v25 =	vld [tilespmem:s1+$0xFFFFFFF0];
	v2 =	vmul.f32 v1, v24;
	v3 =	vmul.f32 v24, v3;
	v8 =	vpop (erf)  }
0x176: {  	v9 =	vld [tilespmem:s1+$0xFFFFFF70];
	[tilespmem:s24+$0x80] =	vst v24;
	v4 =	vmul.f32 v8, v5;
	v5 =	vmul.f32 v8, v6  }
0x177: {  	v1 =	vld [tilespmem:s1+$0xFFFFFF80];
	v6 =	vmul.f32 v7, v8;
	v7 =	vmul.f32 v10, v8;
	[tilespmem:s24+$0x70] =	vst v2  }
0x178: {  	v10 =	vmul.f32 v11, v8;
	v11 =	vmul.f32 v12, v8;
	v12 =	vadd.f32 v22, v16;
	v16 =	vld [tilespmem:s1+$0x0];
	[tilespmem:s24+$0x0] =	vst v3  }
0x179: {  	v2 =	vld [tilespmem:s1+$0xFFFFFF90];
	[tilespmem:s24+$0xFFFFFF70] =	vst v4  }
0x17a: {  	v62 =	vadd.f32 v23, v25;
	v13 =	vmul.f32 v13, v8;
	v3 =	vld [tilespmem:s1+$0xFFFFFFA0];
	[tilespmem:s24+$0xFFFFFF80] =	vst v5;
	v63 =	vmul.f32 $2.000000030e-01, v12  }
0x17b: {  	v4 =	vld [tilespmem:s1+$0xFFFFFFB0];
	[tilespmem:s24+$0xFFFFFF90] =	vst v6  }
0x17c: {  	v5 =	vld [tilespmem:s1+$0xFFFFFFC0];
	[tilespmem:s24+$0xFFFFFFD0] =	vst v13;
	v13 =	vmul.f32 v17, v24;
	v17 =	vmul.f32 $2.000000030e-01, v62;
	v12 =	vmax.f32 v12, v63  }
0x17d: {  	v6 =	vld [tilespmem:s1+$0xFFFFFFD0];
	[tilespmem:s24+$0xFFFFFFA0] =	vst v7;
	v23 =	vmul.f32 $1.442695020e+00, v12  }
0x17e: {  	v7 =	vld [tilespmem:s1+$0xFFFFFFE0];
	[tilespmem:s24+$0xFFFFFFB0] =	vst v10;
	v10 =	vmul.f32 v14, v8;
	v12 =	vmax.f32 v62, v17  }
0x17f: {  	v14 =	vld [tilespmem:s1+$0x10];
	[tilespmem:s24+$0x20] =	vst v13;
	v13 =	vmul.f32 $1.442695020e+00, v12;
	(erf) = vpow2.f32 v23  }
0x180: {  	[tilespmem:s24+$0xFFFFFFC0] =	vst v11;
	v11 =	vmul.f32 v24, v15;
	v15 =	vld [tilespmem:s1+$0x20]  }
0x181: {  	v18 =	vmul.f32 v18, v24;
	[tilespmem:s24+$0xFFFFFFE0] =	vst v10;
	v10 =	vld [tilespmem:s1+$0x30];
	(erf) = vpow2.f32 v13  }
0x182: {  	v19 =	vmul.f32 v19, v24;
	[tilespmem:s24+$0x10] =	vst v11;
	v11 =	vld [tilespmem:s1+$0x40]  }
0x183: {  	v20 =	vmul.f32 v20, v24;
	[tilespmem:s24+$0x30] =	vst v18;
	v17 =	vld [tilespmem:s1+$0x70]  }
0x184: {  	[tilespmem:s24+$0x40] =	vst v19;
	v18 =	vmul.f32 v21, v24;
	v12 =	vld [tilespmem:s1+$0x50]  }
0x185: {  	s12 =	simm.s32 $0x2FD0;
	s0 =	simm.s32 $0x2;
	[tilespmem:s24+$0x50] =	vst v20;
	v13 =	vld [tilespmem:s1+$0x60]  }
.LBB2_14:
0x186: {  	v19 =	vld [tilespmem:s12+$0x80];
	s26 =	sadd.s32 $0x20, s26;
	[tilespmem:s24+$0x60] =	vst v18  }
0x187: {  	s0 =	sadd.s32 $0x2, s0;
	v18 =	vld [tilespmem:s26+$0x0];
	[tilespmem:s24+$0xFFFFFFF0] =	vst v8;
	s24 =	smov.u32 s1;
	s1 =	smov.u32 s12  }
0x188: {  	p1 =	slt.u32 s0, $0x26;
	v20 =	vld [tilespmem:s26+$0xFFFFFFF0];
	v21 =	vpop (erf)  }
0x189: {  	v22 =	vld [tilespmem:s12+$0xFFFFFFF0];
	[tilespmem:s24+$0x80] =	vst v21;
	v16 =	vmul.f32 v21, v16;
	v17 =	vmul.f32 v17, v21  }
0x18a: {  	v24 =	vmul.f32 v21, v14;
	v25 =	vmul.f32 v15, v21;
	v23 =	vld [tilespmem:s12+$0xFFFFFF70];
	v8 =	vpop (erf)  }
0x18b: {  	v9 =	vmul.f32 v8, v9;
	v14 =	vmul.f32 v8, v1;
	v1 =	vld [tilespmem:s12+$0xFFFFFF80];
	[tilespmem:s24+$0x70] =	vst v17  }
0x18c: {  	v17 =	vmul.f32 v2, v8;
	v15 =	vadd.f32 v18, v19;
	v2 =	vld [tilespmem:s12+$0xFFFFFF90];
	v18 =	vmul.f32 v3, v8;
	[tilespmem:s24+$0x0] =	vst v16  }
0x18d: {  	v16 =	vmul.f32 v4, v8;
	v19 =	vmul.f32 v5, v8;
	v3 =	vld [tilespmem:s12+$0xFFFFFFA0];
	[tilespmem:s24+$0xFFFFFF70] =	vst v9  }
0x18e: {  	v26 =	vmul.f32 v6, v8;
	v20 =	vadd.f32 v20, v22;
	v4 =	vld [tilespmem:s12+$0xFFFFFFB0];
	v22 =	vmul.f32 $2.000000030e-01, v15;
	[tilespmem:s24+$0xFFFFFF80] =	vst v14  }
0x18f: {  	v27 =	vmul.f32 v10, v21;
	v5 =	vld [tilespmem:s12+$0xFFFFFFC0];
	[tilespmem:s24+$0xFFFFFF90] =	vst v17;
	v17 =	vmul.f32 v7, v8;
	v9 =	vmov v23  }
0x190: {  	v10 =	vmul.f32 $2.000000030e-01, v20;
	v6 =	vld [tilespmem:s12+$0xFFFFFFD0];
	v14 =	vmax.f32 v15, v22;
	[tilespmem:s24+$0xFFFFFFA0] =	vst v18;
	v22 =	vmul.f32 v11, v21  }
0x191: {  	v23 =	vmul.f32 v12, v21;
	v7 =	vld [tilespmem:s12+$0xFFFFFFE0];
	v11 =	vmul.f32 $1.442695020e+00, v14;
	[tilespmem:s24+$0xFFFFFFB0] =	vst v16  }
0x192: {  	v18 =	vmul.f32 v13, v21;
	v10 =	vmax.f32 v20, v10;
	v16 =	vld [tilespmem:s12+$0x0];
	[tilespmem:s24+$0xFFFFFFC0] =	vst v19  }
0x193: {  	v12 =	vmul.f32 $1.442695020e+00, v10;
	v14 =	vld [tilespmem:s12+$0x10];
	(erf) = vpow2.f32 v11;
	[tilespmem:s24+$0xFFFFFFD0] =	vst v26  }
0x194: {  	v15 =	vld [tilespmem:s12+$0x20];
	[tilespmem:s24+$0xFFFFFFE0] =	vst v17  }
.Ltmp7:
0x195: {  	v10 =	vld [tilespmem:s12+$0x30];
	(erf) = vpow2.f32 v12;
	[tilespmem:s24+$0x10] =	vst v24;
	(pc) =	sbr.rel @p1 .LBB2_14-.Ltmp7, $4  }
0x196: {  	v11 =	vld [tilespmem:s12+$0x40];
	[tilespmem:s24+$0x20] =	vst v25  }
0x197: {  	v12 =	vld [tilespmem:s12+$0x50];
	[tilespmem:s24+$0x30] =	vst v27  }
0x198: {  	v17 =	vld [tilespmem:s12+$0x70];
	[tilespmem:s24+$0x40] =	vst v22  }
0x199: {  	s12 =	sadd.s32 $0x120, s12;
	v13 =	vld [tilespmem:s1+$0x60];
	[tilespmem:s24+$0x50] =	vst v23  }
0x19a: {  	_ =	sdelay $0x1  }
0x19b: {  	[tilespmem:s24+$0x60] =	vst v18;
	v61 =	vpop (erf)  }
0x19c: {  	[tilespmem:s24+$0xFFFFFFF0] =	vst v8;
	v62 =	vmul.f32 v17, v61  }
0x19d: {  	[tilespmem:s1+$0x80] =	vst v61;
	v16 =	vmul.f32 v61, v16  }
0x19e: {  	v63 =	vpop (erf);
	[tilespmem:s1+$0x70] =	vst v62  }
0x19f: {  	v9 =	vmul.f32 v63, v9;
	[tilespmem:s1+$0x0] =	vst v16  }
0x1a0: {  	v1 =	vmul.f32 v63, v1;
	[tilespmem:s1+$0xFFFFFFF0] =	vst v63  }
0x1a1: {  	v2 =	vmul.f32 v2, v63;
	[tilespmem:s1+$0xFFFFFF70] =	vst v9  }
0x1a2: {  	v3 =	vmul.f32 v3, v63;
	[tilespmem:s1+$0xFFFFFF80] =	vst v1  }
0x1a3: {  	v1 =	vmul.f32 v4, v63;
	[tilespmem:s1+$0xFFFFFF90] =	vst v2  }
0x1a4: {  	v2 =	vmul.f32 v5, v63;
	[tilespmem:s1+$0xFFFFFFA0] =	vst v3  }
0x1a5: {  	v3 =	vmul.f32 v6, v63;
	[tilespmem:s1+$0xFFFFFFB0] =	vst v1  }
0x1a6: {  	v1 =	vmul.f32 v7, v63;
	[tilespmem:s1+$0xFFFFFFC0] =	vst v2  }
0x1a7: {  	v2 =	vmul.f32 v61, v14;
	[tilespmem:s1+$0xFFFFFFD0] =	vst v3  }
0x1a8: {  	v3 =	vmul.f32 v15, v61;
	[tilespmem:s1+$0xFFFFFFE0] =	vst v1  }
0x1a9: {  	v1 =	vmul.f32 v10, v61;
	[tilespmem:s1+$0x10] =	vst v2  }
0x1aa: {  	v2 =	vmul.f32 v11, v61;
	[tilespmem:s1+$0x20] =	vst v3  }
0x1ab: {  	v3 =	vmul.f32 v12, v61;
	[tilespmem:s1+$0x30] =	vst v1  }
0x1ac: {  	v1 =	vmul.f32 v13, v61;
	[tilespmem:s1+$0x40] =	vst v2  }
0x1ad: {  	[tilespmem:s1+$0x50] =	vst v3  }
0x1ae: {  	[tilespmem:s1+$0x60] =	vst v1  }
0x1af: {  	[spmem:s2] =	stream.indirect.scatter.add.f32 [tilespmem:s19], [sflag:$0x4], $0x90, s25, s15, $0xb8;
	[tilespmem:$0x1F630] =	vst v63  }
0x1b0: {  	_ =	swait.ge [sflag:s23], $0x1680  }
.Ltmp8:
0x1b1: {  	s0 =	stileid.u32;
	[sflag:s23] =	ssyncset.done $0x0;
	(pc) =	sbr.rel @!p0 .LBB2_17-.Ltmp8, $4  }
0x1b2: {  	s31 =	sshrl.u32 s10, $0x3;
	s0 =	sshll.u32 s0, $0x6;
	[sflag:s23] =	ssyncadd.s32 $0xFFFFE980  }
0x1b3: {  	s12 =	sadd.s32 $0x16800, s10;
	s0 =	sor.u32 $0x1C05, s0;
	[bflag:$0x0] =	sbarrier.arrive $0xFFFF  }
0x1b4: {  	[hbm:s11], [sflag:s0] =	dma.local [spmem:s31], $0x2D0  }
0x1b5: {  	s24 =	smov.u32 s11;
	s1 =	sadd.s32 $0xFFFFFFFF, s8;
	_ =	swait.ge [sflag:s13], $0x2D0  }
.LBB2_16:
0x1b6: {  	[sflag:s13] =	ssyncset.done $0x0;
	s24 =	sadd.s32 $0x2D00, s24;
	p0 =	sne.s32 s1, $0x1  }
.Ltmp9:
0x1b7: {  	s26 =	sshrl.u32 s12, $0x3;
	[sflag:s13] =	ssyncadd.s32 $0xFFFFFD30;
	(pc) =	sbr.rel @p0 .LBB2_16-.Ltmp9, $3  }
0x1b8: {  	[hbm:s24], [sflag:s0] =	dma.local [spmem:s26], $0x2D0  }
0x1b9: {  	s1 =	sadd.s32 $0xFFFFFFFF, s1;
	_ =	sdelay $0x1  }
0x1ba: {  	s12 =	sadd.s32 $0x16800, s12;
	_ =	swait.ge [sflag:s13], $0x2D0  }
.LBB2_17:
0x1bb: {  	s28 =	sadd.s32 $0x1, s28  }
0x1bc: {  	p0 =	sne.s32 s28, s9  }
.Ltmp10:
0x1bd: {  	_ = 	snop;
	(pc) =	sbr.rel @p0 .LBB2_1-.Ltmp10, $3  }
0x1be: {  	_ =	sdelay $0x1  }
0x1bf: {  	[sflag:s13] =	ssyncset.done $0x0  }
0x1c0: {  	s12 =	simm.s32 $0x4880;
	[sflag:s13] =	ssyncadd.s32 $0xFFFFFD30  }
0x1c1: {  	_ =	sfence.sel $0x180000  }
0x1c2: {  	[bflag:$0x0] =	sbarrier.arrive $0xFFFF  }
0x1c3: {  	_ =	strace $0x90000047  }
0x1c4: {  	s0 =	stileid.u32;
	[bflag:$0x2] =	sbarrier.arrive $0xFFFF  }
0x1c5: {  	p0 =	sne.s32 s0, $0x0;
	s0 =	rddreg [dreg:$0x3]  }
0x1c6: {  	s0 =	sadd.s32 @!p0 $0x100000, s0  }
0x1c7: {  	[sflag:s0] =	ssyncadd.tile.s32 @!p0 $0x1;
	_ =	shalt  }
.Lfunc_end2:
_tile_overlayer_lowered:
.L_overlay_start_2:
0x1c8: {  	(tag) =	ssettag $0x2  }
0x1c9: {  	s0 =	rddreg [dreg:$0x0];
	s2 =	stileid.u32  }
0x1ca: {  	s1 =	rddreg [dreg:$0x1];
	p0 =	sne.s32 s2, $0x0  }
0x1cb: {  	s3 =	rddreg [dreg:$0x2];
	[bflag:$0x3] =	sbarrier.arrive $0xFFFF;
	s2 =	simm.s32 @!p0 $0x1C05  }
0x1cc: {  	[timem:s3], [sflag:s2] =	dma.local @!p0 [hbm:s0], s1  }
0x1cd: {  	s0 =	simm.s32 @!p0 $0x5  }
0x1ce: {  	_ =	swait.ge @!p0 [sflag:s0], s1  }
0x1cf: {  	s1 =	ssub.s32 @!p0 $0x0, s1;
	[sflag:s0] =	ssyncset.done @!p0 $0x0  }
0x1d0: {  	[sflag:s0] =	ssyncadd.s32 @!p0 s1  }
0x1d1: {  	[bflag:$0x3] =	sbarrier.arrive $0xFFFF  }
0x1d2: {  	_ =	shalt  }

// kernel: kernel.9.cloned.1.call-start
scs
__scs_entry_jumppad:
0x0: {  	(pc) =	sbr.rel $0x88, $3  }
0x1: {  	(tag) =	ssettag $0x0;
	lr =	simm.s32 $0x1  }
0x2: {  	[smem:$0x3F94] =	sst lr;
	_ =	strace $0xD0000000  }
0x3: {  	_ = 	snop  }
0x4: {  	_ = 	snop  }
0x5: {  	_ = 	snop  }
0x6: {  	_ = 	snop  }
0x7: {  	_ = 	snop  }
__scs_overlays_trampoline_lowered:
0x8: {  	[smem:$0x3FA3] =	sst s0  }
0x9: {  	[smem:$0x3FA4] =	sst s1  }
0xa: {  	[smem:$0x3FA5] =	sst s2  }
0xb: {  	[smem:$0x3FA6] =	sst s3  }
0xc: {  	[smem:$0x3FA7] =	sst s4  }
0xd: {  	[smem:$0x3FA8] =	sst s5  }
0xe: {  	[smem:$0x3FA9] =	sst s6  }
0xf: {  	[smem:$0x3FAA] =	sst s7  }
0x10: {  	[smem:$0x3FAB] =	sst s8  }
0x11: {  	[smem:$0x3FAC] =	sst s9;
	s0 =	simm.s32 @!p0 $0x0  }
0x12: {  	s1 =	sld [smem:$0x3F92];
	s0 =	simm.s32 @p0 $0x1  }
0x13: {  	[smem:$0x3FAD] =	sst s0;
	s0 =	simm.s32 @!p1 $0x0  }
0x14: {  	s2 =	sld [smem:$0x3F91];
	s0 =	simm.s32 @p1 $0x1  }
0x15: {  	[smem:$0x3FAE] =	sst s0;
	s0 =	simm.s32 @!p2 $0x0  }
0x16: {  	s3 =	sld [smem:$0x3FDB];
	s0 =	simm.s32 @p2 $0x1  }
0x17: {  	s4 =	simm.s32 $0x1BF5;
	[smem:$0x3FB0] =	sst s0  }
0x18: {  	s0 =	sld [smem:$0x3F93];
	_ =	swait.ge [sflag:s4], $0x0  }
0x19: {  	s7 =	sld [smem:$0x3F94]  }
0x1a: {  	s8 =	sadd.s32 $0xFFFFE003, lr  }
0x1b: {  	s9 =	sadd.s32 $0xFFFFFEF7, lr;
	s5 =	simm.s32 $0xFFFFFFFF;
	p2 =	slt.u32 s8, $0xFFFFF086  }
0x1c: {  	p1 =	slt.u32 s9, $0xF7A;
	s5 =	simm.s32 @!p2 $0x0  }
0x1d: {  	s5 =	simm.s32 @p1 $0x1;
	p0 =	seq.s32 s7, s2  }
0x1e: {  	s7 =	smul.u32 @!p0 $0xF7A, s2;
	p2 =	seq.s32 @!p0 s5, $0x0  }
0x1f: {  	s9 =	smul.u32 $0xF7A, s1;
	s8 =	simm.s32 @!p0 $0x1BF5;
	p2 =	por !p2, p0  }
0x20: {  	[sflag:s8] =	ssyncset.s32 @!p0 $0xFFFFF086;
	s6 =	sadd.s32 @!p0 s3, s7;
	s7 =	simm.s32 @!p0 $0x108  }
0x21: {  	s3 =	sadd.s32 s3, s9;
	s6 =	sadd.s32 @!p0 $0x88, s6;
	s7 =	simm.s32 @p2 $0x1082  }
0x22: {  	[simem:s7], [sflag:s8] =	dma.local @!p0 [hbm:s6], $0xF7A  }
0x23: {  	s9 =	sor.u32 $0xD0000000, s2;
	s6 =	simm.s32 $0x108;
	_ =	swait.ge @!p0 [sflag:s8], $0x0  }
0x24: {  	s3 =	sadd.s32 $0x88, s3;
	s6 =	simm.s32 @!p1 $0x1082;
	[sflag:s4] =	ssyncset.s32 $0xFFFFF086  }
0x25: {  	[simem:s6], [sflag:s4] =	dma.local [hbm:s3], $0xF7A  }
0x26: {  	[smem:$0x3F94] =	sst s1;
	(tag) =	ssettag s2;
	_ =	strace s9  }
0x27: {  	s1 =	sld [smem:$0x3FA4]  }
0x28: {  	s2 =	sld [smem:$0x3FA5]  }
0x29: {  	s4 =	sld [smem:$0x3FA7]  }
0x2a: {  	p0 =	seq.s32 s5, $0x0;
	s5 =	sld [smem:$0x3FA8]  }
0x2b: {  	s6 =	sld [smem:$0x3FA9]  }
0x2c: {  	s7 =	sld [smem:$0x3FAA]  }
0x2d: {  	s3 =	simm.s32 $0x108;
	s8 =	sld [smem:$0x3FAB]  }
0x2e: {  	s3 =	simm.s32 @!p0 $0x1082;
	s9 =	sld [smem:$0x3FAC]  }
0x2f: {  	lr =	sadd.s32 s0, s3;
	s0 =	sld [smem:$0x3FA3]  }
0x30: {  	s3 =	sld [smem:$0x3FA6]  }
0x31: {  	[smem:$0x3FAF] =	sst s10  }
0x32: {  	s10 =	sld [smem:$0x3FAD];
	_ =	sdelay $0x3  }
0x33: {  	p0 =	seq.s32 s10, $0x1;
	s10 =	sld [smem:$0x3FAF];
	_ =	sdelay $0x3  }
0x34: {  	[smem:$0x3FAF] =	sst s10  }
0x35: {  	s10 =	sld [smem:$0x3FAE];
	_ =	sdelay $0x3  }
0x36: {  	p1 =	seq.s32 s10, $0x1;
	s10 =	sld [smem:$0x3FAF];
	_ =	sdelay $0x3  }
0x37: {  	[smem:$0x3FAF] =	sst s10  }
0x38: {  	s10 =	sld [smem:$0x3FB0]  }
0x39: {  	_ = 	snop;
	(pc) =	sbr.ind lr, $3  }
0x3a: {  	_ = 	snop  }
0x3b: {  	_ = 	snop  }
0x3c: {  	p2 =	seq.s32 s10, $0x1;
	s10 =	sld [smem:$0x3FAF]  }
0x3d: {  	_ =	shalt  }
0x3e: {  	_ =	shalt  }
0x3f: {  	_ =	shalt  }
0x40: {  	_ =	shalt  }
0x41: {  	_ =	shalt  }
0x42: {  	_ =	shalt  }
0x43: {  	_ =	shalt  }
0x44: {  	_ =	shalt  }
0x45: {  	_ =	shalt  }
0x46: {  	_ =	shalt  }
0x47: {  	_ =	shalt  }
0x48: {  	_ =	shalt  }
0x49: {  	_ =	shalt  }
0x4a: {  	_ =	shalt  }
0x4b: {  	_ =	shalt  }
0x4c: {  	_ =	shalt  }
0x4d: {  	_ =	shalt  }
0x4e: {  	_ =	shalt  }
0x4f: {  	_ =	shalt  }
0x50: {  	_ =	shalt  }
0x51: {  	_ =	shalt  }
0x52: {  	_ =	shalt  }
0x53: {  	_ =	shalt  }
0x54: {  	_ =	shalt  }
0x55: {  	_ =	shalt  }
0x56: {  	_ =	shalt  }
0x57: {  	_ =	shalt  }
0x58: {  	_ =	shalt  }
0x59: {  	_ =	shalt  }
0x5a: {  	_ =	shalt  }
0x5b: {  	_ =	shalt  }
0x5c: {  	_ =	shalt  }
0x5d: {  	_ =	shalt  }
0x5e: {  	_ =	shalt  }
0x5f: {  	_ =	shalt  }
0x60: {  	_ =	shalt  }
0x61: {  	_ =	shalt  }
0x62: {  	_ =	shalt  }
0x63: {  	_ =	shalt  }
0x64: {  	_ =	shalt  }
0x65: {  	_ =	shalt  }
0x66: {  	_ =	shalt  }
0x67: {  	_ =	shalt  }
0x68: {  	_ =	shalt  }
0x69: {  	_ =	shalt  }
0x6a: {  	_ =	shalt  }
0x6b: {  	_ =	shalt  }
0x6c: {  	_ =	shalt  }
0x6d: {  	_ =	shalt  }
0x6e: {  	_ =	shalt  }
0x6f: {  	_ =	shalt  }
0x70: {  	_ =	shalt  }
0x71: {  	_ =	shalt  }
0x72: {  	_ =	shalt  }
0x73: {  	_ =	shalt  }
0x74: {  	_ =	shalt  }
0x75: {  	_ =	shalt  }
0x76: {  	_ =	shalt  }
0x77: {  	_ =	shalt  }
0x78: {  	_ =	shalt  }
0x79: {  	_ =	shalt  }
0x7a: {  	_ =	shalt  }
0x7b: {  	_ =	shalt  }
0x7c: {  	_ =	shalt  }
0x7d: {  	_ =	shalt  }
0x7e: {  	_ =	shalt  }
0x7f: {  	_ =	shalt  }
0x80: {  	_ =	shalt  }
0x81: {  	_ =	shalt  }
0x82: {  	_ =	shalt  }
0x83: {  	_ =	shalt  }
0x84: {  	_ =	shalt  }
0x85: {  	_ =	shalt  }
0x86: {  	_ =	shalt  }
0x87: {  	_ =	shalt  }
.Lfunc_end0:
.L_simem_size_0:
called_computation.1_lowered:
.L_overlay_start_0:
0x88: {  	s2 =	sld [smem:$0x3FD9]  }
0x89: {  	s3 =	sld [smem:$0x3FFE];
	_ =	sdelay $0x1  }
0x8a: {  	s1 =	srdreg.scid  }
0x8b: {  	s0 =	sand.u32 $0x1, s1  }
0x8c: {  	s17 =	sshll.u32 s0, $0xA;
	s2 =	sadd.s32 s3, s2  }
0x8d: {  	s2 =	sadd.s32 s2, s17  }
0x8e: {  	[smem:$0x3FBB] =	sst s2  }
0x8f: {  	_ = 	snop  }
0x90: {  	s18 =	sld [smem:$0x3FD0];
	(tm) =	ssettm $0x1  }
0x91: {  	s19 =	sld [smem:$0x3FFB];
	_ =	sdelay $0x3  }
0x92: {  	_ =	strace s19  }
0x93: {  	s2 =	sld [smem:$0x3FFC];
	_ =	sdelay $0x3  }
0x94: {  	_ =	strace s2  }
0x95: {  	s2 =	sld [smem:$0x3FFD];
	_ =	sdelay $0x3  }
0x96: {  	_ =	strace s2  }
0x97: {  	_ =	strace $0x8FFFFFFF  }
0x98: {  	s20 =	sld [smem:$0x3FDB];
	_ =	sdelay $0x1  }
0x99: {  	s4 =	simm.s32 $_scs_section_size  }
0x9a: {  	s5 =	simm.s32 $_size__tile_overlayer_lowered;
	s6 =	simm.s32 $_tile_overlayer_lowered  }
0x9b: {  	s7 =	simm.s32 $0x1BFF;
	s21 =	sshll.u32 s6, $0x1;
	s4 =	sadd.s32 s4, s20  }
0x9c: {  	s22 =	simm.s32 $0x0;
	s5 =	sshll.u32 s5, $0x1;
	s6 =	sadd.s32 s21, s4  }
0x9d: {  	[timem:s22], [sflag:s7] =	dma.local [hbm:s6], s5  }
0x9e: {  	_ =	swait.ge [sflag:s7], s5  }
0x9f: {  	s5 =	ssub.s32 $0x0, s5;
	[sflag:s7] =	ssyncset.done $0x0  }
0xa0: {  	[sflag:s7] =	ssyncadd.s32 s5;
	_ =	sdelay $0x1  }
0xa1: {  	s23 =	simm.s32 $0x1B8B  }
0xa2: {  	_ =	swait.ge [sflag:s23], $0x1  }
0xa3: {  	[sflag:s23] =	ssyncset.done $0x0  }
0xa4: {  	[sflag:s23] =	ssyncadd.s32 $0xFFFFFFFF  }
0xa5: {  	s5 =	sld [smem:$0x0]  }
0xa6: {  	s6 =	sand.u32 $0xFFFFFFFE, s1  }
0xa7: {  	p0 =	sne.s32 s1, s6  }
0xa8: {  	s6 =	sshll.u32 @p0 s6, $0xE  }
0xa9: {  	s6 =	sadd.s32 @p0 $0x11B8D, s6;
	s7 =	sshll.u32 @p0 s5, $0x11  }
0xaa: {  	s6 =	sor.u32 @p0 s7, s6  }
0xab: {  	[sflag:s6] =	ssyncadd.remote.s32 @p0 $0x1;
	_ =	sdelay $0x1  }
0xac: {  	s6 =	simm.s32 @p0 $0x1B8D  }
0xad: {  	_ =	swait.eq @p0 [sflag:s6], $0x1  }
0xae: {  	[sflag:s6] =	ssyncadd.s32 @p0 $0xFFFFFFFF  }
0xaf: {  	s7 =	sshll.u32 @!p0 s1, $0xE  }
0xb0: {  	s7 =	sor.u32 @!p0 $0x4000, s7;
	s6 =	simm.s32 @!p0 $0x1B8D  }
0xb1: {  	s5 =	sshll.u32 @!p0 s5, $0x11;
	s7 =	sadd.s32 @!p0 $0x11B8D, s7;
	_ =	swait.eq @!p0 [sflag:s6], $0x1  }
0xb2: {  	s5 =	sor.u32 @!p0 s5, s7;
	[sflag:s6] =	ssyncadd.s32 @!p0 $0xFFFFFFFF  }
0xb3: {  	s25 =	simm.s32 $0x1B8E;
	s24 =	sld [smem:$0x3FFE];
	[sflag:s5] =	ssyncadd.remote.s32 @!p0 $0x1  }
0xb4: {  	s26 =	simm.s32 $execute0_lowered;
	[smem:$0x3FD2] =	sst s25  }
0xb5: {  	s6 =	sshll.u32 s26, $0x1;
	_ =	strace $0x80000049;
	[dreg:$0x1] =	wrdreg $0xFFFFFFFF  }
0xb6: {  	s28 =	simm.s32 $_size_execute0_lowered;
	s4 =	sadd.s32 s4, s6;
	[dreg:$0x0] =	wrdreg $0x0  }
0xb7: {  	s6 =	sshll.u32 s28, $0x1;
	[dreg:$0x2] =	wrdreg s4  }
0xb8: {  	[dreg:$0x3] =	wrdreg s6  }
0xb9: {  	[dreg:$0x4] =	wrdreg $0xC0  }
0xba: {  	_ =	task [dreg:s22], $0x5FFFF  }
0xbb: {  	[dreg:$0x1] =	wrdreg $0xFFFFFFFF  }
0xbc: {  	[dreg:$0x0] =	wrdreg $0x60  }
0xbd: {  	[dreg:$0x2] =	wrdreg s24  }
0xbe: {  	[dreg:$0x3] =	wrdreg s18  }
0xbf: {  	[dreg:$0x4] =	wrdreg $0x91A00  }
0xc0: {  	[dreg:$0x5] =	wrdreg $0xA  }
0xc1: {  	_ =	task.clear_ibuf [dreg:s22], $0x6FFFF;
	_ =	strace $0x90000049  }
0xc2: {  	s29 =	simm.s32 $0xA;
	_ =	strace $0x8000004B  }
0xc3: {  	_ =	swait.ge [sflag:s29], $0x1  }
0xc4: {  	[sflag:s29] =	ssyncadd.s32 $0xFFFFFFFF  }
0xc5: {  	_ =	strace $0x9000004B  }
0xc6: {  	_ =	sfence  }
0xc7: {  	s30 =	sld [smem:$0x0];
	_ =	sdelay $0x2  }
0xc8: {  	s31 =	sshll.u32 s1, $0xD;
	s1 =	sshrl.u32 s1, $0x2  }
0xc9: {  	s4 =	sand.u32 $0x4000, s31;
	s1 =	sadd.s32 s1, s30  }
0xca: {  	s0 =	sor.u32 s4, s0;
	s1 =	sshll.u32 s1, $0x11  }
0xcb: {  	s0 =	sor.u32 s1, s0  }
0xcc: {  	s0 =	sadd.s32 $0x8F2B, s0  }
0xcd: {  	[sflag:s0] =	ssyncadd.remote.s32 $0x1  }
0xce: {  	_ =	sfence.sel $0xFFFF  }
0xcf: {  	[dreg:$0x0] =	wrdreg $0xFFFFFFFF;
	(pc) =	sbr.abs _section_cstart, $3  }
0xd0: {  	[dreg:$0x1] =	wrdreg $0xFFFFFFFF  }
0xd1: {  	_ =	task.clear_ibuf [dreg:s22], $0x2FFFF;
	_ =	strace $0x9FFFFFFF  }
0xd2: {  	(tm) =	ssettm $0x7FFFFFFF  }
0xd3: {  	_ =	shalt  }
tec
execute0_lowered:
.L_overlay_start_1:
0x0: {  	(tag) =	ssettag $0x1  }
0x1: {  	s0 =	rddreg [dreg:$0x0]  }
0x2: {  	s6 =	rddreg [dreg:$0x1]  }
0x3: {  	s1 =	rddreg [dreg:$0x2];
	s2 =	srdreg.scid;
	s3 =	simm.s32 $0x0  }
0x4: {  	s26 =	stileid.u32;
	s13 =	simm.s32 $0x6A90;
	s14 =	simm.s32 $0x28  }
0x5: {  	s15 =	simm.s32 $0x1680;
	s16 =	simm.s32 $0x1;
	s17 =	simm.s32 $0x43A8  }
0x6: {  	s18 =	simm.s32 $0x2D00;
	s19 =	simm.s32 $0x2;
	s20 =	simm.s32 $0x3  }
0x7: {  	s21 =	simm.s32 $0x43D0;
	s22 =	simm.s32 $0x6AB8;
	s23 =	simm.s32 $0x4  }
0x8: {  	s24 =	simm.s32 $0x6A68;
	s25 =	simm.s32 $0x9150;
	s8 =	smul.u32 $0x1680, s26  }
0x9: {  	s28 =	simm.s32 $0x0;
	s5 =	sand.u32 $0x1, s2;
	s29 =	smul.u32 $0x28, s26  }
0xa: {  	[smem:$0x7FF] =	sst s3;
	s12 =	smul.u32 $0x5A00, s26;
	s4 =	sshll.u32 s5, $0x4  }
0xb: {  	s7 =	smul.u32 $0x15F900, s5;
	_ =	strace $0x8000004A;
	s5 =	ssub.s32 $0x2, s5  }
0xc: {  	s4 =	sor.u32 s26, s4;
	s11 =	sshrl.u32 s5, $0x1;
	s31 =	sshrl.u32 s12, $0x2  }
0xd: {  	s12 =	simm.s32 $0x5;
	s26 =	simm.s32 $0x9178;
	s9 =	smul.u32 $0x4E2, s4  }
0xe: {  	s4 =	sadd.s32 $0x2600, s0;
	s7 =	sadd.s32 s8, s7;
	s8 =	ssub.s32 $0x2988, s29  }
0xf: {  	s11 =	ssub.s32 s5, s11;
	s7 =	sshrl.u32 s7, $0x3;
	s30 =	smul.u32 $0xCCD, s8  }
0x10: {  	s8 =	smax.u32 s11, $0x1;
	s11 =	simm.s32 $0x4380;
	s10 =	sadd.s32 s9, s0  }
0x11: {  	s0 =	sadd.s32 s7, s0;
	s6 =	sadd.s32 s6, s9;
	s9 =	sadd.s32 s31, s1  }
0x12: {  	v0 =	vimm.f32 $0.0e+00;
	s5 =	sadd.s32 $0x81800, s10;
	s7 =	sshrl.u32 s30, $0x15;
	s0 =	sadd.s32 $0xE3600, s0  }
.LBB2_1:
0x13: {  	s29 =	simm.s32 $0x80;
	s30 =	simm.s32 $0x440  }
.LBB2_2:
0x14: {  	p0 =	sne.s32 s30, $0x59C0;
	[tilespmem:s29+$0x0] =	vst v0  }
0x15: {  	[tilespmem:s29+$0xFFFFFF80] =	vst v0  }
0x16: {  	[tilespmem:s29+$0xFFFFFF90] =	vst v0  }
0x17: {  	[tilespmem:s29+$0xFFFFFFA0] =	vst v0  }
.Ltmp0:
0x18: {  	[tilespmem:s29+$0xFFFFFFB0] =	vst v0;
	(pc) =	sbr.rel @p0 .LBB2_2-.Ltmp0, $4  }
0x19: {  	[tilespmem:s29+$0xFFFFFFC0] =	vst v0  }
0x1a: {  	[tilespmem:s29+$0xFFFFFFD0] =	vst v0  }
0x1b: {  	[tilespmem:s29+$0xFFFFFFE0] =	vst v0  }
0x1c: {  	[tilespmem:s29+$0xFFFFFFF0] =	vst v0;
	s29 =	sshra.s32 s30, $0x2;
	s30 =	sadd.s32 $0x240, s30  }
0x1d: {  	[tilespmem:s29+$0x0] =	vst v0  }
0x1e: {  	[tilespmem:s29+$0xFFFFFF80] =	vst v0  }
0x1f: {  	[tilespmem:s29+$0xFFFFFF90] =	vst v0  }
0x20: {  	[tilespmem:s29+$0xFFFFFFA0] =	vst v0  }
0x21: {  	[tilespmem:s29+$0xFFFFFFB0] =	vst v0  }
0x22: {  	[tilespmem:s29+$0xFFFFFFC0] =	vst v0  }
0x23: {  	[tilespmem:s29+$0xFFFFFFD0] =	vst v0  }
0x24: {  	[tilespmem:s29+$0xFFFFFFE0] =	vst v0  }
0x25: {  	[tilespmem:s29+$0xFFFFFFF0] =	vst v0  }
0x26: {  	[tilespmem:s11], [sflag:$0x5] =	stream.linear.gather [hbm4b:s5+s3], $0x2710, $0x38;
	[tilespmem:$0x1F130] =	vst v63  }
0x27: {  	_ =	swait.ge [sflag:s12], $0x2710  }
0x28: {  	[sflag:s12] =	ssyncset.done $0x0  }
0x29: {  	[sflag:s12] =	ssyncadd.s32 $0xFFFFD8F0  }
0x2a: {  	[tilespmem:s13], [sflag:$0x5] =	stream.linear.gather [hbm4b:s6+s3], $0x2710, $0x38;
	[tilespmem:$0x1F130] =	vst v63  }
0x2b: {  	p0 =	sne.s32 s7, $0x1;
	_ =	swait.ge [sflag:s12], $0x2710  }
.Ltmp1:
0x2c: {  	[sflag:s12] =	ssyncset.done $0x0;
	(pc) =	sbr.rel @!p0 .LBB2_5-.Ltmp1, $4  }
0x2d: {  	[sflag:s12] =	ssyncadd.s32 $0xFFFFD8F0  }
0x2e: {  	[spmem:s9] =	stream.linear.scatter [tilespmem:s3], [sflag:$0x5], $0x1680, $0x38;
	[tilespmem:$0x1F130] =	vst v63  }
0x2f: {  	_ =	swait.ge [sflag:s12], $0x1680  }
0x30: {  	s29 =	sadd.s32 $0xFFFFFFFF, s7;
	s10 =	smov.u32 s9;
	[sflag:s12] =	ssyncset.done $0x0  }
.LBB2_4:
0x31: {  	p1 =	sne.s32 s29, $0x1;
	[sflag:s12] =	ssyncadd.s32 $0xFFFFE980;
	s10 =	sadd.s32 $0x16800, s10  }
.Ltmp2:
0x32: {  	s29 =	sadd.s32 $0xFFFFFFFF, s29;
	(pc) =	sbr.rel @p1 .LBB2_4-.Ltmp2, $4  }
0x33: {  	_ = 	snop  }
0x34: {  	[spmem:s10] =	stream.linear.scatter [tilespmem:s3], [sflag:$0x5], $0x1680, $0x38;
	[tilespmem:$0x1F130] =	vst v63  }
0x35: {  	_ =	swait.ge [sflag:s12], $0x1680  }
0x36: {  	[sflag:s12] =	ssyncset.done $0x0  }
.LBB2_5:
0x37: {  	[sflag:s12] =	ssyncadd.s32 $0xFFFFE980  }
0x38: {  	[bflag:$0x0] =	sbarrier.arrive $0xFFFF  }
0x39: {  	[tilespmem:s15], [sflag:$0x1] =	stream.indirect.gather [hbm4b:s4+s14], $0x90, s11, s14, $0xb8;
	[tilespmem:$0x1F130] =	vst v63  }
0x3a: {  	_ =	swait.ge [sflag:s16], $0x1680  }
0x3b: {  	[sflag:s16] =	ssyncset.done $0x0  }
0x3c: {  	[sflag:s16] =	ssyncadd.s32 $0xFFFFE980  }
0x3d: {  	[tilespmem:s18], [sflag:$0x2] =	stream.indirect.gather [hbm4b:s4+s14], $0x90, s17, s14, $0xb8;
	[tilespmem:$0x1F130] =	vst v63  }
0x3e: {  	_ = 	snop  }
0x3f: {  	[spmem:s1] =	stream.indirect.scatter.add.f32 [tilespmem:s15], [sflag:$0x3], $0x90, s13, s14, $0xb8;
	[tilespmem:$0x1F130] =	vst v63  }
0x40: {  	_ =	swait.ge [sflag:s19], $0x1680  }
0x41: {  	[sflag:s19] =	ssyncset.done $0x0  }
0x42: {  	[sflag:s19] =	ssyncadd.s32 $0xFFFFE980  }
0x43: {  	_ =	swait.ge [sflag:s20], $0x1680  }
0x44: {  	[sflag:s20] =	ssyncset.done $0x0  }
0x45: {  	[sflag:s20] =	ssyncadd.s32 $0xFFFFE980  }
0x46: {  	[tilespmem:s15], [sflag:$0x1] =	stream.indirect.gather [hbm4b:s4+s14], $0x90, s21, s14, $0xb8;
	[tilespmem:$0x1F130] =	vst v63  }
0x47: {  	_ = 	snop  }
0x48: {  	[spmem:s1] =	stream.indirect.scatter.add.f32 [tilespmem:s18], [sflag:$0x4], $0x90, s22, s14, $0xb8;
	[tilespmem:$0x1F130] =	vst v63  }
0x49: {  	_ =	swait.ge [sflag:s16], $0x1680  }
0x4a: {  	[sflag:s16] =	ssyncset.done $0x0  }
0x4b: {  	[sflag:s16] =	ssyncadd.s32 $0xFFFFE980  }
0x4c: {  	_ =	swait.ge [sflag:s23], $0x1680  }
0x4d: {  	[sflag:s23] =	ssyncset.done $0x0  }
0x4e: {  	s10 =	simm.s32 $0x43F8;
	[sflag:s23] =	ssyncadd.s32 $0xFFFFE980  }
0x4f: {  	[tilespmem:s18], [sflag:$0x2] =	stream.indirect.gather [hbm4b:s4+s14], $0x90, s10, s14, $0xb8;
	[tilespmem:$0x1F130] =	vst v63  }
0x50: {  	s30 =	simm.s32 $0x6AE0  }
0x51: {  	[spmem:s1] =	stream.indirect.scatter.add.f32 [tilespmem:s15], [sflag:$0x3], $0x90, s30, s14, $0xb8;
	[tilespmem:$0x1F130] =	vst v63  }
0x52: {  	_ =	swait.ge [sflag:s19], $0x1680  }
0x53: {  	[sflag:s19] =	ssyncset.done $0x0  }
0x54: {  	[sflag:s19] =	ssyncadd.s32 $0xFFFFE980  }
0x55: {  	_ =	swait.ge [sflag:s20], $0x1680  }
0x56: {  	s31 =	simm.s32 $0x4420;
	[sflag:s20] =	ssyncset.done $0x0  }
0x57: {  	s29 =	simm.s32 $0xFFFF6780;
	s10 =	simm.s32 $0x6B08;
	[sflag:s20] =	ssyncadd.s32 $0xFFFFE980  }
0x58: {  	[tilespmem:s15], [sflag:$0x1] =	stream.indirect.gather [hbm4b:s4+s14], $0x90, s31, s14, $0xb8;
	[tilespmem:$0x1F130] =	vst v63  }
.LBB2_6:
0x59: {  	[spmem:s1] =	stream.indirect.scatter.add.f32 [tilespmem:s18], [sflag:$0x4], $0x90, s10, s14, $0xb8;
	[tilespmem:$0x1F130] =	vst v63  }
0x5a: {  	s10 =	smov.u32 s29  }
0x5b: {  	p1 =	sne.s32 s29, $0xFFFFFEC0;
	s29 =	sadd.s32 $0x140, s29;
	_ =	swait.ge [sflag:s16], $0x1680  }
0x5c: {  	[sflag:s16] =	ssyncset.done $0x0  }
0x5d: {  	[sflag:s16] =	ssyncadd.s32 $0xFFFFE980  }
0x5e: {  	_ =	swait.ge [sflag:s23], $0x1680  }
0x5f: {  	s10 =	sshra.s32 s10, $0x2;
	[sflag:s23] =	ssyncset.done $0x0  }
0x60: {  	s30 =	sadd.s32 $0x6A68, s10;
	[sflag:s23] =	ssyncadd.s32 $0xFFFFE980  }
0x61: {  	[tilespmem:s18], [sflag:$0x2] =	stream.indirect.gather [hbm4b:s4+s14], $0x90, s30, s14, $0xb8;
	[tilespmem:$0x1F130] =	vst v63  }
0x62: {  	s30 =	sadd.s32 $0x9150, s10  }
0x63: {  	[spmem:s1] =	stream.indirect.scatter.add.f32 [tilespmem:s15], [sflag:$0x3], $0x90, s30, s14, $0xb8;
	[tilespmem:$0x1F130] =	vst v63  }
0x64: {  	_ =	swait.ge [sflag:s19], $0x1680  }
0x65: {  	[sflag:s19] =	ssyncset.done $0x0  }
0x66: {  	[sflag:s19] =	ssyncadd.s32 $0xFFFFE980  }
.Ltmp3:
0x67: {  	_ =	swait.ge [sflag:s20], $0x1680;
	(pc) =	sbr.rel @p1 .LBB2_6-.Ltmp3, $4  }
0x68: {  	[sflag:s20] =	ssyncset.done $0x0  }
0x69: {  	s30 =	sadd.s32 $0x6A90, s10;
	[sflag:s20] =	ssyncadd.s32 $0xFFFFE980  }
0x6a: {  	[tilespmem:s15], [sflag:$0x1] =	stream.indirect.gather [hbm4b:s4+s14], $0x90, s30, s14, $0xb8;
	[tilespmem:$0x1F130] =	vst v63  }
0x6b: {  	s10 =	sadd.s32 $0x9178, s10  }
0x6c: {  	[spmem:s1] =	stream.indirect.scatter.add.f32 [tilespmem:s18], [sflag:$0x4], $0x90, s10, s14, $0xb8;
	[tilespmem:$0x1F130] =	vst v63  }
0x6d: {  	_ =	swait.ge [sflag:s16], $0x1680  }
0x6e: {  	[sflag:s16] =	ssyncset.done $0x0  }
0x6f: {  	[sflag:s16] =	ssyncadd.s32 $0xFFFFE980  }
0x70: {  	_ =	swait.ge [sflag:s23], $0x1680  }
0x71: {  	[sflag:s23] =	ssyncset.done $0x0  }
0x72: {  	[sflag:s23] =	ssyncadd.s32 $0xFFFFE980  }
0x73: {  	[tilespmem:s18], [sflag:$0x2] =	stream.indirect.gather [hbm4b:s4+s14], $0x90, s24, s14, $0xb8;
	[tilespmem:$0x1F130] =	vst v63  }
0x74: {  	_ = 	snop  }
0x75: {  	[spmem:s1] =	stream.indirect.scatter.add.f32 [tilespmem:s15], [sflag:$0x3], $0x90, s25, s14, $0xb8;
	[tilespmem:$0x1F130] =	vst v63  }
0x76: {  	_ =	swait.ge [sflag:s19], $0x1680  }
0x77: {  	[sflag:s19] =	ssyncset.done $0x0  }
0x78: {  	[sflag:s19] =	ssyncadd.s32 $0xFFFFE980  }
0x79: {  	_ =	swait.ge [sflag:s20], $0x1680  }
0x7a: {  	[sflag:s20] =	ssyncset.done $0x0  }
0x7b: {  	[sflag:s20] =	ssyncadd.s32 $0xFFFFE980  }
0x7c: {  	[spmem:s1] =	stream.indirect.scatter.add.f32 [tilespmem:s18], [sflag:$0x4], $0x90, s26, s14, $0xb8;
	[tilespmem:$0x1F130] =	vst v63  }
0x7d: {  	_ =	swait.ge [sflag:s23], $0x1680  }
.Ltmp4:
0x7e: {  	s2 =	stileid.u32;
	[sflag:s23] =	ssyncset.done $0x0;
	(pc) =	sbr.rel @!p0 .LBB2_9-.Ltmp4, $4  }
0x7f: {  	s30 =	sadd.s32 $0xFFFFFFFF, s7;
	s2 =	sshll.u32 s2, $0x6;
	[sflag:s23] =	ssyncadd.s32 $0xFFFFE980  }
0x80: {  	s29 =	sor.u32 $0x1C05, s2;
	s2 =	sshrl.u32 s9, $0x3;
	[bflag:$0x0] =	sbarrier.arrive $0xFFFF  }
0x81: {  	[hbm:s0], [sflag:s29] =	dma.local [spmem:s2], $0x2D0  }
0x82: {  	s31 =	sadd.s32 $0x16800, s9;
	s10 =	smov.u32 s0;
	_ =	swait.ge [sflag:s12], $0x2D0  }
.LBB2_8:
0x83: {  	[sflag:s12] =	ssyncset.done $0x0;
	s10 =	sadd.s32 $0x2D00, s10;
	p0 =	sne.s32 s30, $0x1  }
.Ltmp5:
0x84: {  	s2 =	sshrl.u32 s31, $0x3;
	[sflag:s12] =	ssyncadd.s32 $0xFFFFFD30;
	(pc) =	sbr.rel @p0 .LBB2_8-.Ltmp5, $3  }
0x85: {  	[hbm:s10], [sflag:s29] =	dma.local [spmem:s2], $0x2D0  }
0x86: {  	s30 =	sadd.s32 $0xFFFFFFFF, s30;
	_ =	sdelay $0x1  }
0x87: {  	s31 =	sadd.s32 $0x16800, s31;
	_ =	swait.ge [sflag:s12], $0x2D0  }
.LBB2_9:
0x88: {  	s28 =	sadd.s32 $0x1, s28  }
0x89: {  	p0 =	sne.s32 s28, s8  }
.Ltmp6:
0x8a: {  	_ = 	snop;
	(pc) =	sbr.rel @p0 .LBB2_1-.Ltmp6, $3  }
0x8b: {  	_ =	sdelay $0x1  }
0x8c: {  	[sflag:s12] =	ssyncset.done $0x0  }
0x8d: {  	[sflag:s12] =	ssyncadd.s32 $0xFFFFFD30  }
0x8e: {  	_ =	sfence.sel $0x180000  }
0x8f: {  	[bflag:$0x0] =	sbarrier.arrive $0xFFFF  }
0x90: {  	_ =	strace $0x9000004A  }
0x91: {  	s0 =	stileid.u32;
	[bflag:$0x2] =	sbarrier.arrive $0xFFFF  }
0x92: {  	p0 =	sne.s32 s0, $0x0;
	s0 =	rddreg [dreg:$0x3]  }
0x93: {  	s0 =	sadd.s32 @!p0 $0x100000, s0  }
0x94: {  	[sflag:s0] =	ssyncadd.tile.s32 @!p0 $0x1;
	_ =	shalt  }
.Lfunc_end2:
_tile_overlayer_lowered:
.L_overlay_start_2:
0x95: {  	(tag) =	ssettag $0x2  }
0x96: {  	s0 =	rddreg [dreg:$0x0];
	s2 =	stileid.u32  }
0x97: {  	s1 =	rddreg [dreg:$0x1];
	p0 =	sne.s32 s2, $0x0  }
0x98: {  	s3 =	rddreg [dreg:$0x2];
	[bflag:$0x3] =	sbarrier.arrive $0xFFFF;
	s2 =	simm.s32 @!p0 $0x1C05  }
0x99: {  	[timem:s3], [sflag:s2] =	dma.local @!p0 [hbm:s0], s1  }
0x9a: {  	s0 =	simm.s32 @!p0 $0x5  }
0x9b: {  	_ =	swait.ge @!p0 [sflag:s0], s1  }
0x9c: {  	s1 =	ssub.s32 @!p0 $0x0, s1;
	[sflag:s0] =	ssyncset.done @!p0 $0x0  }
0x9d: {  	[sflag:s0] =	ssyncadd.s32 @!p0 s1  }
0x9e: {  	[bflag:$0x3] =	sbarrier.arrive $0xFFFF  }
0x9f: {  	_ =	shalt  }

</sc_bundles>
